<compile_context>
chip_gen: v7x
topology: tpu7x:2x2x1
jax: 0.10.2.dev20260603
libtpu: 0.0.44.dev20260713+nightly
codegen_flags: <defaults>
</compile_context>

<pallas_src>
import functools

import jax
import jax.numpy as jnp
from jax import lax
from jax.experimental import pallas as pl
from jax.experimental.pallas import tpu as pltpu
from jax.experimental.pallas import tpu_sc as plsc

B = 16384
E = 8
V = 1000000
GROUP = 16
NG = V // GROUP

_NC, _NS = 2, 16
_NW = _NC * _NS
_BPW = B // _NW
_CHUNK = 128
_NCHUNK = _BPW // _CHUNK
_NUNIT = 4 * _NCHUNK

_RBLK = 8192
_RGRID = -(-V // _RBLK)


def _relayout_body(x0, x1, x2, x3, y0, y1, y2, y3):
    eye = jnp.eye(E, dtype=jnp.float32)
    for x, y in ((x0, y0), (x1, y1), (x2, y2), (x3, y3)):
        z = jax.lax.dot_general(x[...], eye, (((0,), (0,)), ((), ())),
                                preferred_element_type=jnp.float32)
        z3 = z.reshape(_RBLK // GROUP, GROUP, E)
        y[...] = jnp.concatenate([z3[:, a, :] for a in range(GROUP)], axis=1)


def _relayout(t0, t1, t2, t3):
    xspec = pl.BlockSpec((E, _RBLK), lambda i: (0, i))
    yspec = pl.BlockSpec((_RBLK // GROUP, GROUP * E), lambda i: (i, 0))
    return pl.pallas_call(
        _relayout_body,
        grid=(_RGRID,),
        in_specs=[xspec] * 4,
        out_specs=[yspec] * 4,
        out_shape=[jax.ShapeDtypeStruct((NG, GROUP * E), jnp.float32)] * 4,
    )(t0, t1, t2, t3)


def _gather_body(u_hbm, it_hbm, t0, t1, t2, t3,
                 o0, o1, o2, o3,
                 idx_u, idx_i, gidx_u, gidx_i, gb0, gb1,
                 rf0, rf1, rf2, rf3, sem0, sem1):
    wid = lax.axis_index("s") * _NC + lax.axis_index("c")
    base = wid * _BPW
    pltpu.sync_copy(u_hbm.at[pl.ds(base, _BPW)], idx_u)
    pltpu.sync_copy(it_hbm.at[pl.ds(base, _BPW)], idx_i)
    for i in range(_BPW // 16):
        sl = pl.ds(i * 16, 16)
        gidx_u[sl] = jax.lax.shift_right_logical(idx_u[sl], 4)
        gidx_i[sl] = jax.lax.shift_right_logical(idx_i[sl], 4)

    tbls = [(t0, gidx_u, idx_u, rf0), (t1, gidx_i, idx_i, rf1),
            (t2, gidx_u, idx_u, rf2), (t3, gidx_i, idx_i, rf3)]
    gbufs = [gb0, gb1]
    sems = [sem0, sem1]

    def issue(n):
        t, j = n // _NCHUNK, n % _NCHUNK
        tbl, gidx, _, _ = tbls[t]
        return pltpu.async_copy(tbl.at[gidx.at[pl.ds(j * _CHUNK, _CHUNK)]],
                                gbufs[n % 2], sems[n % 2])

    lanes = jax.lax.iota(jnp.int32, 16)
    sub = jax.lax.shift_right_logical(lanes, 3)
    k = jnp.bitwise_and(lanes, 7)

    def extract(n):
        t, j = n // _NCHUNK, n % _NCHUNK
        _, _, idx, rf = tbls[t]
        gbuf = gbufs[n % 2]

        def body(p, carry):
            gs = j * _CHUNK + 2 * p
            rowv = 2 * p + sub
            uv = plsc.load_gather(idx, [gs + sub])
            colv = jax.lax.shift_left(jnp.bitwise_and(uv, 15), 3) + k
            val = plsc.load_gather(gbuf, [rowv, colv])
            rf[pl.ds(gs * E, 16)] = val
            return carry

        lax.fori_loop(0, _CHUNK // 2, body, 0)

    copies = [issue(0), issue(1)]
    for n in range(_NUNIT):
        copies[n].wait()
        extract(n)
        if n + 2 < _NUNIT:
            copies.append(issue(n + 2))

    dst = pl.ds(base * E, _BPW * E)
    pltpu.sync_copy(rf0, o0.at[dst])
    pltpu.sync_copy(rf1, o1.at[dst])
    pltpu.sync_copy(rf2, o2.at[dst])
    pltpu.sync_copy(rf3, o3.at[dst])


_gather = functools.partial(
    pl.kernel,
    out_type=[jax.ShapeDtypeStruct((B * E,), jnp.float32)] * 4,
    mesh=plsc.VectorSubcoreMesh(core_axis_name="c", subcore_axis_name="s"),
    scratch_types=[
        pltpu.VMEM((_BPW,), jnp.int32),
        pltpu.VMEM((_BPW,), jnp.int32),
        pltpu.VMEM((_BPW,), jnp.int32),
        pltpu.VMEM((_BPW,), jnp.int32),
        pltpu.VMEM((_CHUNK, 128), jnp.float32),
        pltpu.VMEM((_CHUNK, 128), jnp.float32),
        pltpu.VMEM((_BPW * E,), jnp.float32),
        pltpu.VMEM((_BPW * E,), jnp.float32),
        pltpu.VMEM((_BPW * E,), jnp.float32),
        pltpu.VMEM((_BPW * E,), jnp.float32),
        pltpu.SemaphoreType.DMA,
        pltpu.SemaphoreType.DMA,
    ],
    compiler_params=pltpu.CompilerParams(needs_layout_passes=False,
                                         use_tc_tiling_on_sc=True),
)(_gather_body)


_BLK = 2048


def _mlp_body(mu_ref, mi_ref, fu_ref, fi_ref,
              w1_ref, b1_ref, w2_ref, b2_ref, w3_ref, b3_ref,
              w4_ref, b4_ref, wc_ref, bc_ref, o_ref):
    e = jnp.concatenate([mu_ref[...], mi_ref[...]], axis=1)
    h = jnp.maximum(
        jnp.dot(e, w1_ref[...], preferred_element_type=jnp.float32) + b1_ref[...], 0.0)
    h = jnp.maximum(
        jnp.dot(h, w2_ref[...], preferred_element_type=jnp.float32) + b2_ref[...], 0.0)
    h = jnp.maximum(
        jnp.dot(h, w3_ref[...], preferred_element_type=jnp.float32) + b3_ref[...], 0.0)
    mlp_v = jnp.dot(h, w4_ref[...], preferred_element_type=jnp.float32) + b4_ref[...]
    mf_v = fu_ref[...] * fi_ref[...]
    vec = jnp.concatenate([mf_v, mlp_v], axis=1)
    logit = jnp.dot(vec, wc_ref[...], preferred_element_type=jnp.float32) + bc_ref[...]
    o_ref[...] = jax.nn.sigmoid(logit)


def _full2d(shape):
    return pl.BlockSpec(shape, lambda i: (0, 0))


def kernel(inputs, mf_user, mf_item, mlp_user, mlp_item,
           W1, b1, W2, b2, W3, b3, W4, b4, Wc, bc):
    u = inputs[:, 0]
    it = inputs[:, 1]
    x0, x1, x2, x3 = _relayout(mlp_user.T, mlp_item.T, mf_user.T, mf_item.T)
    g0, g1, g2, g3 = _gather(u, it, x0, x1, x2, x3)
    mu, mi, fu, fi = (g.reshape(B, E) for g in (g0, g1, g2, g3))
    blk = pl.BlockSpec((_BLK, E), lambda i: (i, 0))
    out = pl.pallas_call(
        _mlp_body,
        grid=(B // _BLK,),
        in_specs=[
            blk, blk, blk, blk,
            _full2d((2 * E, 64)), _full2d((1, 64)),
            _full2d((64, 32)), _full2d((1, 32)),
            _full2d((32, 2 * E)), _full2d((1, 2 * E)),
            _full2d((2 * E, E)), _full2d((1, E)),
            _full2d((2 * E, 1)), _full2d((1, 1)),
        ],
        out_specs=pl.BlockSpec((_BLK, 1), lambda i: (i, 0)),
        out_shape=jax.ShapeDtypeStruct((B, 1), jnp.float32),
    )(mu, mi, fu, fi, W1, b1.reshape(1, -1), W2, b2.reshape(1, -1),
      W3, b3.reshape(1, -1), W4, b4.reshape(1, -1),
      Wc, bc.reshape(1, -1))
    return out

# --- scband reference (transcript-rebuilt; emitter-appended) ---
"""Pipeline reference for scband-neural-cf-46961172414565 (READ-ONLY COPY).

The authoritative reference and input builder live on the scoring server;
editing this copy changes nothing except your own understanding.
"""

import jax, jax.numpy as jnp
import numpy as np

NUM_USER = 1000000
NUM_ITEM = 1000000
E = 8
B = 16384
LAYERS = [16, 64, 32, 16]


def setup_inputs(seed: int = 0) -> dict:
    key = jax.random.key(seed)
    ks = jax.random.split(key, 16)
    inputs = jax.random.randint(ks[0], (B, 2), 0, NUM_USER, dtype=jnp.int64 if jax.config.jax_enable_x64 else jnp.int32)
    mf_user = jax.random.normal(ks[1], (NUM_USER, E), dtype=jnp.float32) * 0.05
    mf_item = jax.random.normal(ks[2], (NUM_ITEM, E), dtype=jnp.float32) * 0.05
    mlp_user = jax.random.normal(ks[3], (NUM_USER, E), dtype=jnp.float32) * 0.05
    mlp_item = jax.random.normal(ks[4], (NUM_ITEM, E), dtype=jnp.float32) * 0.05
    W1 = jax.random.normal(ks[5], (LAYERS[0], LAYERS[1]), dtype=jnp.float32) * 0.1
    b1 = jnp.zeros((LAYERS[1],), dtype=jnp.float32)
    W2 = jax.random.normal(ks[6], (LAYERS[1], LAYERS[2]), dtype=jnp.float32) * 0.1
    b2 = jnp.zeros((LAYERS[2],), dtype=jnp.float32)
    W3 = jax.random.normal(ks[7], (LAYERS[2], LAYERS[3]), dtype=jnp.float32) * 0.1
    b3 = jnp.zeros((LAYERS[3],), dtype=jnp.float32)
    W4 = jax.random.normal(ks[8], (LAYERS[3], E), dtype=jnp.float32) * 0.1
    b4 = jnp.zeros((E,), dtype=jnp.float32)
    Wc = jax.random.normal(ks[9], (2 * E, 1), dtype=jnp.float32) * 0.1
    bc = jnp.zeros((1,), dtype=jnp.float32)
    return {"inputs": inputs, "mf_user": mf_user, "mf_item": mf_item,
            "mlp_user": mlp_user, "mlp_item": mlp_item,
            "W1": W1, "b1": b1, "W2": W2, "b2": b2, "W3": W3, "b3": b3,
            "W4": W4, "b4": b4, "Wc": Wc, "bc": bc}


def reference(inputs, mf_user, mf_item, mlp_user, mlp_item,
              W1, b1, W2, b2, W3, b3, W4, b4, Wc, bc):
    u = inputs[:, 0]
    it = inputs[:, 1]
    mf_u = jnp.take(mf_user, u, axis=0)
    mf_i = jnp.take(mf_item, it, axis=0)
    mlp_u = jnp.take(mlp_user, u, axis=0)
    mlp_i = jnp.take(mlp_item, it, axis=0)
    mf_v = mf_u * mf_i
    mlp_e = jnp.concatenate([mlp_u, mlp_i], axis=-1)
    h = jax.nn.relu(mlp_e @ W1 + b1)
    h = jax.nn.relu(h @ W2 + b2)
    h = jax.nn.relu(h @ W3 + b3)
    mlp_v = h @ W4 + b4
    vector = jnp.concatenate([mf_v, mlp_v], axis=-1)
    result = jax.nn.sigmoid(vector @ Wc + bc)
    return result

if __name__ == "__main__":
    import jax
    _d = setup_inputs()
    print(jax.jit(kernel)(*tuple(_d.values())))

</pallas_src>

<mosaic_0001>
#map = affine_map<(d0, d1) -> (0)>
#map1 = affine_map<(d0, d1) -> (0, 0)>
module attributes {stable_mosaic.version = 14 : i64} {
  func.func @_gather_body(%arg0: i32, %arg1: i32, %arg2: memref<16384xi32, #tpu.memory_space<hbm>>, %arg3: memref<16384xi32, #tpu.memory_space<hbm>>, %arg4: memref<62500x128xf32, #tpu.memory_space<hbm>>, %arg5: memref<62500x128xf32, #tpu.memory_space<hbm>>, %arg6: memref<62500x128xf32, #tpu.memory_space<hbm>>, %arg7: memref<62500x128xf32, #tpu.memory_space<hbm>>, %arg8: memref<131072xf32, #tpu.memory_space<hbm>>, %arg9: memref<131072xf32, #tpu.memory_space<hbm>>, %arg10: memref<131072xf32, #tpu.memory_space<hbm>>, %arg11: memref<131072xf32, #tpu.memory_space<hbm>>, %arg12: memref<512xi32, #tpu.memory_space<vmem>>, %arg13: memref<512xi32, #tpu.memory_space<vmem>>, %arg14: memref<512xi32, #tpu.memory_space<vmem>>, %arg15: memref<512xi32, #tpu.memory_space<vmem>>, %arg16: memref<128x128xf32, #tpu.memory_space<vmem>>, %arg17: memref<128x128xf32, #tpu.memory_space<vmem>>, %arg18: memref<4096xf32, #tpu.memory_space<vmem>>, %arg19: memref<4096xf32, #tpu.memory_space<vmem>>, %arg20: memref<4096xf32, #tpu.memory_space<vmem>>, %arg21: memref<4096xf32, #tpu.memory_space<vmem>>, %arg22: memref<!tpu.dma_semaphore, #tpu.memory_space<semaphore_mem>>, %arg23: memref<!tpu.dma_semaphore, #tpu.memory_space<semaphore_mem>>) attributes {dimension_semantics = [#tpu.dimension_semantics<core_parallel>, #tpu.dimension_semantics<subcore_parallel>], iteration_bounds = array<i64: 2, 16>, scalar_prefetch = 0 : i64, scratch_operands = 12 : i64, tpu.core_type = #tpu.core_type<sc_vector_subcore>, window_params = [{transform_indices = #map}, {transform_indices = #map}, {transform_indices = #map1}, {transform_indices = #map1}, {transform_indices = #map1}, {transform_indices = #map1}, {transform_indices = #map}, {transform_indices = #map}, {transform_indices = #map}, {transform_indices = #map}]} {
    %mul3A = arith.constant 2 : i32
    %mul3A_0 = arith.muli %arg1, %mul3A : i32
    %add3A = arith.addi %mul3A_0, %arg0 : i32
    %mul3A_1 = arith.constant 512 : i32
    %mul3A_2 = arith.muli %add3A, %mul3A_1 : i32
    "tpu.region"() ({
      %run_scoped3A = tpu.sem_alloc : memref<!tpu.dma_semaphore, #tpu.memory_space<semaphore_mem>>
      %dma_start3A_708 = tpu.memref_slice %arg2[%mul3A_2] : memref<16384xi32, #tpu.memory_space<hbm>> -> memref<512xi32, #tpu.memory_space<hbm>>
      %dma_start3A_709 = tpu.memref_slice %arg2[%mul3A_2] : memref<16384xi32, #tpu.memory_space<hbm>> -> memref<512xi32, #tpu.memory_space<hbm>>
      tpu.enqueue_dma source(%dma_start3A_709 : memref<512xi32, #tpu.memory_space<hbm>>) target(%arg12 : memref<512xi32, #tpu.memory_space<vmem>>) target_semaphore(%run_scoped3A : memref<!tpu.dma_semaphore, #tpu.memory_space<semaphore_mem>>)
      %dma_wait3A_710 = tpu.memref_slice %arg2[%mul3A_2] : memref<16384xi32, #tpu.memory_space<hbm>> -> memref<512xi32, #tpu.memory_space<hbm>>
      %dma_wait3A_711 = tpu.memref_slice %arg2[%mul3A_2] : memref<16384xi32, #tpu.memory_space<hbm>> -> memref<512xi32, #tpu.memory_space<hbm>>
      tpu.wait_dma2 semaphore(%run_scoped3A : memref<!tpu.dma_semaphore, #tpu.memory_space<semaphore_mem>>) src(%dma_wait3A_711 : memref<512xi32, #tpu.memory_space<hbm>>) dst(%arg12 : memref<512xi32, #tpu.memory_space<vmem>>)
      tpu.yield
    }) : () -> ()
    "tpu.region"() ({
      %run_scoped3A = tpu.sem_alloc : memref<!tpu.dma_semaphore, #tpu.memory_space<semaphore_mem>>
      %dma_start3A_708 = tpu.memref_slice %arg3[%mul3A_2] : memref<16384xi32, #tpu.memory_space<hbm>> -> memref<512xi32, #tpu.memory_space<hbm>>
      %dma_start3A_709 = tpu.memref_slice %arg3[%mul3A_2] : memref<16384xi32, #tpu.memory_space<hbm>> -> memref<512xi32, #tpu.memory_space<hbm>>
      tpu.enqueue_dma source(%dma_start3A_709 : memref<512xi32, #tpu.memory_space<hbm>>) target(%arg13 : memref<512xi32, #tpu.memory_space<vmem>>) target_semaphore(%run_scoped3A : memref<!tpu.dma_semaphore, #tpu.memory_space<semaphore_mem>>)
      %dma_wait3A_710 = tpu.memref_slice %arg3[%mul3A_2] : memref<16384xi32, #tpu.memory_space<hbm>> -> memref<512xi32, #tpu.memory_space<hbm>>
      %dma_wait3A_711 = tpu.memref_slice %arg3[%mul3A_2] : memref<16384xi32, #tpu.memory_space<hbm>> -> memref<512xi32, #tpu.memory_space<hbm>>
      tpu.wait_dma2 semaphore(%run_scoped3A : memref<!tpu.dma_semaphore, #tpu.memory_space<semaphore_mem>>) src(%dma_wait3A_711 : memref<512xi32, #tpu.memory_space<hbm>>) dst(%arg13 : memref<512xi32, #tpu.memory_space<vmem>>)
      tpu.yield
    }) : () -> ()
    %get3A = arith.constant 0 : index
    %get3A_3 = tpu.vector_load %arg12[%get3A] {strides = array<i32>} : memref<512xi32, #tpu.memory_space<vmem>>, vector<16xi32>,
    %shift_right_logical3A = arith.constant 4 : i32
    %shift_right_logical3A_4 = vector.broadcast %shift_right_logical3A : i32 to vector<16xi32>
    %shift_right_logical3A_5 = arith.shrui %get3A_3, %shift_right_logical3A_4 : vector<16xi32>
    %swap3A = arith.constant 0 : index
    %swap3A_6 = tpu.vector_load %arg14[%swap3A] {strides = array<i32>} : memref<512xi32, #tpu.memory_space<vmem>>, vector<16xi32>,
    tpu.vector_store %arg14[%swap3A], %shift_right_logical3A_5 {strides = array<i32>} : memref<512xi32, #tpu.memory_space<vmem>>, vector<16xi32>,
    %get3A_7 = arith.constant 0 : index
    %get3A_8 = tpu.vector_load %arg13[%get3A_7] {strides = array<i32>} : memref<512xi32, #tpu.memory_space<vmem>>, vector<16xi32>,
    %shift_right_logical3A_9 = arith.constant 4 : i32
    %shift_right_logical3A_10 = vector.broadcast %shift_right_logical3A_9 : i32 to vector<16xi32>
    %shift_right_logical3A_11 = arith.shrui %get3A_8, %shift_right_logical3A_10 : vector<16xi32>
    %swap3A_12 = arith.constant 0 : index
    %swap3A_13 = tpu.vector_load %arg15[%swap3A_12] {strides = array<i32>} : memref<512xi32, #tpu.memory_space<vmem>>, vector<16xi32>,
    tpu.vector_store %arg15[%swap3A_12], %shift_right_logical3A_11 {strides = array<i32>} : memref<512xi32, #tpu.memory_space<vmem>>, vector<16xi32>,
    %get3A_14 = arith.constant 16 : index
    %get3A_15 = tpu.vector_load %arg12[%get3A_14] {strides = array<i32>} : memref<512xi32, #tpu.memory_space<vmem>>, vector<16xi32>,
    %shift_right_logical3A_16 = arith.constant 4 : i32
    %shift_right_logical3A_17 = vector.broadcast %shift_right_logical3A_16 : i32 to vector<16xi32>
    %shift_right_logical3A_18 = arith.shrui %get3A_15, %shift_right_logical3A_17 : vector<16xi32>
    %swap3A_19 = arith.constant 16 : index
    %swap3A_20 = tpu.vector_load %arg14[%swap3A_19] {strides = array<i32>} : memref<512xi32, #tpu.memory_space<vmem>>, vector<16xi32>,
    tpu.vector_store %arg14[%swap3A_19], %shift_right_logical3A_18 {strides = array<i32>} : memref<512xi32, #tpu.memory_space<vmem>>, vector<16xi32>,
    %get3A_21 = arith.constant 16 : index
    %get3A_22 = tpu.vector_load %arg13[%get3A_21] {strides = array<i32>} : memref<512xi32, #tpu.memory_space<vmem>>, vector<16xi32>,
    %shift_right_logical3A_23 = arith.constant 4 : i32
    %shift_right_logical3A_24 = vector.broadcast %shift_right_logical3A_23 : i32 to vector<16xi32>
    %shift_right_logical3A_25 = arith.shrui %get3A_22, %shift_right_logical3A_24 : vector<16xi32>
    %swap3A_26 = arith.constant 16 : index
    %swap3A_27 = tpu.vector_load %arg15[%swap3A_26] {strides = array<i32>} : memref<512xi32, #tpu.memory_space<vmem>>, vector<16xi32>,
    tpu.vector_store %arg15[%swap3A_26], %shift_right_logical3A_25 {strides = array<i32>} : memref<512xi32, #tpu.memory_space<vmem>>, vector<16xi32>,
    %get3A_28 = arith.constant 32 : index
    %get3A_29 = tpu.vector_load %arg12[%get3A_28] {strides = array<i32>} : memref<512xi32, #tpu.memory_space<vmem>>, vector<16xi32>,
    %shift_right_logical3A_30 = arith.constant 4 : i32
    %shift_right_logical3A_31 = vector.broadcast %shift_right_logical3A_30 : i32 to vector<16xi32>
    %shift_right_logical3A_32 = arith.shrui %get3A_29, %shift_right_logical3A_31 : vector<16xi32>
    %swap3A_33 = arith.constant 32 : index
    %swap3A_34 = tpu.vector_load %arg14[%swap3A_33] {strides = array<i32>} : memref<512xi32, #tpu.memory_space<vmem>>, vector<16xi32>,
    tpu.vector_store %arg14[%swap3A_33], %shift_right_logical3A_32 {strides = array<i32>} : memref<512xi32, #tpu.memory_space<vmem>>, vector<16xi32>,
    %get3A_35 = arith.constant 32 : index
    %get3A_36 = tpu.vector_load %arg13[%get3A_35] {strides = array<i32>} : memref<512xi32, #tpu.memory_space<vmem>>, vector<16xi32>,
    %shift_right_logical3A_37 = arith.constant 4 : i32
    %shift_right_logical3A_38 = vector.broadcast %shift_right_logical3A_37 : i32 to vector<16xi32>
    %shift_right_logical3A_39 = arith.shrui %get3A_36, %shift_right_logical3A_38 : vector<16xi32>
    %swap3A_40 = arith.constant 32 : index
    %swap3A_41 = tpu.vector_load %arg15[%swap3A_40] {strides = array<i32>} : memref<512xi32, #tpu.memory_space<vmem>>, vector<16xi32>,
    tpu.vector_store %arg15[%swap3A_40], %shift_right_logical3A_39 {strides = array<i32>} : memref<512xi32, #tpu.memory_space<vmem>>, vector<16xi32>,
    %get3A_42 = arith.constant 48 : index
    %get3A_43 = tpu.vector_load %arg12[%get3A_42] {strides = array<i32>} : memref<512xi32, #tpu.memory_space<vmem>>, vector<16xi32>,
    %shift_right_logical3A_44 = arith.constant 4 : i32
    %shift_right_logical3A_45 = vector.broadcast %shift_right_logical3A_44 : i32 to vector<16xi32>
    %shift_right_logical3A_46 = arith.shrui %get3A_43, %shift_right_logical3A_45 : vector<16xi32>
    %swap3A_47 = arith.constant 48 : index
    %swap3A_48 = tpu.vector_load %arg14[%swap3A_47] {strides = array<i32>} : memref<512xi32, #tpu.memory_space<vmem>>, vector<16xi32>,
    tpu.vector_store %arg14[%swap3A_47], %shift_right_logical3A_46 {strides = array<i32>} : memref<512xi32, #tpu.memory_space<vmem>>, vector<16xi32>,
    %get3A_49 = arith.constant 48 : index
    %get3A_50 = tpu.vector_load %arg13[%get3A_49] {strides = array<i32>} : memref<512xi32, #tpu.memory_space<vmem>>, vector<16xi32>,
    %shift_right_logical3A_51 = arith.constant 4 : i32
    %shift_right_logical3A_52 = vector.broadcast %shift_right_logical3A_51 : i32 to vector<16xi32>
    %shift_right_logical3A_53 = arith.shrui %get3A_50, %shift_right_logical3A_52 : vector<16xi32>
    %swap3A_54 = arith.constant 48 : index
    %swap3A_55 = tpu.vector_load %arg15[%swap3A_54] {strides = array<i32>} : memref<512xi32, #tpu.memory_space<vmem>>, vector<16xi32>,
    tpu.vector_store %arg15[%swap3A_54], %shift_right_logical3A_53 {strides = array<i32>} : memref<512xi32, #tpu.memory_space<vmem>>, vector<16xi32>,
    %get3A_56 = arith.constant 64 : index
    %get3A_57 = tpu.vector_load %arg12[%get3A_56] {strides = array<i32>} : memref<512xi32, #tpu.memory_space<vmem>>, vector<16xi32>,
    %shift_right_logical3A_58 = arith.constant 4 : i32
    %shift_right_logical3A_59 = vector.broadcast %shift_right_logical3A_58 : i32 to vector<16xi32>
    %shift_right_logical3A_60 = arith.shrui %get3A_57, %shift_right_logical3A_59 : vector<16xi32>
    %swap3A_61 = arith.constant 64 : index
    %swap3A_62 = tpu.vector_load %arg14[%swap3A_61] {strides = array<i32>} : memref<512xi32, #tpu.memory_space<vmem>>, vector<16xi32>,
    tpu.vector_store %arg14[%swap3A_61], %shift_right_logical3A_60 {strides = array<i32>} : memref<512xi32, #tpu.memory_space<vmem>>, vector<16xi32>,
    %get3A_63 = arith.constant 64 : index
    %get3A_64 = tpu.vector_load %arg13[%get3A_63] {strides = array<i32>} : memref<512xi32, #tpu.memory_space<vmem>>, vector<16xi32>,
    %shift_right_logical3A_65 = arith.constant 4 : i32
    %shift_right_logical3A_66 = vector.broadcast %shift_right_logical3A_65 : i32 to vector<16xi32>
    %shift_right_logical3A_67 = arith.shrui %get3A_64, %shift_right_logical3A_66 : vector<16xi32>
    %swap3A_68 = arith.constant 64 : index
    %swap3A_69 = tpu.vector_load %arg15[%swap3A_68] {strides = array<i32>} : memref<512xi32, #tpu.memory_space<vmem>>, vector<16xi32>,
    tpu.vector_store %arg15[%swap3A_68], %shift_right_logical3A_67 {strides = array<i32>} : memref<512xi32, #tpu.memory_space<vmem>>, vector<16xi32>,
    %get3A_70 = arith.constant 80 : index
    %get3A_71 = tpu.vector_load %arg12[%get3A_70] {strides = array<i32>} : memref<512xi32, #tpu.memory_space<vmem>>, vector<16xi32>,
    %shift_right_logical3A_72 = arith.constant 4 : i32
    %shift_right_logical3A_73 = vector.broadcast %shift_right_logical3A_72 : i32 to vector<16xi32>
    %shift_right_logical3A_74 = arith.shrui %get3A_71, %shift_right_logical3A_73 : vector<16xi32>
    %swap3A_75 = arith.constant 80 : index
    %swap3A_76 = tpu.vector_load %arg14[%swap3A_75] {strides = array<i32>} : memref<512xi32, #tpu.memory_space<vmem>>, vector<16xi32>,
    tpu.vector_store %arg14[%swap3A_75], %shift_right_logical3A_74 {strides = array<i32>} : memref<512xi32, #tpu.memory_space<vmem>>, vector<16xi32>,
    %get3A_77 = arith.constant 80 : index
    %get3A_78 = tpu.vector_load %arg13[%get3A_77] {strides = array<i32>} : memref<512xi32, #tpu.memory_space<vmem>>, vector<16xi32>,
    %shift_right_logical3A_79 = arith.constant 4 : i32
    %shift_right_logical3A_80 = vector.broadcast %shift_right_logical3A_79 : i32 to vector<16xi32>
    %shift_right_logical3A_81 = arith.shrui %get3A_78, %shift_right_logical3A_80 : vector<16xi32>
    %swap3A_82 = arith.constant 80 : index
    %swap3A_83 = tpu.vector_load %arg15[%swap3A_82] {strides = array<i32>} : memref<512xi32, #tpu.memory_space<vmem>>, vector<16xi32>,
    tpu.vector_store %arg15[%swap3A_82], %shift_right_logical3A_81 {strides = array<i32>} : memref<512xi32, #tpu.memory_space<vmem>>, vector<16xi32>,
    %get3A_84 = arith.constant 96 : index
    %get3A_85 = tpu.vector_load %arg12[%get3A_84] {strides = array<i32>} : memref<512xi32, #tpu.memory_space<vmem>>, vector<16xi32>,
    %shift_right_logical3A_86 = arith.constant 4 : i32
    %shift_right_logical3A_87 = vector.broadcast %shift_right_logical3A_86 : i32 to vector<16xi32>
    %shift_right_logical3A_88 = arith.shrui %get3A_85, %shift_right_logical3A_87 : vector<16xi32>
    %swap3A_89 = arith.constant 96 : index
    %swap3A_90 = tpu.vector_load %arg14[%swap3A_89] {strides = array<i32>} : memref<512xi32, #tpu.memory_space<vmem>>, vector<16xi32>,
    tpu.vector_store %arg14[%swap3A_89], %shift_right_logical3A_88 {strides = array<i32>} : memref<512xi32, #tpu.memory_space<vmem>>, vector<16xi32>,
    %get3A_91 = arith.constant 96 : index
    %get3A_92 = tpu.vector_load %arg13[%get3A_91] {strides = array<i32>} : memref<512xi32, #tpu.memory_space<vmem>>, vector<16xi32>,
    %shift_right_logical3A_93 = arith.constant 4 : i32
    %shift_right_logical3A_94 = vector.broadcast %shift_right_logical3A_93 : i32 to vector<16xi32>
    %shift_right_logical3A_95 = arith.shrui %get3A_92, %shift_right_logical3A_94 : vector<16xi32>
    %swap3A_96 = arith.constant 96 : index
    %swap3A_97 = tpu.vector_load %arg15[%swap3A_96] {strides = array<i32>} : memref<512xi32, #tpu.memory_space<vmem>>, vector<16xi32>,
    tpu.vector_store %arg15[%swap3A_96], %shift_right_logical3A_95 {strides = array<i32>} : memref<512xi32, #tpu.memory_space<vmem>>, vector<16xi32>,
    %get3A_98 = arith.constant 112 : index
    %get3A_99 = tpu.vector_load %arg12[%get3A_98] {strides = array<i32>} : memref<512xi32, #tpu.memory_space<vmem>>, vector<16xi32>,
    %shift_right_logical3A_100 = arith.constant 4 : i32
    %shift_right_logical3A_101 = vector.broadcast %shift_right_logical3A_100 : i32 to vector<16xi32>
    %shift_right_logical3A_102 = arith.shrui %get3A_99, %shift_right_logical3A_101 : vector<16xi32>
    %swap3A_103 = arith.constant 112 : index
    %swap3A_104 = tpu.vector_load %arg14[%swap3A_103] {strides = array<i32>} : memref<512xi32, #tpu.memory_space<vmem>>, vector<16xi32>,
    tpu.vector_store %arg14[%swap3A_103], %shift_right_logical3A_102 {strides = array<i32>} : memref<512xi32, #tpu.memory_space<vmem>>, vector<16xi32>,
    %get3A_105 = arith.constant 112 : index
    %get3A_106 = tpu.vector_load %arg13[%get3A_105] {strides = array<i32>} : memref<512xi32, #tpu.memory_space<vmem>>, vector<16xi32>,
    %shift_right_logical3A_107 = arith.constant 4 : i32
    %shift_right_logical3A_108 = vector.broadcast %shift_right_logical3A_107 : i32 to vector<16xi32>
    %shift_right_logical3A_109 = arith.shrui %get3A_106, %shift_right_logical3A_108 : vector<16xi32>
    %swap3A_110 = arith.constant 112 : index
    %swap3A_111 = tpu.vector_load %arg15[%swap3A_110] {strides = array<i32>} : memref<512xi32, #tpu.memory_space<vmem>>, vector<16xi32>,
    tpu.vector_store %arg15[%swap3A_110], %shift_right_logical3A_109 {strides = array<i32>} : memref<512xi32, #tpu.memory_space<vmem>>, vector<16xi32>,
    %get3A_112 = arith.constant 128 : index
    %get3A_113 = tpu.vector_load %arg12[%get3A_112] {strides = array<i32>} : memref<512xi32, #tpu.memory_space<vmem>>, vector<16xi32>,
    %shift_right_logical3A_114 = arith.constant 4 : i32
    %shift_right_logical3A_115 = vector.broadcast %shift_right_logical3A_114 : i32 to vector<16xi32>
    %shift_right_logical3A_116 = arith.shrui %get3A_113, %shift_right_logical3A_115 : vector<16xi32>
    %swap3A_117 = arith.constant 128 : index
    %swap3A_118 = tpu.vector_load %arg14[%swap3A_117] {strides = array<i32>} : memref<512xi32, #tpu.memory_space<vmem>>, vector<16xi32>,
    tpu.vector_store %arg14[%swap3A_117], %shift_right_logical3A_116 {strides = array<i32>} : memref<512xi32, #tpu.memory_space<vmem>>, vector<16xi32>,
    %get3A_119 = arith.constant 128 : index
    %get3A_120 = tpu.vector_load %arg13[%get3A_119] {strides = array<i32>} : memref<512xi32, #tpu.memory_space<vmem>>, vector<16xi32>,
    %shift_right_logical3A_121 = arith.constant 4 : i32
    %shift_right_logical3A_122 = vector.broadcast %shift_right_logical3A_121 : i32 to vector<16xi32>
    %shift_right_logical3A_123 = arith.shrui %get3A_120, %shift_right_logical3A_122 : vector<16xi32>
    %swap3A_124 = arith.constant 128 : index
    %swap3A_125 = tpu.vector_load %arg15[%swap3A_124] {strides = array<i32>} : memref<512xi32, #tpu.memory_space<vmem>>, vector<16xi32>,
    tpu.vector_store %arg15[%swap3A_124], %shift_right_logical3A_123 {strides = array<i32>} : memref<512xi32, #tpu.memory_space<vmem>>, vector<16xi32>,
    %get3A_126 = arith.constant 144 : index
    %get3A_127 = tpu.vector_load %arg12[%get3A_126] {strides = array<i32>} : memref<512xi32, #tpu.memory_space<vmem>>, vector<16xi32>,
    %shift_right_logical3A_128 = arith.constant 4 : i32
    %shift_right_logical3A_129 = vector.broadcast %shift_right_logical3A_128 : i32 to vector<16xi32>
    %shift_right_logical3A_130 = arith.shrui %get3A_127, %shift_right_logical3A_129 : vector<16xi32>
    %swap3A_131 = arith.constant 144 : index
    %swap3A_132 = tpu.vector_load %arg14[%swap3A_131] {strides = array<i32>} : memref<512xi32, #tpu.memory_space<vmem>>, vector<16xi32>,
    tpu.vector_store %arg14[%swap3A_131], %shift_right_logical3A_130 {strides = array<i32>} : memref<512xi32, #tpu.memory_space<vmem>>, vector<16xi32>,
    %get3A_133 = arith.constant 144 : index
    %get3A_134 = tpu.vector_load %arg13[%get3A_133] {strides = array<i32>} : memref<512xi32, #tpu.memory_space<vmem>>, vector<16xi32>,
    %shift_right_logical3A_135 = arith.constant 4 : i32
    %shift_right_logical3A_136 = vector.broadcast %shift_right_logical3A_135 : i32 to vector<16xi32>
    %shift_right_logical3A_137 = arith.shrui %get3A_134, %shift_right_logical3A_136 : vector<16xi32>
    %swap3A_138 = arith.constant 144 : index
    %swap3A_139 = tpu.vector_load %arg15[%swap3A_138] {strides = array<i32>} : memref<512xi32, #tpu.memory_space<vmem>>, vector<16xi32>,
    tpu.vector_store %arg15[%swap3A_138], %shift_right_logical3A_137 {strides = array<i32>} : memref<512xi32, #tpu.memory_space<vmem>>, vector<16xi32>,
    %get3A_140 = arith.constant 160 : index
    %get3A_141 = tpu.vector_load %arg12[%get3A_140] {strides = array<i32>} : memref<512xi32, #tpu.memory_space<vmem>>, vector<16xi32>,
    %shift_right_logical3A_142 = arith.constant 4 : i32
    %shift_right_logical3A_143 = vector.broadcast %shift_right_logical3A_142 : i32 to vector<16xi32>
    %shift_right_logical3A_144 = arith.shrui %get3A_141, %shift_right_logical3A_143 : vector<16xi32>
    %swap3A_145 = arith.constant 160 : index
    %swap3A_146 = tpu.vector_load %arg14[%swap3A_145] {strides = array<i32>} : memref<512xi32, #tpu.memory_space<vmem>>, vector<16xi32>,
    tpu.vector_store %arg14[%swap3A_145], %shift_right_logical3A_144 {strides = array<i32>} : memref<512xi32, #tpu.memory_space<vmem>>, vector<16xi32>,
    %get3A_147 = arith.constant 160 : index
    %get3A_148 = tpu.vector_load %arg13[%get3A_147] {strides = array<i32>} : memref<512xi32, #tpu.memory_space<vmem>>, vector<16xi32>,
    %shift_right_logical3A_149 = arith.constant 4 : i32
    %shift_right_logical3A_150 = vector.broadcast %shift_right_logical3A_149 : i32 to vector<16xi32>
    %shift_right_logical3A_151 = arith.shrui %get3A_148, %shift_right_logical3A_150 : vector<16xi32>
    %swap3A_152 = arith.constant 160 : index
    %swap3A_153 = tpu.vector_load %arg15[%swap3A_152] {strides = array<i32>} : memref<512xi32, #tpu.memory_space<vmem>>, vector<16xi32>,
    tpu.vector_store %arg15[%swap3A_152], %shift_right_logical3A_151 {strides = array<i32>} : memref<512xi32, #tpu.memory_space<vmem>>, vector<16xi32>,
    %get3A_154 = arith.constant 176 : index
    %get3A_155 = tpu.vector_load %arg12[%get3A_154] {strides = array<i32>} : memref<512xi32, #tpu.memory_space<vmem>>, vector<16xi32>,
    %shift_right_logical3A_156 = arith.constant 4 : i32
    %shift_right_logical3A_157 = vector.broadcast %shift_right_logical3A_156 : i32 to vector<16xi32>
    %shift_right_logical3A_158 = arith.shrui %get3A_155, %shift_right_logical3A_157 : vector<16xi32>
    %swap3A_159 = arith.constant 176 : index
    %swap3A_160 = tpu.vector_load %arg14[%swap3A_159] {strides = array<i32>} : memref<512xi32, #tpu.memory_space<vmem>>, vector<16xi32>,
    tpu.vector_store %arg14[%swap3A_159], %shift_right_logical3A_158 {strides = array<i32>} : memref<512xi32, #tpu.memory_space<vmem>>, vector<16xi32>,
    %get3A_161 = arith.constant 176 : index
    %get3A_162 = tpu.vector_load %arg13[%get3A_161] {strides = array<i32>} : memref<512xi32, #tpu.memory_space<vmem>>, vector<16xi32>,
    %shift_right_logical3A_163 = arith.constant 4 : i32
    %shift_right_logical3A_164 = vector.broadcast %shift_right_logical3A_163 : i32 to vector<16xi32>
    %shift_right_logical3A_165 = arith.shrui %get3A_162, %shift_right_logical3A_164 : vector<16xi32>
    %swap3A_166 = arith.constant 176 : index
    %swap3A_167 = tpu.vector_load %arg15[%swap3A_166] {strides = array<i32>} : memref<512xi32, #tpu.memory_space<vmem>>, vector<16xi32>,
    tpu.vector_store %arg15[%swap3A_166], %shift_right_logical3A_165 {strides = array<i32>} : memref<512xi32, #tpu.memory_space<vmem>>, vector<16xi32>,
    %get3A_168 = arith.constant 192 : index
    %get3A_169 = tpu.vector_load %arg12[%get3A_168] {strides = array<i32>} : memref<512xi32, #tpu.memory_space<vmem>>, vector<16xi32>,
    %shift_right_logical3A_170 = arith.constant 4 : i32
    %shift_right_logical3A_171 = vector.broadcast %shift_right_logical3A_170 : i32 to vector<16xi32>
    %shift_right_logical3A_172 = arith.shrui %get3A_169, %shift_right_logical3A_171 : vector<16xi32>
    %swap3A_173 = arith.constant 192 : index
    %swap3A_174 = tpu.vector_load %arg14[%swap3A_173] {strides = array<i32>} : memref<512xi32, #tpu.memory_space<vmem>>, vector<16xi32>,
    tpu.vector_store %arg14[%swap3A_173], %shift_right_logical3A_172 {strides = array<i32>} : memref<512xi32, #tpu.memory_space<vmem>>, vector<16xi32>,
    %get3A_175 = arith.constant 192 : index
    %get3A_176 = tpu.vector_load %arg13[%get3A_175] {strides = array<i32>} : memref<512xi32, #tpu.memory_space<vmem>>, vector<16xi32>,
    %shift_right_logical3A_177 = arith.constant 4 : i32
    %shift_right_logical3A_178 = vector.broadcast %shift_right_logical3A_177 : i32 to vector<16xi32>
    %shift_right_logical3A_179 = arith.shrui %get3A_176, %shift_right_logical3A_178 : vector<16xi32>
    %swap3A_180 = arith.constant 192 : index
    %swap3A_181 = tpu.vector_load %arg15[%swap3A_180] {strides = array<i32>} : memref<512xi32, #tpu.memory_space<vmem>>, vector<16xi32>,
    tpu.vector_store %arg15[%swap3A_180], %shift_right_logical3A_179 {strides = array<i32>} : memref<512xi32, #tpu.memory_space<vmem>>, vector<16xi32>,
    %get3A_182 = arith.constant 208 : index
    %get3A_183 = tpu.vector_load %arg12[%get3A_182] {strides = array<i32>} : memref<512xi32, #tpu.memory_space<vmem>>, vector<16xi32>,
    %shift_right_logical3A_184 = arith.constant 4 : i32
    %shift_right_logical3A_185 = vector.broadcast %shift_right_logical3A_184 : i32 to vector<16xi32>
    %shift_right_logical3A_186 = arith.shrui %get3A_183, %shift_right_logical3A_185 : vector<16xi32>
    %swap3A_187 = arith.constant 208 : index
    %swap3A_188 = tpu.vector_load %arg14[%swap3A_187] {strides = array<i32>} : memref<512xi32, #tpu.memory_space<vmem>>, vector<16xi32>,
    tpu.vector_store %arg14[%swap3A_187], %shift_right_logical3A_186 {strides = array<i32>} : memref<512xi32, #tpu.memory_space<vmem>>, vector<16xi32>,
    %get3A_189 = arith.constant 208 : index
    %get3A_190 = tpu.vector_load %arg13[%get3A_189] {strides = array<i32>} : memref<512xi32, #tpu.memory_space<vmem>>, vector<16xi32>,
    %shift_right_logical3A_191 = arith.constant 4 : i32
    %shift_right_logical3A_192 = vector.broadcast %shift_right_logical3A_191 : i32 to vector<16xi32>
    %shift_right_logical3A_193 = arith.shrui %get3A_190, %shift_right_logical3A_192 : vector<16xi32>
    %swap3A_194 = arith.constant 208 : index
    %swap3A_195 = tpu.vector_load %arg15[%swap3A_194] {strides = array<i32>} : memref<512xi32, #tpu.memory_space<vmem>>, vector<16xi32>,
    tpu.vector_store %arg15[%swap3A_194], %shift_right_logical3A_193 {strides = array<i32>} : memref<512xi32, #tpu.memory_space<vmem>>, vector<16xi32>,
    %get3A_196 = arith.constant 224 : index
    %get3A_197 = tpu.vector_load %arg12[%get3A_196] {strides = array<i32>} : memref<512xi32, #tpu.memory_space<vmem>>, vector<16xi32>,
    %shift_right_logical3A_198 = arith.constant 4 : i32
    %shift_right_logical3A_199 = vector.broadcast %shift_right_logical3A_198 : i32 to vector<16xi32>
    %shift_right_logical3A_200 = arith.shrui %get3A_197, %shift_right_logical3A_199 : vector<16xi32>
    %swap3A_201 = arith.constant 224 : index
    %swap3A_202 = tpu.vector_load %arg14[%swap3A_201] {strides = array<i32>} : memref<512xi32, #tpu.memory_space<vmem>>, vector<16xi32>,
    tpu.vector_store %arg14[%swap3A_201], %shift_right_logical3A_200 {strides = array<i32>} : memref<512xi32, #tpu.memory_space<vmem>>, vector<16xi32>,
    %get3A_203 = arith.constant 224 : index
    %get3A_204 = tpu.vector_load %arg13[%get3A_203] {strides = array<i32>} : memref<512xi32, #tpu.memory_space<vmem>>, vector<16xi32>,
    %shift_right_logical3A_205 = arith.constant 4 : i32
    %shift_right_logical3A_206 = vector.broadcast %shift_right_logical3A_205 : i32 to vector<16xi32>
    %shift_right_logical3A_207 = arith.shrui %get3A_204, %shift_right_logical3A_206 : vector<16xi32>
    %swap3A_208 = arith.constant 224 : index
    %swap3A_209 = tpu.vector_load %arg15[%swap3A_208] {strides = array<i32>} : memref<512xi32, #tpu.memory_space<vmem>>, vector<16xi32>,
    tpu.vector_store %arg15[%swap3A_208], %shift_right_logical3A_207 {strides = array<i32>} : memref<512xi32, #tpu.memory_space<vmem>>, vector<16xi32>,
    %get3A_210 = arith.constant 240 : index
    %get3A_211 = tpu.vector_load %arg12[%get3A_210] {strides = array<i32>} : memref<512xi32, #tpu.memory_space<vmem>>, vector<16xi32>,
    %shift_right_logical3A_212 = arith.constant 4 : i32
    %shift_right_logical3A_213 = vector.broadcast %shift_right_logical3A_212 : i32 to vector<16xi32>
    %shift_right_logical3A_214 = arith.shrui %get3A_211, %shift_right_logical3A_213 : vector<16xi32>
    %swap3A_215 = arith.constant 240 : index
    %swap3A_216 = tpu.vector_load %arg14[%swap3A_215] {strides = array<i32>} : memref<512xi32, #tpu.memory_space<vmem>>, vector<16xi32>,
    tpu.vector_store %arg14[%swap3A_215], %shift_right_logical3A_214 {strides = array<i32>} : memref<512xi32, #tpu.memory_space<vmem>>, vector<16xi32>,
    %get3A_217 = arith.constant 240 : index
    %get3A_218 = tpu.vector_load %arg13[%get3A_217] {strides = array<i32>} : memref<512xi32, #tpu.memory_space<vmem>>, vector<16xi32>,
    %shift_right_logical3A_219 = arith.constant 4 : i32
    %shift_right_logical3A_220 = vector.broadcast %shift_right_logical3A_219 : i32 to vector<16xi32>
    %shift_right_logical3A_221 = arith.shrui %get3A_218, %shift_right_logical3A_220 : vector<16xi32>
    %swap3A_222 = arith.constant 240 : index
    %swap3A_223 = tpu.vector_load %arg15[%swap3A_222] {strides = array<i32>} : memref<512xi32, #tpu.memory_space<vmem>>, vector<16xi32>,
    tpu.vector_store %arg15[%swap3A_222], %shift_right_logical3A_221 {strides = array<i32>} : memref<512xi32, #tpu.memory_space<vmem>>, vector<16xi32>,
    %get3A_224 = arith.constant 256 : index
    %get3A_225 = tpu.vector_load %arg12[%get3A_224] {strides = array<i32>} : memref<512xi32, #tpu.memory_space<vmem>>, vector<16xi32>,
    %shift_right_logical3A_226 = arith.constant 4 : i32
    %shift_right_logical3A_227 = vector.broadcast %shift_right_logical3A_226 : i32 to vector<16xi32>
    %shift_right_logical3A_228 = arith.shrui %get3A_225, %shift_right_logical3A_227 : vector<16xi32>
    %swap3A_229 = arith.constant 256 : index
    %swap3A_230 = tpu.vector_load %arg14[%swap3A_229] {strides = array<i32>} : memref<512xi32, #tpu.memory_space<vmem>>, vector<16xi32>,
    tpu.vector_store %arg14[%swap3A_229], %shift_right_logical3A_228 {strides = array<i32>} : memref<512xi32, #tpu.memory_space<vmem>>, vector<16xi32>,
    %get3A_231 = arith.constant 256 : index
    %get3A_232 = tpu.vector_load %arg13[%get3A_231] {strides = array<i32>} : memref<512xi32, #tpu.memory_space<vmem>>, vector<16xi32>,
    %shift_right_logical3A_233 = arith.constant 4 : i32
    %shift_right_logical3A_234 = vector.broadcast %shift_right_logical3A_233 : i32 to vector<16xi32>
    %shift_right_logical3A_235 = arith.shrui %get3A_232, %shift_right_logical3A_234 : vector<16xi32>
    %swap3A_236 = arith.constant 256 : index
    %swap3A_237 = tpu.vector_load %arg15[%swap3A_236] {strides = array<i32>} : memref<512xi32, #tpu.memory_space<vmem>>, vector<16xi32>,
    tpu.vector_store %arg15[%swap3A_236], %shift_right_logical3A_235 {strides = array<i32>} : memref<512xi32, #tpu.memory_space<vmem>>, vector<16xi32>,
    %get3A_238 = arith.constant 272 : index
    %get3A_239 = tpu.vector_load %arg12[%get3A_238] {strides = array<i32>} : memref<512xi32, #tpu.memory_space<vmem>>, vector<16xi32>,
    %shift_right_logical3A_240 = arith.constant 4 : i32
    %shift_right_logical3A_241 = vector.broadcast %shift_right_logical3A_240 : i32 to vector<16xi32>
    %shift_right_logical3A_242 = arith.shrui %get3A_239, %shift_right_logical3A_241 : vector<16xi32>
    %swap3A_243 = arith.constant 272 : index
    %swap3A_244 = tpu.vector_load %arg14[%swap3A_243] {strides = array<i32>} : memref<512xi32, #tpu.memory_space<vmem>>, vector<16xi32>,
    tpu.vector_store %arg14[%swap3A_243], %shift_right_logical3A_242 {strides = array<i32>} : memref<512xi32, #tpu.memory_space<vmem>>, vector<16xi32>,
    %get3A_245 = arith.constant 272 : index
    %get3A_246 = tpu.vector_load %arg13[%get3A_245] {strides = array<i32>} : memref<512xi32, #tpu.memory_space<vmem>>, vector<16xi32>,
    %shift_right_logical3A_247 = arith.constant 4 : i32
    %shift_right_logical3A_248 = vector.broadcast %shift_right_logical3A_247 : i32 to vector<16xi32>
    %shift_right_logical3A_249 = arith.shrui %get3A_246, %shift_right_logical3A_248 : vector<16xi32>
    %swap3A_250 = arith.constant 272 : index
    %swap3A_251 = tpu.vector_load %arg15[%swap3A_250] {strides = array<i32>} : memref<512xi32, #tpu.memory_space<vmem>>, vector<16xi32>,
    tpu.vector_store %arg15[%swap3A_250], %shift_right_logical3A_249 {strides = array<i32>} : memref<512xi32, #tpu.memory_space<vmem>>, vector<16xi32>,
    %get3A_252 = arith.constant 288 : index
    %get3A_253 = tpu.vector_load %arg12[%get3A_252] {strides = array<i32>} : memref<512xi32, #tpu.memory_space<vmem>>, vector<16xi32>,
    %shift_right_logical3A_254 = arith.constant 4 : i32
    %shift_right_logical3A_255 = vector.broadcast %shift_right_logical3A_254 : i32 to vector<16xi32>
    %shift_right_logical3A_256 = arith.shrui %get3A_253, %shift_right_logical3A_255 : vector<16xi32>
    %swap3A_257 = arith.constant 288 : index
    %swap3A_258 = tpu.vector_load %arg14[%swap3A_257] {strides = array<i32>} : memref<512xi32, #tpu.memory_space<vmem>>, vector<16xi32>,
    tpu.vector_store %arg14[%swap3A_257], %shift_right_logical3A_256 {strides = array<i32>} : memref<512xi32, #tpu.memory_space<vmem>>, vector<16xi32>,
    %get3A_259 = arith.constant 288 : index
    %get3A_260 = tpu.vector_load %arg13[%get3A_259] {strides = array<i32>} : memref<512xi32, #tpu.memory_space<vmem>>, vector<16xi32>,
    %shift_right_logical3A_261 = arith.constant 4 : i32
    %shift_right_logical3A_262 = vector.broadcast %shift_right_logical3A_261 : i32 to vector<16xi32>
    %shift_right_logical3A_263 = arith.shrui %get3A_260, %shift_right_logical3A_262 : vector<16xi32>
    %swap3A_264 = arith.constant 288 : index
    %swap3A_265 = tpu.vector_load %arg15[%swap3A_264] {strides = array<i32>} : memref<512xi32, #tpu.memory_space<vmem>>, vector<16xi32>,
    tpu.vector_store %arg15[%swap3A_264], %shift_right_logical3A_263 {strides = array<i32>} : memref<512xi32, #tpu.memory_space<vmem>>, vector<16xi32>,
    %get3A_266 = arith.constant 304 : index
    %get3A_267 = tpu.vector_load %arg12[%get3A_266] {strides = array<i32>} : memref<512xi32, #tpu.memory_space<vmem>>, vector<16xi32>,
    %shift_right_logical3A_268 = arith.constant 4 : i32
    %shift_right_logical3A_269 = vector.broadcast %shift_right_logical3A_268 : i32 to vector<16xi32>
    %shift_right_logical3A_270 = arith.shrui %get3A_267, %shift_right_logical3A_269 : vector<16xi32>
    %swap3A_271 = arith.constant 304 : index
    %swap3A_272 = tpu.vector_load %arg14[%swap3A_271] {strides = array<i32>} : memref<512xi32, #tpu.memory_space<vmem>>, vector<16xi32>,
    tpu.vector_store %arg14[%swap3A_271], %shift_right_logical3A_270 {strides = array<i32>} : memref<512xi32, #tpu.memory_space<vmem>>, vector<16xi32>,
    %get3A_273 = arith.constant 304 : index
    %get3A_274 = tpu.vector_load %arg13[%get3A_273] {strides = array<i32>} : memref<512xi32, #tpu.memory_space<vmem>>, vector<16xi32>,
    %shift_right_logical3A_275 = arith.constant 4 : i32
    %shift_right_logical3A_276 = vector.broadcast %shift_right_logical3A_275 : i32 to vector<16xi32>
    %shift_right_logical3A_277 = arith.shrui %get3A_274, %shift_right_logical3A_276 : vector<16xi32>
    %swap3A_278 = arith.constant 304 : index
    %swap3A_279 = tpu.vector_load %arg15[%swap3A_278] {strides = array<i32>} : memref<512xi32, #tpu.memory_space<vmem>>, vector<16xi32>,
    tpu.vector_store %arg15[%swap3A_278], %shift_right_logical3A_277 {strides = array<i32>} : memref<512xi32, #tpu.memory_space<vmem>>, vector<16xi32>,
    %get3A_280 = arith.constant 320 : index
    %get3A_281 = tpu.vector_load %arg12[%get3A_280] {strides = array<i32>} : memref<512xi32, #tpu.memory_space<vmem>>, vector<16xi32>,
    %shift_right_logical3A_282 = arith.constant 4 : i32
    %shift_right_logical3A_283 = vector.broadcast %shift_right_logical3A_282 : i32 to vector<16xi32>
    %shift_right_logical3A_284 = arith.shrui %get3A_281, %shift_right_logical3A_283 : vector<16xi32>
    %swap3A_285 = arith.constant 320 : index
    %swap3A_286 = tpu.vector_load %arg14[%swap3A_285] {strides = array<i32>} : memref<512xi32, #tpu.memory_space<vmem>>, vector<16xi32>,
    tpu.vector_store %arg14[%swap3A_285], %shift_right_logical3A_284 {strides = array<i32>} : memref<512xi32, #tpu.memory_space<vmem>>, vector<16xi32>,
    %get3A_287 = arith.constant 320 : index
    %get3A_288 = tpu.vector_load %arg13[%get3A_287] {strides = array<i32>} : memref<512xi32, #tpu.memory_space<vmem>>, vector<16xi32>,
    %shift_right_logical3A_289 = arith.constant 4 : i32
    %shift_right_logical3A_290 = vector.broadcast %shift_right_logical3A_289 : i32 to vector<16xi32>
    %shift_right_logical3A_291 = arith.shrui %get3A_288, %shift_right_logical3A_290 : vector<16xi32>
    %swap3A_292 = arith.constant 320 : index
    %swap3A_293 = tpu.vector_load %arg15[%swap3A_292] {strides = array<i32>} : memref<512xi32, #tpu.memory_space<vmem>>, vector<16xi32>,
    tpu.vector_store %arg15[%swap3A_292], %shift_right_logical3A_291 {strides = array<i32>} : memref<512xi32, #tpu.memory_space<vmem>>, vector<16xi32>,
    %get3A_294 = arith.constant 336 : index
    %get3A_295 = tpu.vector_load %arg12[%get3A_294] {strides = array<i32>} : memref<512xi32, #tpu.memory_space<vmem>>, vector<16xi32>,
    %shift_right_logical3A_296 = arith.constant 4 : i32
    %shift_right_logical3A_297 = vector.broadcast %shift_right_logical3A_296 : i32 to vector<16xi32>
    %shift_right_logical3A_298 = arith.shrui %get3A_295, %shift_right_logical3A_297 : vector<16xi32>
    %swap3A_299 = arith.constant 336 : index
    %swap3A_300 = tpu.vector_load %arg14[%swap3A_299] {strides = array<i32>} : memref<512xi32, #tpu.memory_space<vmem>>, vector<16xi32>,
    tpu.vector_store %arg14[%swap3A_299], %shift_right_logical3A_298 {strides = array<i32>} : memref<512xi32, #tpu.memory_space<vmem>>, vector<16xi32>,
    %get3A_301 = arith.constant 336 : index
    %get3A_302 = tpu.vector_load %arg13[%get3A_301] {strides = array<i32>} : memref<512xi32, #tpu.memory_space<vmem>>, vector<16xi32>,
    %shift_right_logical3A_303 = arith.constant 4 : i32
    %shift_right_logical3A_304 = vector.broadcast %shift_right_logical3A_303 : i32 to vector<16xi32>
    %shift_right_logical3A_305 = arith.shrui %get3A_302, %shift_right_logical3A_304 : vector<16xi32>
    %swap3A_306 = arith.constant 336 : index
    %swap3A_307 = tpu.vector_load %arg15[%swap3A_306] {strides = array<i32>} : memref<512xi32, #tpu.memory_space<vmem>>, vector<16xi32>,
    tpu.vector_store %arg15[%swap3A_306], %shift_right_logical3A_305 {strides = array<i32>} : memref<512xi32, #tpu.memory_space<vmem>>, vector<16xi32>,
    %get3A_308 = arith.constant 352 : index
    %get3A_309 = tpu.vector_load %arg12[%get3A_308] {strides = array<i32>} : memref<512xi32, #tpu.memory_space<vmem>>, vector<16xi32>,
    %shift_right_logical3A_310 = arith.constant 4 : i32
    %shift_right_logical3A_311 = vector.broadcast %shift_right_logical3A_310 : i32 to vector<16xi32>
    %shift_right_logical3A_312 = arith.shrui %get3A_309, %shift_right_logical3A_311 : vector<16xi32>
    %swap3A_313 = arith.constant 352 : index
    %swap3A_314 = tpu.vector_load %arg14[%swap3A_313] {strides = array<i32>} : memref<512xi32, #tpu.memory_space<vmem>>, vector<16xi32>,
    tpu.vector_store %arg14[%swap3A_313], %shift_right_logical3A_312 {strides = array<i32>} : memref<512xi32, #tpu.memory_space<vmem>>, vector<16xi32>,
    %get3A_315 = arith.constant 352 : index
    %get3A_316 = tpu.vector_load %arg13[%get3A_315] {strides = array<i32>} : memref<512xi32, #tpu.memory_space<vmem>>, vector<16xi32>,
    %shift_right_logical3A_317 = arith.constant 4 : i32
    %shift_right_logical3A_318 = vector.broadcast %shift_right_logical3A_317 : i32 to vector<16xi32>
    %shift_right_logical3A_319 = arith.shrui %get3A_316, %shift_right_logical3A_318 : vector<16xi32>
    %swap3A_320 = arith.constant 352 : index
    %swap3A_321 = tpu.vector_load %arg15[%swap3A_320] {strides = array<i32>} : memref<512xi32, #tpu.memory_space<vmem>>, vector<16xi32>,
    tpu.vector_store %arg15[%swap3A_320], %shift_right_logical3A_319 {strides = array<i32>} : memref<512xi32, #tpu.memory_space<vmem>>, vector<16xi32>,
    %get3A_322 = arith.constant 368 : index
    %get3A_323 = tpu.vector_load %arg12[%get3A_322] {strides = array<i32>} : memref<512xi32, #tpu.memory_space<vmem>>, vector<16xi32>,
    %shift_right_logical3A_324 = arith.constant 4 : i32
    %shift_right_logical3A_325 = vector.broadcast %shift_right_logical3A_324 : i32 to vector<16xi32>
    %shift_right_logical3A_326 = arith.shrui %get3A_323, %shift_right_logical3A_325 : vector<16xi32>
    %swap3A_327 = arith.constant 368 : index
    %swap3A_328 = tpu.vector_load %arg14[%swap3A_327] {strides = array<i32>} : memref<512xi32, #tpu.memory_space<vmem>>, vector<16xi32>,
    tpu.vector_store %arg14[%swap3A_327], %shift_right_logical3A_326 {strides = array<i32>} : memref<512xi32, #tpu.memory_space<vmem>>, vector<16xi32>,
    %get3A_329 = arith.constant 368 : index
    %get3A_330 = tpu.vector_load %arg13[%get3A_329] {strides = array<i32>} : memref<512xi32, #tpu.memory_space<vmem>>, vector<16xi32>,
    %shift_right_logical3A_331 = arith.constant 4 : i32
    %shift_right_logical3A_332 = vector.broadcast %shift_right_logical3A_331 : i32 to vector<16xi32>
    %shift_right_logical3A_333 = arith.shrui %get3A_330, %shift_right_logical3A_332 : vector<16xi32>
    %swap3A_334 = arith.constant 368 : index
    %swap3A_335 = tpu.vector_load %arg15[%swap3A_334] {strides = array<i32>} : memref<512xi32, #tpu.memory_space<vmem>>, vector<16xi32>,
    tpu.vector_store %arg15[%swap3A_334], %shift_right_logical3A_333 {strides = array<i32>} : memref<512xi32, #tpu.memory_space<vmem>>, vector<16xi32>,
    %get3A_336 = arith.constant 384 : index
    %get3A_337 = tpu.vector_load %arg12[%get3A_336] {strides = array<i32>} : memref<512xi32, #tpu.memory_space<vmem>>, vector<16xi32>,
    %shift_right_logical3A_338 = arith.constant 4 : i32
    %shift_right_logical3A_339 = vector.broadcast %shift_right_logical3A_338 : i32 to vector<16xi32>
    %shift_right_logical3A_340 = arith.shrui %get3A_337, %shift_right_logical3A_339 : vector<16xi32>
    %swap3A_341 = arith.constant 384 : index
    %swap3A_342 = tpu.vector_load %arg14[%swap3A_341] {strides = array<i32>} : memref<512xi32, #tpu.memory_space<vmem>>, vector<16xi32>,
    tpu.vector_store %arg14[%swap3A_341], %shift_right_logical3A_340 {strides = array<i32>} : memref<512xi32, #tpu.memory_space<vmem>>, vector<16xi32>,
    %get3A_343 = arith.constant 384 : index
    %get3A_344 = tpu.vector_load %arg13[%get3A_343] {strides = array<i32>} : memref<512xi32, #tpu.memory_space<vmem>>, vector<16xi32>,
    %shift_right_logical3A_345 = arith.constant 4 : i32
    %shift_right_logical3A_346 = vector.broadcast %shift_right_logical3A_345 : i32 to vector<16xi32>
    %shift_right_logical3A_347 = arith.shrui %get3A_344, %shift_right_logical3A_346 : vector<16xi32>
    %swap3A_348 = arith.constant 384 : index
    %swap3A_349 = tpu.vector_load %arg15[%swap3A_348] {strides = array<i32>} : memref<512xi32, #tpu.memory_space<vmem>>, vector<16xi32>,
    tpu.vector_store %arg15[%swap3A_348], %shift_right_logical3A_347 {strides = array<i32>} : memref<512xi32, #tpu.memory_space<vmem>>, vector<16xi32>,
    %get3A_350 = arith.constant 400 : index
    %get3A_351 = tpu.vector_load %arg12[%get3A_350] {strides = array<i32>} : memref<512xi32, #tpu.memory_space<vmem>>, vector<16xi32>,
    %shift_right_logical3A_352 = arith.constant 4 : i32
    %shift_right_logical3A_353 = vector.broadcast %shift_right_logical3A_352 : i32 to vector<16xi32>
    %shift_right_logical3A_354 = arith.shrui %get3A_351, %shift_right_logical3A_353 : vector<16xi32>
    %swap3A_355 = arith.constant 400 : index
    %swap3A_356 = tpu.vector_load %arg14[%swap3A_355] {strides = array<i32>} : memref<512xi32, #tpu.memory_space<vmem>>, vector<16xi32>,
    tpu.vector_store %arg14[%swap3A_355], %shift_right_logical3A_354 {strides = array<i32>} : memref<512xi32, #tpu.memory_space<vmem>>, vector<16xi32>,
    %get3A_357 = arith.constant 400 : index
    %get3A_358 = tpu.vector_load %arg13[%get3A_357] {strides = array<i32>} : memref<512xi32, #tpu.memory_space<vmem>>, vector<16xi32>,
    %shift_right_logical3A_359 = arith.constant 4 : i32
    %shift_right_logical3A_360 = vector.broadcast %shift_right_logical3A_359 : i32 to vector<16xi32>
    %shift_right_logical3A_361 = arith.shrui %get3A_358, %shift_right_logical3A_360 : vector<16xi32>
    %swap3A_362 = arith.constant 400 : index
    %swap3A_363 = tpu.vector_load %arg15[%swap3A_362] {strides = array<i32>} : memref<512xi32, #tpu.memory_space<vmem>>, vector<16xi32>,
    tpu.vector_store %arg15[%swap3A_362], %shift_right_logical3A_361 {strides = array<i32>} : memref<512xi32, #tpu.memory_space<vmem>>, vector<16xi32>,
    %get3A_364 = arith.constant 416 : index
    %get3A_365 = tpu.vector_load %arg12[%get3A_364] {strides = array<i32>} : memref<512xi32, #tpu.memory_space<vmem>>, vector<16xi32>,
    %shift_right_logical3A_366 = arith.constant 4 : i32
    %shift_right_logical3A_367 = vector.broadcast %shift_right_logical3A_366 : i32 to vector<16xi32>
    %shift_right_logical3A_368 = arith.shrui %get3A_365, %shift_right_logical3A_367 : vector<16xi32>
    %swap3A_369 = arith.constant 416 : index
    %swap3A_370 = tpu.vector_load %arg14[%swap3A_369] {strides = array<i32>} : memref<512xi32, #tpu.memory_space<vmem>>, vector<16xi32>,
    tpu.vector_store %arg14[%swap3A_369], %shift_right_logical3A_368 {strides = array<i32>} : memref<512xi32, #tpu.memory_space<vmem>>, vector<16xi32>,
    %get3A_371 = arith.constant 416 : index
    %get3A_372 = tpu.vector_load %arg13[%get3A_371] {strides = array<i32>} : memref<512xi32, #tpu.memory_space<vmem>>, vector<16xi32>,
    %shift_right_logical3A_373 = arith.constant 4 : i32
    %shift_right_logical3A_374 = vector.broadcast %shift_right_logical3A_373 : i32 to vector<16xi32>
    %shift_right_logical3A_375 = arith.shrui %get3A_372, %shift_right_logical3A_374 : vector<16xi32>
    %swap3A_376 = arith.constant 416 : index
    %swap3A_377 = tpu.vector_load %arg15[%swap3A_376] {strides = array<i32>} : memref<512xi32, #tpu.memory_space<vmem>>, vector<16xi32>,
    tpu.vector_store %arg15[%swap3A_376], %shift_right_logical3A_375 {strides = array<i32>} : memref<512xi32, #tpu.memory_space<vmem>>, vector<16xi32>,
    %get3A_378 = arith.constant 432 : index
    %get3A_379 = tpu.vector_load %arg12[%get3A_378] {strides = array<i32>} : memref<512xi32, #tpu.memory_space<vmem>>, vector<16xi32>,
    %shift_right_logical3A_380 = arith.constant 4 : i32
    %shift_right_logical3A_381 = vector.broadcast %shift_right_logical3A_380 : i32 to vector<16xi32>
    %shift_right_logical3A_382 = arith.shrui %get3A_379, %shift_right_logical3A_381 : vector<16xi32>
    %swap3A_383 = arith.constant 432 : index
    %swap3A_384 = tpu.vector_load %arg14[%swap3A_383] {strides = array<i32>} : memref<512xi32, #tpu.memory_space<vmem>>, vector<16xi32>,
    tpu.vector_store %arg14[%swap3A_383], %shift_right_logical3A_382 {strides = array<i32>} : memref<512xi32, #tpu.memory_space<vmem>>, vector<16xi32>,
    %get3A_385 = arith.constant 432 : index
    %get3A_386 = tpu.vector_load %arg13[%get3A_385] {strides = array<i32>} : memref<512xi32, #tpu.memory_space<vmem>>, vector<16xi32>,
    %shift_right_logical3A_387 = arith.constant 4 : i32
    %shift_right_logical3A_388 = vector.broadcast %shift_right_logical3A_387 : i32 to vector<16xi32>
    %shift_right_logical3A_389 = arith.shrui %get3A_386, %shift_right_logical3A_388 : vector<16xi32>
    %swap3A_390 = arith.constant 432 : index
    %swap3A_391 = tpu.vector_load %arg15[%swap3A_390] {strides = array<i32>} : memref<512xi32, #tpu.memory_space<vmem>>, vector<16xi32>,
    tpu.vector_store %arg15[%swap3A_390], %shift_right_logical3A_389 {strides = array<i32>} : memref<512xi32, #tpu.memory_space<vmem>>, vector<16xi32>,
    %get3A_392 = arith.constant 448 : index
    %get3A_393 = tpu.vector_load %arg12[%get3A_392] {strides = array<i32>} : memref<512xi32, #tpu.memory_space<vmem>>, vector<16xi32>,
    %shift_right_logical3A_394 = arith.constant 4 : i32
    %shift_right_logical3A_395 = vector.broadcast %shift_right_logical3A_394 : i32 to vector<16xi32>
    %shift_right_logical3A_396 = arith.shrui %get3A_393, %shift_right_logical3A_395 : vector<16xi32>
    %swap3A_397 = arith.constant 448 : index
    %swap3A_398 = tpu.vector_load %arg14[%swap3A_397] {strides = array<i32>} : memref<512xi32, #tpu.memory_space<vmem>>, vector<16xi32>,
    tpu.vector_store %arg14[%swap3A_397], %shift_right_logical3A_396 {strides = array<i32>} : memref<512xi32, #tpu.memory_space<vmem>>, vector<16xi32>,
    %get3A_399 = arith.constant 448 : index
    %get3A_400 = tpu.vector_load %arg13[%get3A_399] {strides = array<i32>} : memref<512xi32, #tpu.memory_space<vmem>>, vector<16xi32>,
    %shift_right_logical3A_401 = arith.constant 4 : i32
    %shift_right_logical3A_402 = vector.broadcast %shift_right_logical3A_401 : i32 to vector<16xi32>
    %shift_right_logical3A_403 = arith.shrui %get3A_400, %shift_right_logical3A_402 : vector<16xi32>
    %swap3A_404 = arith.constant 448 : index
    %swap3A_405 = tpu.vector_load %arg15[%swap3A_404] {strides = array<i32>} : memref<512xi32, #tpu.memory_space<vmem>>, vector<16xi32>,
    tpu.vector_store %arg15[%swap3A_404], %shift_right_logical3A_403 {strides = array<i32>} : memref<512xi32, #tpu.memory_space<vmem>>, vector<16xi32>,
    %get3A_406 = arith.constant 464 : index
    %get3A_407 = tpu.vector_load %arg12[%get3A_406] {strides = array<i32>} : memref<512xi32, #tpu.memory_space<vmem>>, vector<16xi32>,
    %shift_right_logical3A_408 = arith.constant 4 : i32
    %shift_right_logical3A_409 = vector.broadcast %shift_right_logical3A_408 : i32 to vector<16xi32>
    %shift_right_logical3A_410 = arith.shrui %get3A_407, %shift_right_logical3A_409 : vector<16xi32>
    %swap3A_411 = arith.constant 464 : index
    %swap3A_412 = tpu.vector_load %arg14[%swap3A_411] {strides = array<i32>} : memref<512xi32, #tpu.memory_space<vmem>>, vector<16xi32>,
    tpu.vector_store %arg14[%swap3A_411], %shift_right_logical3A_410 {strides = array<i32>} : memref<512xi32, #tpu.memory_space<vmem>>, vector<16xi32>,
    %get3A_413 = arith.constant 464 : index
    %get3A_414 = tpu.vector_load %arg13[%get3A_413] {strides = array<i32>} : memref<512xi32, #tpu.memory_space<vmem>>, vector<16xi32>,
    %shift_right_logical3A_415 = arith.constant 4 : i32
    %shift_right_logical3A_416 = vector.broadcast %shift_right_logical3A_415 : i32 to vector<16xi32>
    %shift_right_logical3A_417 = arith.shrui %get3A_414, %shift_right_logical3A_416 : vector<16xi32>
    %swap3A_418 = arith.constant 464 : index
    %swap3A_419 = tpu.vector_load %arg15[%swap3A_418] {strides = array<i32>} : memref<512xi32, #tpu.memory_space<vmem>>, vector<16xi32>,
    tpu.vector_store %arg15[%swap3A_418], %shift_right_logical3A_417 {strides = array<i32>} : memref<512xi32, #tpu.memory_space<vmem>>, vector<16xi32>,
    %get3A_420 = arith.constant 480 : index
    %get3A_421 = tpu.vector_load %arg12[%get3A_420] {strides = array<i32>} : memref<512xi32, #tpu.memory_space<vmem>>, vector<16xi32>,
    %shift_right_logical3A_422 = arith.constant 4 : i32
    %shift_right_logical3A_423 = vector.broadcast %shift_right_logical3A_422 : i32 to vector<16xi32>
    %shift_right_logical3A_424 = arith.shrui %get3A_421, %shift_right_logical3A_423 : vector<16xi32>
    %swap3A_425 = arith.constant 480 : index
    %swap3A_426 = tpu.vector_load %arg14[%swap3A_425] {strides = array<i32>} : memref<512xi32, #tpu.memory_space<vmem>>, vector<16xi32>,
    tpu.vector_store %arg14[%swap3A_425], %shift_right_logical3A_424 {strides = array<i32>} : memref<512xi32, #tpu.memory_space<vmem>>, vector<16xi32>,
    %get3A_427 = arith.constant 480 : index
    %get3A_428 = tpu.vector_load %arg13[%get3A_427] {strides = array<i32>} : memref<512xi32, #tpu.memory_space<vmem>>, vector<16xi32>,
    %shift_right_logical3A_429 = arith.constant 4 : i32
    %shift_right_logical3A_430 = vector.broadcast %shift_right_logical3A_429 : i32 to vector<16xi32>
    %shift_right_logical3A_431 = arith.shrui %get3A_428, %shift_right_logical3A_430 : vector<16xi32>
    %swap3A_432 = arith.constant 480 : index
    %swap3A_433 = tpu.vector_load %arg15[%swap3A_432] {strides = array<i32>} : memref<512xi32, #tpu.memory_space<vmem>>, vector<16xi32>,
    tpu.vector_store %arg15[%swap3A_432], %shift_right_logical3A_431 {strides = array<i32>} : memref<512xi32, #tpu.memory_space<vmem>>, vector<16xi32>,
    %get3A_434 = arith.constant 496 : index
    %get3A_435 = tpu.vector_load %arg12[%get3A_434] {strides = array<i32>} : memref<512xi32, #tpu.memory_space<vmem>>, vector<16xi32>,
    %shift_right_logical3A_436 = arith.constant 4 : i32
    %shift_right_logical3A_437 = vector.broadcast %shift_right_logical3A_436 : i32 to vector<16xi32>
    %shift_right_logical3A_438 = arith.shrui %get3A_435, %shift_right_logical3A_437 : vector<16xi32>
    %swap3A_439 = arith.constant 496 : index
    %swap3A_440 = tpu.vector_load %arg14[%swap3A_439] {strides = array<i32>} : memref<512xi32, #tpu.memory_space<vmem>>, vector<16xi32>,
    tpu.vector_store %arg14[%swap3A_439], %shift_right_logical3A_438 {strides = array<i32>} : memref<512xi32, #tpu.memory_space<vmem>>, vector<16xi32>,
    %get3A_441 = arith.constant 496 : index
    %get3A_442 = tpu.vector_load %arg13[%get3A_441] {strides = array<i32>} : memref<512xi32, #tpu.memory_space<vmem>>, vector<16xi32>,
    %shift_right_logical3A_443 = arith.constant 4 : i32
    %shift_right_logical3A_444 = vector.broadcast %shift_right_logical3A_443 : i32 to vector<16xi32>
    %shift_right_logical3A_445 = arith.shrui %get3A_442, %shift_right_logical3A_444 : vector<16xi32>
    %swap3A_446 = arith.constant 496 : index
    %swap3A_447 = tpu.vector_load %arg15[%swap3A_446] {strides = array<i32>} : memref<512xi32, #tpu.memory_space<vmem>>, vector<16xi32>,
    tpu.vector_store %arg15[%swap3A_446], %shift_right_logical3A_445 {strides = array<i32>} : memref<512xi32, #tpu.memory_space<vmem>>, vector<16xi32>,
    %iota3A = tpu.iota {dimensions = array<i32: 0>} : vector<16xi32>
    %shift_right_logical3A_448 = arith.constant 3 : i32
    %shift_right_logical3A_449 = vector.broadcast %shift_right_logical3A_448 : i32 to vector<16xi32>
    %shift_right_logical3A_450 = arith.shrui %iota3A, %shift_right_logical3A_449 : vector<16xi32>
    %and3A = arith.constant 7 : i32
    %and3A_451 = vector.broadcast %and3A : i32 to vector<16xi32>
    %and3A_452 = arith.andi %iota3A, %and3A_451 : vector<16xi32>
    %dma_start3A = arith.constant 0 : i32
    %dma_start3A_453 = tpu.memref_slice %arg14[%dma_start3A] : memref<512xi32, #tpu.memory_space<vmem>> -> memref<128xi32, #tpu.memory_space<vmem>>
    %dma_start3A_454 = arith.constant 0 : i32
    %dma_start3A_455 = arith.constant 0 : i32
    %dma_start3A_456 = tpu.memref_slice %arg4[%dma_start3A_454, %dma_start3A_455] : memref<62500x128xf32, #tpu.memory_space<hbm>> -> memref<62500x128xf32, #tpu.memory_space<hbm>>
    tpu.enqueue_indirect_dma source(%dma_start3A_456 : memref<62500x128xf32, #tpu.memory_space<hbm>>) target(%arg16 : memref<128x128xf32, #tpu.memory_space<vmem>>) offsets(%dma_start3A_453 : memref<128xi32, #tpu.memory_space<vmem>>) semaphore(%arg22 : memref<!tpu.dma_semaphore, #tpu.memory_space<semaphore_mem>>)
    %dma_start3A_457 = arith.constant 128 : i32
    %dma_start3A_458 = tpu.memref_slice %arg14[%dma_start3A_457] : memref<512xi32, #tpu.memory_space<vmem>> -> memref<128xi32, #tpu.memory_space<vmem>>
    %dma_start3A_459 = arith.constant 0 : i32
    %dma_start3A_460 = arith.constant 0 : i32
    %dma_start3A_461 = tpu.memref_slice %arg4[%dma_start3A_459, %dma_start3A_460] : memref<62500x128xf32, #tpu.memory_space<hbm>> -> memref<62500x128xf32, #tpu.memory_space<hbm>>
    tpu.enqueue_indirect_dma source(%dma_start3A_461 : memref<62500x128xf32, #tpu.memory_space<hbm>>) target(%arg17 : memref<128x128xf32, #tpu.memory_space<vmem>>) offsets(%dma_start3A_458 : memref<128xi32, #tpu.memory_space<vmem>>) semaphore(%arg23 : memref<!tpu.dma_semaphore, #tpu.memory_space<semaphore_mem>>)
    %dma_wait3A = arith.constant 0 : i32
    %dma_wait3A_462 = tpu.memref_slice %arg14[%dma_wait3A] : memref<512xi32, #tpu.memory_space<vmem>> -> memref<128xi32, #tpu.memory_space<vmem>>
    %dma_wait3A_463 = arith.constant 0 : i32
    %dma_wait3A_464 = arith.constant 0 : i32
    %dma_wait3A_465 = tpu.memref_slice %arg4[%dma_wait3A_463, %dma_wait3A_464] : memref<62500x128xf32, #tpu.memory_space<hbm>> -> memref<62500x128xf32, #tpu.memory_space<hbm>>
    tpu.wait_indirect_dma semaphore(%arg22 : memref<!tpu.dma_semaphore, #tpu.memory_space<semaphore_mem>>) src(%dma_wait3A_465 : memref<62500x128xf32, #tpu.memory_space<hbm>>) dst(%arg16 : memref<128x128xf32, #tpu.memory_space<vmem>>)
    %scan3A = arith.constant 0 : i32
    %scan3A_466 = arith.constant 0 : i32
    %scan3A_467 = arith.constant 64 : i32
    %scan3A_468 = arith.addi %scan3A_466, %scan3A_467 : i32
    %scan3A_469 = arith.constant 1 : i32
    scf.for %scan3A_708 = %scan3A_466 to %scan3A_468 step %scan3A_469  : i32 {
      %mul3A_709 = arith.constant 2 : i32
      %mul3A_710 = arith.muli %mul3A_709, %scan3A_708 : i32
      %add3A_711 = arith.constant 0 : i32
      %add3A_712 = arith.addi %add3A_711, %mul3A_710 : i32
      %mul3A_713 = arith.constant 2 : i32
      %mul3A_714 = arith.muli %mul3A_713, %scan3A_708 : i32
      %add3A_715 = vector.broadcast %mul3A_714 : i32 to vector<16xi32>
      %add3A_716 = arith.addi %add3A_715, %shift_right_logical3A_450 : vector<16xi32>
      %add3A_717 = vector.broadcast %add3A_712 : i32 to vector<16xi32>
      %add3A_718 = arith.addi %add3A_717, %shift_right_logical3A_450 : vector<16xi32>
      %gather3A = tpu.vector_load_idx %arg12[%add3A_718] : memref<512xi32, #tpu.memory_space<vmem>>[vector<16xi32>], vector<16xi32>,
      %and3A_719 = arith.constant 15 : i32
      %and3A_720 = vector.broadcast %and3A_719 : i32 to vector<16xi32>
      %and3A_721 = arith.andi %gather3A, %and3A_720 : vector<16xi32>
      %shift_left3A = arith.constant 3 : i32
      %shift_left3A_722 = vector.broadcast %shift_left3A : i32 to vector<16xi32>
      %shift_left3A_723 = arith.shli %and3A_721, %shift_left3A_722 : vector<16xi32>
      %add3A_724 = arith.addi %shift_left3A_723, %and3A_452 : vector<16xi32>
      %gather3A_725 = tpu.vector_load_idx %arg16[%add3A_716, %add3A_724] : memref<128x128xf32, #tpu.memory_space<vmem>>[vector<16xi32>, vector<16xi32>], vector<16xf32>,
      %mul3A_726 = arith.constant 8 : i32
      %mul3A_727 = arith.muli %add3A_712, %mul3A_726 : i32
      %swap3A_728 = arith.index_cast %mul3A_727 : i32 to index
      %swap3A_729 = tpu.vector_load %arg18[%swap3A_728] {strides = array<i32>} : memref<4096xf32, #tpu.memory_space<vmem>>, vector<16xf32>,
      tpu.vector_store %arg18[%swap3A_728], %gather3A_725 {strides = array<i32>} : memref<4096xf32, #tpu.memory_space<vmem>>, vector<16xf32>,
    }
    %scan3A_470 = arith.constant 64 : i32
    %dma_start3A_471 = arith.constant 256 : i32
    %dma_start3A_472 = tpu.memref_slice %arg14[%dma_start3A_471] : memref<512xi32, #tpu.memory_space<vmem>> -> memref<128xi32, #tpu.memory_space<vmem>>
    %dma_start3A_473 = arith.constant 0 : i32
    %dma_start3A_474 = arith.constant 0 : i32
    %dma_start3A_475 = tpu.memref_slice %arg4[%dma_start3A_473, %dma_start3A_474] : memref<62500x128xf32, #tpu.memory_space<hbm>> -> memref<62500x128xf32, #tpu.memory_space<hbm>>
    tpu.enqueue_indirect_dma source(%dma_start3A_475 : memref<62500x128xf32, #tpu.memory_space<hbm>>) target(%arg16 : memref<128x128xf32, #tpu.memory_space<vmem>>) offsets(%dma_start3A_472 : memref<128xi32, #tpu.memory_space<vmem>>) semaphore(%arg22 : memref<!tpu.dma_semaphore, #tpu.memory_space<semaphore_mem>>)
    %dma_wait3A_476 = arith.constant 128 : i32
    %dma_wait3A_477 = tpu.memref_slice %arg14[%dma_wait3A_476] : memref<512xi32, #tpu.memory_space<vmem>> -> memref<128xi32, #tpu.memory_space<vmem>>
    %dma_wait3A_478 = arith.constant 0 : i32
    %dma_wait3A_479 = arith.constant 0 : i32
    %dma_wait3A_480 = tpu.memref_slice %arg4[%dma_wait3A_478, %dma_wait3A_479] : memref<62500x128xf32, #tpu.memory_space<hbm>> -> memref<62500x128xf32, #tpu.memory_space<hbm>>
    tpu.wait_indirect_dma semaphore(%arg23 : memref<!tpu.dma_semaphore, #tpu.memory_space<semaphore_mem>>) src(%dma_wait3A_480 : memref<62500x128xf32, #tpu.memory_space<hbm>>) dst(%arg17 : memref<128x128xf32, #tpu.memory_space<vmem>>)
    %scan3A_481 = arith.constant 0 : i32
    %scan3A_482 = arith.constant 0 : i32
    %scan3A_483 = arith.constant 64 : i32
    %scan3A_484 = arith.addi %scan3A_482, %scan3A_483 : i32
    %scan3A_485 = arith.constant 1 : i32
    scf.for %scan3A_708 = %scan3A_482 to %scan3A_484 step %scan3A_485  : i32 {
      %mul3A_709 = arith.constant 2 : i32
      %mul3A_710 = arith.muli %mul3A_709, %scan3A_708 : i32
      %add3A_711 = arith.constant 128 : i32
      %add3A_712 = arith.addi %add3A_711, %mul3A_710 : i32
      %mul3A_713 = arith.constant 2 : i32
      %mul3A_714 = arith.muli %mul3A_713, %scan3A_708 : i32
      %add3A_715 = vector.broadcast %mul3A_714 : i32 to vector<16xi32>
      %add3A_716 = arith.addi %add3A_715, %shift_right_logical3A_450 : vector<16xi32>
      %add3A_717 = vector.broadcast %add3A_712 : i32 to vector<16xi32>
      %add3A_718 = arith.addi %add3A_717, %shift_right_logical3A_450 : vector<16xi32>
      %gather3A = tpu.vector_load_idx %arg12[%add3A_718] : memref<512xi32, #tpu.memory_space<vmem>>[vector<16xi32>], vector<16xi32>,
      %and3A_719 = arith.constant 15 : i32
      %and3A_720 = vector.broadcast %and3A_719 : i32 to vector<16xi32>
      %and3A_721 = arith.andi %gather3A, %and3A_720 : vector<16xi32>
      %shift_left3A = arith.constant 3 : i32
      %shift_left3A_722 = vector.broadcast %shift_left3A : i32 to vector<16xi32>
      %shift_left3A_723 = arith.shli %and3A_721, %shift_left3A_722 : vector<16xi32>
      %add3A_724 = arith.addi %shift_left3A_723, %and3A_452 : vector<16xi32>
      %gather3A_725 = tpu.vector_load_idx %arg17[%add3A_716, %add3A_724] : memref<128x128xf32, #tpu.memory_space<vmem>>[vector<16xi32>, vector<16xi32>], vector<16xf32>,
      %mul3A_726 = arith.constant 8 : i32
      %mul3A_727 = arith.muli %add3A_712, %mul3A_726 : i32
      %swap3A_728 = arith.index_cast %mul3A_727 : i32 to index
      %swap3A_729 = tpu.vector_load %arg18[%swap3A_728] {strides = array<i32>} : memref<4096xf32, #tpu.memory_space<vmem>>, vector<16xf32>,
      tpu.vector_store %arg18[%swap3A_728], %gather3A_725 {strides = array<i32>} : memref<4096xf32, #tpu.memory_space<vmem>>, vector<16xf32>,
    }
    %scan3A_486 = arith.constant 64 : i32
    %dma_start3A_487 = arith.constant 384 : i32
    %dma_start3A_488 = tpu.memref_slice %arg14[%dma_start3A_487] : memref<512xi32, #tpu.memory_space<vmem>> -> memref<128xi32, #tpu.memory_space<vmem>>
    %dma_start3A_489 = arith.constant 0 : i32
    %dma_start3A_490 = arith.constant 0 : i32
    %dma_start3A_491 = tpu.memref_slice %arg4[%dma_start3A_489, %dma_start3A_490] : memref<62500x128xf32, #tpu.memory_space<hbm>> -> memref<62500x128xf32, #tpu.memory_space<hbm>>
    tpu.enqueue_indirect_dma source(%dma_start3A_491 : memref<62500x128xf32, #tpu.memory_space<hbm>>) target(%arg17 : memref<128x128xf32, #tpu.memory_space<vmem>>) offsets(%dma_start3A_488 : memref<128xi32, #tpu.memory_space<vmem>>) semaphore(%arg23 : memref<!tpu.dma_semaphore, #tpu.memory_space<semaphore_mem>>)
    %dma_wait3A_492 = arith.constant 256 : i32
    %dma_wait3A_493 = tpu.memref_slice %arg14[%dma_wait3A_492] : memref<512xi32, #tpu.memory_space<vmem>> -> memref<128xi32, #tpu.memory_space<vmem>>
    %dma_wait3A_494 = arith.constant 0 : i32
    %dma_wait3A_495 = arith.constant 0 : i32
    %dma_wait3A_496 = tpu.memref_slice %arg4[%dma_wait3A_494, %dma_wait3A_495] : memref<62500x128xf32, #tpu.memory_space<hbm>> -> memref<62500x128xf32, #tpu.memory_space<hbm>>
    tpu.wait_indirect_dma semaphore(%arg22 : memref<!tpu.dma_semaphore, #tpu.memory_space<semaphore_mem>>) src(%dma_wait3A_496 : memref<62500x128xf32, #tpu.memory_space<hbm>>) dst(%arg16 : memref<128x128xf32, #tpu.memory_space<vmem>>)
    %scan3A_497 = arith.constant 0 : i32
    %scan3A_498 = arith.constant 0 : i32
    %scan3A_499 = arith.constant 64 : i32
    %scan3A_500 = arith.addi %scan3A_498, %scan3A_499 : i32
    %scan3A_501 = arith.constant 1 : i32
    scf.for %scan3A_708 = %scan3A_498 to %scan3A_500 step %scan3A_501  : i32 {
      %mul3A_709 = arith.constant 2 : i32
      %mul3A_710 = arith.muli %mul3A_709, %scan3A_708 : i32
      %add3A_711 = arith.constant 256 : i32
      %add3A_712 = arith.addi %add3A_711, %mul3A_710 : i32
      %mul3A_713 = arith.constant 2 : i32
      %mul3A_714 = arith.muli %mul3A_713, %scan3A_708 : i32
      %add3A_715 = vector.broadcast %mul3A_714 : i32 to vector<16xi32>
      %add3A_716 = arith.addi %add3A_715, %shift_right_logical3A_450 : vector<16xi32>
      %add3A_717 = vector.broadcast %add3A_712 : i32 to vector<16xi32>
      %add3A_718 = arith.addi %add3A_717, %shift_right_logical3A_450 : vector<16xi32>
      %gather3A = tpu.vector_load_idx %arg12[%add3A_718] : memref<512xi32, #tpu.memory_space<vmem>>[vector<16xi32>], vector<16xi32>,
      %and3A_719 = arith.constant 15 : i32
      %and3A_720 = vector.broadcast %and3A_719 : i32 to vector<16xi32>
      %and3A_721 = arith.andi %gather3A, %and3A_720 : vector<16xi32>
      %shift_left3A = arith.constant 3 : i32
      %shift_left3A_722 = vector.broadcast %shift_left3A : i32 to vector<16xi32>
      %shift_left3A_723 = arith.shli %and3A_721, %shift_left3A_722 : vector<16xi32>
      %add3A_724 = arith.addi %shift_left3A_723, %and3A_452 : vector<16xi32>
      %gather3A_725 = tpu.vector_load_idx %arg16[%add3A_716, %add3A_724] : memref<128x128xf32, #tpu.memory_space<vmem>>[vector<16xi32>, vector<16xi32>], vector<16xf32>,
      %mul3A_726 = arith.constant 8 : i32
      %mul3A_727 = arith.muli %add3A_712, %mul3A_726 : i32
      %swap3A_728 = arith.index_cast %mul3A_727 : i32 to index
      %swap3A_729 = tpu.vector_load %arg18[%swap3A_728] {strides = array<i32>} : memref<4096xf32, #tpu.memory_space<vmem>>, vector<16xf32>,
      tpu.vector_store %arg18[%swap3A_728], %gather3A_725 {strides = array<i32>} : memref<4096xf32, #tpu.memory_space<vmem>>, vector<16xf32>,
    }
    %scan3A_502 = arith.constant 64 : i32
    %dma_start3A_503 = arith.constant 0 : i32
    %dma_start3A_504 = tpu.memref_slice %arg15[%dma_start3A_503] : memref<512xi32, #tpu.memory_space<vmem>> -> memref<128xi32, #tpu.memory_space<vmem>>
    %dma_start3A_505 = arith.constant 0 : i32
    %dma_start3A_506 = arith.constant 0 : i32
    %dma_start3A_507 = tpu.memref_slice %arg5[%dma_start3A_505, %dma_start3A_506] : memref<62500x128xf32, #tpu.memory_space<hbm>> -> memref<62500x128xf32, #tpu.memory_space<hbm>>
    tpu.enqueue_indirect_dma source(%dma_start3A_507 : memref<62500x128xf32, #tpu.memory_space<hbm>>) target(%arg16 : memref<128x128xf32, #tpu.memory_space<vmem>>) offsets(%dma_start3A_504 : memref<128xi32, #tpu.memory_space<vmem>>) semaphore(%arg22 : memref<!tpu.dma_semaphore, #tpu.memory_space<semaphore_mem>>)
    %dma_wait3A_508 = arith.constant 384 : i32
    %dma_wait3A_509 = tpu.memref_slice %arg14[%dma_wait3A_508] : memref<512xi32, #tpu.memory_space<vmem>> -> memref<128xi32, #tpu.memory_space<vmem>>
    %dma_wait3A_510 = arith.constant 0 : i32
    %dma_wait3A_511 = arith.constant 0 : i32
    %dma_wait3A_512 = tpu.memref_slice %arg4[%dma_wait3A_510, %dma_wait3A_511] : memref<62500x128xf32, #tpu.memory_space<hbm>> -> memref<62500x128xf32, #tpu.memory_space<hbm>>
    tpu.wait_indirect_dma semaphore(%arg23 : memref<!tpu.dma_semaphore, #tpu.memory_space<semaphore_mem>>) src(%dma_wait3A_512 : memref<62500x128xf32, #tpu.memory_space<hbm>>) dst(%arg17 : memref<128x128xf32, #tpu.memory_space<vmem>>)
    %scan3A_513 = arith.constant 0 : i32
    %scan3A_514 = arith.constant 0 : i32
    %scan3A_515 = arith.constant 64 : i32
    %scan3A_516 = arith.addi %scan3A_514, %scan3A_515 : i32
    %scan3A_517 = arith.constant 1 : i32
    scf.for %scan3A_708 = %scan3A_514 to %scan3A_516 step %scan3A_517  : i32 {
      %mul3A_709 = arith.constant 2 : i32
      %mul3A_710 = arith.muli %mul3A_709, %scan3A_708 : i32
      %add3A_711 = arith.constant 384 : i32
      %add3A_712 = arith.addi %add3A_711, %mul3A_710 : i32
      %mul3A_713 = arith.constant 2 : i32
      %mul3A_714 = arith.muli %mul3A_713, %scan3A_708 : i32
      %add3A_715 = vector.broadcast %mul3A_714 : i32 to vector<16xi32>
      %add3A_716 = arith.addi %add3A_715, %shift_right_logical3A_450 : vector<16xi32>
      %add3A_717 = vector.broadcast %add3A_712 : i32 to vector<16xi32>
      %add3A_718 = arith.addi %add3A_717, %shift_right_logical3A_450 : vector<16xi32>
      %gather3A = tpu.vector_load_idx %arg12[%add3A_718] : memref<512xi32, #tpu.memory_space<vmem>>[vector<16xi32>], vector<16xi32>,
      %and3A_719 = arith.constant 15 : i32
      %and3A_720 = vector.broadcast %and3A_719 : i32 to vector<16xi32>
      %and3A_721 = arith.andi %gather3A, %and3A_720 : vector<16xi32>
      %shift_left3A = arith.constant 3 : i32
      %shift_left3A_722 = vector.broadcast %shift_left3A : i32 to vector<16xi32>
      %shift_left3A_723 = arith.shli %and3A_721, %shift_left3A_722 : vector<16xi32>
      %add3A_724 = arith.addi %shift_left3A_723, %and3A_452 : vector<16xi32>
      %gather3A_725 = tpu.vector_load_idx %arg17[%add3A_716, %add3A_724] : memref<128x128xf32, #tpu.memory_space<vmem>>[vector<16xi32>, vector<16xi32>], vector<16xf32>,
      %mul3A_726 = arith.constant 8 : i32
      %mul3A_727 = arith.muli %add3A_712, %mul3A_726 : i32
      %swap3A_728 = arith.index_cast %mul3A_727 : i32 to index
      %swap3A_729 = tpu.vector_load %arg18[%swap3A_728] {strides = array<i32>} : memref<4096xf32, #tpu.memory_space<vmem>>, vector<16xf32>,
      tpu.vector_store %arg18[%swap3A_728], %gather3A_725 {strides = array<i32>} : memref<4096xf32, #tpu.memory_space<vmem>>, vector<16xf32>,
    }
    %scan3A_518 = arith.constant 64 : i32
    %dma_start3A_519 = arith.constant 128 : i32
    %dma_start3A_520 = tpu.memref_slice %arg15[%dma_start3A_519] : memref<512xi32, #tpu.memory_space<vmem>> -> memref<128xi32, #tpu.memory_space<vmem>>
    %dma_start3A_521 = arith.constant 0 : i32
    %dma_start3A_522 = arith.constant 0 : i32
    %dma_start3A_523 = tpu.memref_slice %arg5[%dma_start3A_521, %dma_start3A_522] : memref<62500x128xf32, #tpu.memory_space<hbm>> -> memref<62500x128xf32, #tpu.memory_space<hbm>>
    tpu.enqueue_indirect_dma source(%dma_start3A_523 : memref<62500x128xf32, #tpu.memory_space<hbm>>) target(%arg17 : memref<128x128xf32, #tpu.memory_space<vmem>>) offsets(%dma_start3A_520 : memref<128xi32, #tpu.memory_space<vmem>>) semaphore(%arg23 : memref<!tpu.dma_semaphore, #tpu.memory_space<semaphore_mem>>)
    %dma_wait3A_524 = arith.constant 0 : i32
    %dma_wait3A_525 = tpu.memref_slice %arg15[%dma_wait3A_524] : memref<512xi32, #tpu.memory_space<vmem>> -> memref<128xi32, #tpu.memory_space<vmem>>
    %dma_wait3A_526 = arith.constant 0 : i32
    %dma_wait3A_527 = arith.constant 0 : i32
    %dma_wait3A_528 = tpu.memref_slice %arg5[%dma_wait3A_526, %dma_wait3A_527] : memref<62500x128xf32, #tpu.memory_space<hbm>> -> memref<62500x128xf32, #tpu.memory_space<hbm>>
    tpu.wait_indirect_dma semaphore(%arg22 : memref<!tpu.dma_semaphore, #tpu.memory_space<semaphore_mem>>) src(%dma_wait3A_528 : memref<62500x128xf32, #tpu.memory_space<hbm>>) dst(%arg16 : memref<128x128xf32, #tpu.memory_space<vmem>>)
    %scan3A_529 = arith.constant 0 : i32
    %scan3A_530 = arith.constant 0 : i32
    %scan3A_531 = arith.constant 64 : i32
    %scan3A_532 = arith.addi %scan3A_530, %scan3A_531 : i32
    %scan3A_533 = arith.constant 1 : i32
    scf.for %scan3A_708 = %scan3A_530 to %scan3A_532 step %scan3A_533  : i32 {
      %mul3A_709 = arith.constant 2 : i32
      %mul3A_710 = arith.muli %mul3A_709, %scan3A_708 : i32
      %add3A_711 = arith.constant 0 : i32
      %add3A_712 = arith.addi %add3A_711, %mul3A_710 : i32
      %mul3A_713 = arith.constant 2 : i32
      %mul3A_714 = arith.muli %mul3A_713, %scan3A_708 : i32
      %add3A_715 = vector.broadcast %mul3A_714 : i32 to vector<16xi32>
      %add3A_716 = arith.addi %add3A_715, %shift_right_logical3A_450 : vector<16xi32>
      %add3A_717 = vector.broadcast %add3A_712 : i32 to vector<16xi32>
      %add3A_718 = arith.addi %add3A_717, %shift_right_logical3A_450 : vector<16xi32>
      %gather3A = tpu.vector_load_idx %arg13[%add3A_718] : memref<512xi32, #tpu.memory_space<vmem>>[vector<16xi32>], vector<16xi32>,
      %and3A_719 = arith.constant 15 : i32
      %and3A_720 = vector.broadcast %and3A_719 : i32 to vector<16xi32>
      %and3A_721 = arith.andi %gather3A, %and3A_720 : vector<16xi32>
      %shift_left3A = arith.constant 3 : i32
      %shift_left3A_722 = vector.broadcast %shift_left3A : i32 to vector<16xi32>
      %shift_left3A_723 = arith.shli %and3A_721, %shift_left3A_722 : vector<16xi32>
      %add3A_724 = arith.addi %shift_left3A_723, %and3A_452 : vector<16xi32>
      %gather3A_725 = tpu.vector_load_idx %arg16[%add3A_716, %add3A_724] : memref<128x128xf32, #tpu.memory_space<vmem>>[vector<16xi32>, vector<16xi32>], vector<16xf32>,
      %mul3A_726 = arith.constant 8 : i32
      %mul3A_727 = arith.muli %add3A_712, %mul3A_726 : i32
      %swap3A_728 = arith.index_cast %mul3A_727 : i32 to index
      %swap3A_729 = tpu.vector_load %arg19[%swap3A_728] {strides = array<i32>} : memref<4096xf32, #tpu.memory_space<vmem>>, vector<16xf32>,
      tpu.vector_store %arg19[%swap3A_728], %gather3A_725 {strides = array<i32>} : memref<4096xf32, #tpu.memory_space<vmem>>, vector<16xf32>,
    }
    %scan3A_534 = arith.constant 64 : i32
    %dma_start3A_535 = arith.constant 256 : i32
    %dma_start3A_536 = tpu.memref_slice %arg15[%dma_start3A_535] : memref<512xi32, #tpu.memory_space<vmem>> -> memref<128xi32, #tpu.memory_space<vmem>>
    %dma_start3A_537 = arith.constant 0 : i32
    %dma_start3A_538 = arith.constant 0 : i32
    %dma_start3A_539 = tpu.memref_slice %arg5[%dma_start3A_537, %dma_start3A_538] : memref<62500x128xf32, #tpu.memory_space<hbm>> -> memref<62500x128xf32, #tpu.memory_space<hbm>>
    tpu.enqueue_indirect_dma source(%dma_start3A_539 : memref<62500x128xf32, #tpu.memory_space<hbm>>) target(%arg16 : memref<128x128xf32, #tpu.memory_space<vmem>>) offsets(%dma_start3A_536 : memref<128xi32, #tpu.memory_space<vmem>>) semaphore(%arg22 : memref<!tpu.dma_semaphore, #tpu.memory_space<semaphore_mem>>)
    %dma_wait3A_540 = arith.constant 128 : i32
    %dma_wait3A_541 = tpu.memref_slice %arg15[%dma_wait3A_540] : memref<512xi32, #tpu.memory_space<vmem>> -> memref<128xi32, #tpu.memory_space<vmem>>
    %dma_wait3A_542 = arith.constant 0 : i32
    %dma_wait3A_543 = arith.constant 0 : i32
    %dma_wait3A_544 = tpu.memref_slice %arg5[%dma_wait3A_542, %dma_wait3A_543] : memref<62500x128xf32, #tpu.memory_space<hbm>> -> memref<62500x128xf32, #tpu.memory_space<hbm>>
    tpu.wait_indirect_dma semaphore(%arg23 : memref<!tpu.dma_semaphore, #tpu.memory_space<semaphore_mem>>) src(%dma_wait3A_544 : memref<62500x128xf32, #tpu.memory_space<hbm>>) dst(%arg17 : memref<128x128xf32, #tpu.memory_space<vmem>>)
    %scan3A_545 = arith.constant 0 : i32
    %scan3A_546 = arith.constant 0 : i32
    %scan3A_547 = arith.constant 64 : i32
    %scan3A_548 = arith.addi %scan3A_546, %scan3A_547 : i32
    %scan3A_549 = arith.constant 1 : i32
    scf.for %scan3A_708 = %scan3A_546 to %scan3A_548 step %scan3A_549  : i32 {
      %mul3A_709 = arith.constant 2 : i32
      %mul3A_710 = arith.muli %mul3A_709, %scan3A_708 : i32
      %add3A_711 = arith.constant 128 : i32
      %add3A_712 = arith.addi %add3A_711, %mul3A_710 : i32
      %mul3A_713 = arith.constant 2 : i32
      %mul3A_714 = arith.muli %mul3A_713, %scan3A_708 : i32
      %add3A_715 = vector.broadcast %mul3A_714 : i32 to vector<16xi32>
      %add3A_716 = arith.addi %add3A_715, %shift_right_logical3A_450 : vector<16xi32>
      %add3A_717 = vector.broadcast %add3A_712 : i32 to vector<16xi32>
      %add3A_718 = arith.addi %add3A_717, %shift_right_logical3A_450 : vector<16xi32>
      %gather3A = tpu.vector_load_idx %arg13[%add3A_718] : memref<512xi32, #tpu.memory_space<vmem>>[vector<16xi32>], vector<16xi32>,
      %and3A_719 = arith.constant 15 : i32
      %and3A_720 = vector.broadcast %and3A_719 : i32 to vector<16xi32>
      %and3A_721 = arith.andi %gather3A, %and3A_720 : vector<16xi32>
      %shift_left3A = arith.constant 3 : i32
      %shift_left3A_722 = vector.broadcast %shift_left3A : i32 to vector<16xi32>
      %shift_left3A_723 = arith.shli %and3A_721, %shift_left3A_722 : vector<16xi32>
      %add3A_724 = arith.addi %shift_left3A_723, %and3A_452 : vector<16xi32>
      %gather3A_725 = tpu.vector_load_idx %arg17[%add3A_716, %add3A_724] : memref<128x128xf32, #tpu.memory_space<vmem>>[vector<16xi32>, vector<16xi32>], vector<16xf32>,
      %mul3A_726 = arith.constant 8 : i32
      %mul3A_727 = arith.muli %add3A_712, %mul3A_726 : i32
      %swap3A_728 = arith.index_cast %mul3A_727 : i32 to index
      %swap3A_729 = tpu.vector_load %arg19[%swap3A_728] {strides = array<i32>} : memref<4096xf32, #tpu.memory_space<vmem>>, vector<16xf32>,
      tpu.vector_store %arg19[%swap3A_728], %gather3A_725 {strides = array<i32>} : memref<4096xf32, #tpu.memory_space<vmem>>, vector<16xf32>,
    }
    %scan3A_550 = arith.constant 64 : i32
    %dma_start3A_551 = arith.constant 384 : i32
    %dma_start3A_552 = tpu.memref_slice %arg15[%dma_start3A_551] : memref<512xi32, #tpu.memory_space<vmem>> -> memref<128xi32, #tpu.memory_space<vmem>>
    %dma_start3A_553 = arith.constant 0 : i32
    %dma_start3A_554 = arith.constant 0 : i32
    %dma_start3A_555 = tpu.memref_slice %arg5[%dma_start3A_553, %dma_start3A_554] : memref<62500x128xf32, #tpu.memory_space<hbm>> -> memref<62500x128xf32, #tpu.memory_space<hbm>>
    tpu.enqueue_indirect_dma source(%dma_start3A_555 : memref<62500x128xf32, #tpu.memory_space<hbm>>) target(%arg17 : memref<128x128xf32, #tpu.memory_space<vmem>>) offsets(%dma_start3A_552 : memref<128xi32, #tpu.memory_space<vmem>>) semaphore(%arg23 : memref<!tpu.dma_semaphore, #tpu.memory_space<semaphore_mem>>)
    %dma_wait3A_556 = arith.constant 256 : i32
    %dma_wait3A_557 = tpu.memref_slice %arg15[%dma_wait3A_556] : memref<512xi32, #tpu.memory_space<vmem>> -> memref<128xi32, #tpu.memory_space<vmem>>
    %dma_wait3A_558 = arith.constant 0 : i32
    %dma_wait3A_559 = arith.constant 0 : i32
    %dma_wait3A_560 = tpu.memref_slice %arg5[%dma_wait3A_558, %dma_wait3A_559] : memref<62500x128xf32, #tpu.memory_space<hbm>> -> memref<62500x128xf32, #tpu.memory_space<hbm>>
    tpu.wait_indirect_dma semaphore(%arg22 : memref<!tpu.dma_semaphore, #tpu.memory_space<semaphore_mem>>) src(%dma_wait3A_560 : memref<62500x128xf32, #tpu.memory_space<hbm>>) dst(%arg16 : memref<128x128xf32, #tpu.memory_space<vmem>>)
    %scan3A_561 = arith.constant 0 : i32
    %scan3A_562 = arith.constant 0 : i32
    %scan3A_563 = arith.constant 64 : i32
    %scan3A_564 = arith.addi %scan3A_562, %scan3A_563 : i32
    %scan3A_565 = arith.constant 1 : i32
    scf.for %scan3A_708 = %scan3A_562 to %scan3A_564 step %scan3A_565  : i32 {
      %mul3A_709 = arith.constant 2 : i32
      %mul3A_710 = arith.muli %mul3A_709, %scan3A_708 : i32
      %add3A_711 = arith.constant 256 : i32
      %add3A_712 = arith.addi %add3A_711, %mul3A_710 : i32
      %mul3A_713 = arith.constant 2 : i32
      %mul3A_714 = arith.muli %mul3A_713, %scan3A_708 : i32
      %add3A_715 = vector.broadcast %mul3A_714 : i32 to vector<16xi32>
      %add3A_716 = arith.addi %add3A_715, %shift_right_logical3A_450 : vector<16xi32>
      %add3A_717 = vector.broadcast %add3A_712 : i32 to vector<16xi32>
      %add3A_718 = arith.addi %add3A_717, %shift_right_logical3A_450 : vector<16xi32>
      %gather3A = tpu.vector_load_idx %arg13[%add3A_718] : memref<512xi32, #tpu.memory_space<vmem>>[vector<16xi32>], vector<16xi32>,
      %and3A_719 = arith.constant 15 : i32
      %and3A_720 = vector.broadcast %and3A_719 : i32 to vector<16xi32>
      %and3A_721 = arith.andi %gather3A, %and3A_720 : vector<16xi32>
      %shift_left3A = arith.constant 3 : i32
      %shift_left3A_722 = vector.broadcast %shift_left3A : i32 to vector<16xi32>
      %shift_left3A_723 = arith.shli %and3A_721, %shift_left3A_722 : vector<16xi32>
      %add3A_724 = arith.addi %shift_left3A_723, %and3A_452 : vector<16xi32>
      %gather3A_725 = tpu.vector_load_idx %arg16[%add3A_716, %add3A_724] : memref<128x128xf32, #tpu.memory_space<vmem>>[vector<16xi32>, vector<16xi32>], vector<16xf32>,
      %mul3A_726 = arith.constant 8 : i32
      %mul3A_727 = arith.muli %add3A_712, %mul3A_726 : i32
      %swap3A_728 = arith.index_cast %mul3A_727 : i32 to index
      %swap3A_729 = tpu.vector_load %arg19[%swap3A_728] {strides = array<i32>} : memref<4096xf32, #tpu.memory_space<vmem>>, vector<16xf32>,
      tpu.vector_store %arg19[%swap3A_728], %gather3A_725 {strides = array<i32>} : memref<4096xf32, #tpu.memory_space<vmem>>, vector<16xf32>,
    }
    %scan3A_566 = arith.constant 64 : i32
    %dma_start3A_567 = arith.constant 0 : i32
    %dma_start3A_568 = tpu.memref_slice %arg14[%dma_start3A_567] : memref<512xi32, #tpu.memory_space<vmem>> -> memref<128xi32, #tpu.memory_space<vmem>>
    %dma_start3A_569 = arith.constant 0 : i32
    %dma_start3A_570 = arith.constant 0 : i32
    %dma_start3A_571 = tpu.memref_slice %arg6[%dma_start3A_569, %dma_start3A_570] : memref<62500x128xf32, #tpu.memory_space<hbm>> -> memref<62500x128xf32, #tpu.memory_space<hbm>>
    tpu.enqueue_indirect_dma source(%dma_start3A_571 : memref<62500x128xf32, #tpu.memory_space<hbm>>) target(%arg16 : memref<128x128xf32, #tpu.memory_space<vmem>>) offsets(%dma_start3A_568 : memref<128xi32, #tpu.memory_space<vmem>>) semaphore(%arg22 : memref<!tpu.dma_semaphore, #tpu.memory_space<semaphore_mem>>)
    %dma_wait3A_572 = arith.constant 384 : i32
    %dma_wait3A_573 = tpu.memref_slice %arg15[%dma_wait3A_572] : memref<512xi32, #tpu.memory_space<vmem>> -> memref<128xi32, #tpu.memory_space<vmem>>
    %dma_wait3A_574 = arith.constant 0 : i32
    %dma_wait3A_575 = arith.constant 0 : i32
    %dma_wait3A_576 = tpu.memref_slice %arg5[%dma_wait3A_574, %dma_wait3A_575] : memref<62500x128xf32, #tpu.memory_space<hbm>> -> memref<62500x128xf32, #tpu.memory_space<hbm>>
    tpu.wait_indirect_dma semaphore(%arg23 : memref<!tpu.dma_semaphore, #tpu.memory_space<semaphore_mem>>) src(%dma_wait3A_576 : memref<62500x128xf32, #tpu.memory_space<hbm>>) dst(%arg17 : memref<128x128xf32, #tpu.memory_space<vmem>>)
    %scan3A_577 = arith.constant 0 : i32
    %scan3A_578 = arith.constant 0 : i32
    %scan3A_579 = arith.constant 64 : i32
    %scan3A_580 = arith.addi %scan3A_578, %scan3A_579 : i32
    %scan3A_581 = arith.constant 1 : i32
    scf.for %scan3A_708 = %scan3A_578 to %scan3A_580 step %scan3A_581  : i32 {
      %mul3A_709 = arith.constant 2 : i32
      %mul3A_710 = arith.muli %mul3A_709, %scan3A_708 : i32
      %add3A_711 = arith.constant 384 : i32
      %add3A_712 = arith.addi %add3A_711, %mul3A_710 : i32
      %mul3A_713 = arith.constant 2 : i32
      %mul3A_714 = arith.muli %mul3A_713, %scan3A_708 : i32
      %add3A_715 = vector.broadcast %mul3A_714 : i32 to vector<16xi32>
      %add3A_716 = arith.addi %add3A_715, %shift_right_logical3A_450 : vector<16xi32>
      %add3A_717 = vector.broadcast %add3A_712 : i32 to vector<16xi32>
      %add3A_718 = arith.addi %add3A_717, %shift_right_logical3A_450 : vector<16xi32>
      %gather3A = tpu.vector_load_idx %arg13[%add3A_718] : memref<512xi32, #tpu.memory_space<vmem>>[vector<16xi32>], vector<16xi32>,
      %and3A_719 = arith.constant 15 : i32
      %and3A_720 = vector.broadcast %and3A_719 : i32 to vector<16xi32>
      %and3A_721 = arith.andi %gather3A, %and3A_720 : vector<16xi32>
      %shift_left3A = arith.constant 3 : i32
      %shift_left3A_722 = vector.broadcast %shift_left3A : i32 to vector<16xi32>
      %shift_left3A_723 = arith.shli %and3A_721, %shift_left3A_722 : vector<16xi32>
      %add3A_724 = arith.addi %shift_left3A_723, %and3A_452 : vector<16xi32>
      %gather3A_725 = tpu.vector_load_idx %arg17[%add3A_716, %add3A_724] : memref<128x128xf32, #tpu.memory_space<vmem>>[vector<16xi32>, vector<16xi32>], vector<16xf32>,
      %mul3A_726 = arith.constant 8 : i32
      %mul3A_727 = arith.muli %add3A_712, %mul3A_726 : i32
      %swap3A_728 = arith.index_cast %mul3A_727 : i32 to index
      %swap3A_729 = tpu.vector_load %arg19[%swap3A_728] {strides = array<i32>} : memref<4096xf32, #tpu.memory_space<vmem>>, vector<16xf32>,
      tpu.vector_store %arg19[%swap3A_728], %gather3A_725 {strides = array<i32>} : memref<4096xf32, #tpu.memory_space<vmem>>, vector<16xf32>,
    }
    %scan3A_582 = arith.constant 64 : i32
    %dma_start3A_583 = arith.constant 128 : i32
    %dma_start3A_584 = tpu.memref_slice %arg14[%dma_start3A_583] : memref<512xi32, #tpu.memory_space<vmem>> -> memref<128xi32, #tpu.memory_space<vmem>>
    %dma_start3A_585 = arith.constant 0 : i32
    %dma_start3A_586 = arith.constant 0 : i32
    %dma_start3A_587 = tpu.memref_slice %arg6[%dma_start3A_585, %dma_start3A_586] : memref<62500x128xf32, #tpu.memory_space<hbm>> -> memref<62500x128xf32, #tpu.memory_space<hbm>>
    tpu.enqueue_indirect_dma source(%dma_start3A_587 : memref<62500x128xf32, #tpu.memory_space<hbm>>) target(%arg17 : memref<128x128xf32, #tpu.memory_space<vmem>>) offsets(%dma_start3A_584 : memref<128xi32, #tpu.memory_space<vmem>>) semaphore(%arg23 : memref<!tpu.dma_semaphore, #tpu.memory_space<semaphore_mem>>)
    %dma_wait3A_588 = arith.constant 0 : i32
    %dma_wait3A_589 = tpu.memref_slice %arg14[%dma_wait3A_588] : memref<512xi32, #tpu.memory_space<vmem>> -> memref<128xi32, #tpu.memory_space<vmem>>
    %dma_wait3A_590 = arith.constant 0 : i32
    %dma_wait3A_591 = arith.constant 0 : i32
    %dma_wait3A_592 = tpu.memref_slice %arg6[%dma_wait3A_590, %dma_wait3A_591] : memref<62500x128xf32, #tpu.memory_space<hbm>> -> memref<62500x128xf32, #tpu.memory_space<hbm>>
    tpu.wait_indirect_dma semaphore(%arg22 : memref<!tpu.dma_semaphore, #tpu.memory_space<semaphore_mem>>) src(%dma_wait3A_592 : memref<62500x128xf32, #tpu.memory_space<hbm>>) dst(%arg16 : memref<128x128xf32, #tpu.memory_space<vmem>>)
    %scan3A_593 = arith.constant 0 : i32
    %scan3A_594 = arith.constant 0 : i32
    %scan3A_595 = arith.constant 64 : i32
    %scan3A_596 = arith.addi %scan3A_594, %scan3A_595 : i32
    %scan3A_597 = arith.constant 1 : i32
    scf.for %scan3A_708 = %scan3A_594 to %scan3A_596 step %scan3A_597  : i32 {
      %mul3A_709 = arith.constant 2 : i32
      %mul3A_710 = arith.muli %mul3A_709, %scan3A_708 : i32
      %add3A_711 = arith.constant 0 : i32
      %add3A_712 = arith.addi %add3A_711, %mul3A_710 : i32
      %mul3A_713 = arith.constant 2 : i32
      %mul3A_714 = arith.muli %mul3A_713, %scan3A_708 : i32
      %add3A_715 = vector.broadcast %mul3A_714 : i32 to vector<16xi32>
      %add3A_716 = arith.addi %add3A_715, %shift_right_logical3A_450 : vector<16xi32>
      %add3A_717 = vector.broadcast %add3A_712 : i32 to vector<16xi32>
      %add3A_718 = arith.addi %add3A_717, %shift_right_logical3A_450 : vector<16xi32>
      %gather3A = tpu.vector_load_idx %arg12[%add3A_718] : memref<512xi32, #tpu.memory_space<vmem>>[vector<16xi32>], vector<16xi32>,
      %and3A_719 = arith.constant 15 : i32
      %and3A_720 = vector.broadcast %and3A_719 : i32 to vector<16xi32>
      %and3A_721 = arith.andi %gather3A, %and3A_720 : vector<16xi32>
      %shift_left3A = arith.constant 3 : i32
      %shift_left3A_722 = vector.broadcast %shift_left3A : i32 to vector<16xi32>
      %shift_left3A_723 = arith.shli %and3A_721, %shift_left3A_722 : vector<16xi32>
      %add3A_724 = arith.addi %shift_left3A_723, %and3A_452 : vector<16xi32>
      %gather3A_725 = tpu.vector_load_idx %arg16[%add3A_716, %add3A_724] : memref<128x128xf32, #tpu.memory_space<vmem>>[vector<16xi32>, vector<16xi32>], vector<16xf32>,
      %mul3A_726 = arith.constant 8 : i32
      %mul3A_727 = arith.muli %add3A_712, %mul3A_726 : i32
      %swap3A_728 = arith.index_cast %mul3A_727 : i32 to index
      %swap3A_729 = tpu.vector_load %arg20[%swap3A_728] {strides = array<i32>} : memref<4096xf32, #tpu.memory_space<vmem>>, vector<16xf32>,
      tpu.vector_store %arg20[%swap3A_728], %gather3A_725 {strides = array<i32>} : memref<4096xf32, #tpu.memory_space<vmem>>, vector<16xf32>,
    }
    %scan3A_598 = arith.constant 64 : i32
    %dma_start3A_599 = arith.constant 256 : i32
    %dma_start3A_600 = tpu.memref_slice %arg14[%dma_start3A_599] : memref<512xi32, #tpu.memory_space<vmem>> -> memref<128xi32, #tpu.memory_space<vmem>>
    %dma_start3A_601 = arith.constant 0 : i32
    %dma_start3A_602 = arith.constant 0 : i32
    %dma_start3A_603 = tpu.memref_slice %arg6[%dma_start3A_601, %dma_start3A_602] : memref<62500x128xf32, #tpu.memory_space<hbm>> -> memref<62500x128xf32, #tpu.memory_space<hbm>>
    tpu.enqueue_indirect_dma source(%dma_start3A_603 : memref<62500x128xf32, #tpu.memory_space<hbm>>) target(%arg16 : memref<128x128xf32, #tpu.memory_space<vmem>>) offsets(%dma_start3A_600 : memref<128xi32, #tpu.memory_space<vmem>>) semaphore(%arg22 : memref<!tpu.dma_semaphore, #tpu.memory_space<semaphore_mem>>)
    %dma_wait3A_604 = arith.constant 128 : i32
    %dma_wait3A_605 = tpu.memref_slice %arg14[%dma_wait3A_604] : memref<512xi32, #tpu.memory_space<vmem>> -> memref<128xi32, #tpu.memory_space<vmem>>
    %dma_wait3A_606 = arith.constant 0 : i32
    %dma_wait3A_607 = arith.constant 0 : i32
    %dma_wait3A_608 = tpu.memref_slice %arg6[%dma_wait3A_606, %dma_wait3A_607] : memref<62500x128xf32, #tpu.memory_space<hbm>> -> memref<62500x128xf32, #tpu.memory_space<hbm>>
    tpu.wait_indirect_dma semaphore(%arg23 : memref<!tpu.dma_semaphore, #tpu.memory_space<semaphore_mem>>) src(%dma_wait3A_608 : memref<62500x128xf32, #tpu.memory_space<hbm>>) dst(%arg17 : memref<128x128xf32, #tpu.memory_space<vmem>>)
    %scan3A_609 = arith.constant 0 : i32
    %scan3A_610 = arith.constant 0 : i32
    %scan3A_611 = arith.constant 64 : i32
    %scan3A_612 = arith.addi %scan3A_610, %scan3A_611 : i32
    %scan3A_613 = arith.constant 1 : i32
    scf.for %scan3A_708 = %scan3A_610 to %scan3A_612 step %scan3A_613  : i32 {
      %mul3A_709 = arith.constant 2 : i32
      %mul3A_710 = arith.muli %mul3A_709, %scan3A_708 : i32
      %add3A_711 = arith.constant 128 : i32
      %add3A_712 = arith.addi %add3A_711, %mul3A_710 : i32
      %mul3A_713 = arith.constant 2 : i32
      %mul3A_714 = arith.muli %mul3A_713, %scan3A_708 : i32
      %add3A_715 = vector.broadcast %mul3A_714 : i32 to vector<16xi32>
      %add3A_716 = arith.addi %add3A_715, %shift_right_logical3A_450 : vector<16xi32>
      %add3A_717 = vector.broadcast %add3A_712 : i32 to vector<16xi32>
      %add3A_718 = arith.addi %add3A_717, %shift_right_logical3A_450 : vector<16xi32>
      %gather3A = tpu.vector_load_idx %arg12[%add3A_718] : memref<512xi32, #tpu.memory_space<vmem>>[vector<16xi32>], vector<16xi32>,
      %and3A_719 = arith.constant 15 : i32
      %and3A_720 = vector.broadcast %and3A_719 : i32 to vector<16xi32>
      %and3A_721 = arith.andi %gather3A, %and3A_720 : vector<16xi32>
      %shift_left3A = arith.constant 3 : i32
      %shift_left3A_722 = vector.broadcast %shift_left3A : i32 to vector<16xi32>
      %shift_left3A_723 = arith.shli %and3A_721, %shift_left3A_722 : vector<16xi32>
      %add3A_724 = arith.addi %shift_left3A_723, %and3A_452 : vector<16xi32>
      %gather3A_725 = tpu.vector_load_idx %arg17[%add3A_716, %add3A_724] : memref<128x128xf32, #tpu.memory_space<vmem>>[vector<16xi32>, vector<16xi32>], vector<16xf32>,
      %mul3A_726 = arith.constant 8 : i32
      %mul3A_727 = arith.muli %add3A_712, %mul3A_726 : i32
      %swap3A_728 = arith.index_cast %mul3A_727 : i32 to index
      %swap3A_729 = tpu.vector_load %arg20[%swap3A_728] {strides = array<i32>} : memref<4096xf32, #tpu.memory_space<vmem>>, vector<16xf32>,
      tpu.vector_store %arg20[%swap3A_728], %gather3A_725 {strides = array<i32>} : memref<4096xf32, #tpu.memory_space<vmem>>, vector<16xf32>,
    }
    %scan3A_614 = arith.constant 64 : i32
    %dma_start3A_615 = arith.constant 384 : i32
    %dma_start3A_616 = tpu.memref_slice %arg14[%dma_start3A_615] : memref<512xi32, #tpu.memory_space<vmem>> -> memref<128xi32, #tpu.memory_space<vmem>>
    %dma_start3A_617 = arith.constant 0 : i32
    %dma_start3A_618 = arith.constant 0 : i32
    %dma_start3A_619 = tpu.memref_slice %arg6[%dma_start3A_617, %dma_start3A_618] : memref<62500x128xf32, #tpu.memory_space<hbm>> -> memref<62500x128xf32, #tpu.memory_space<hbm>>
    tpu.enqueue_indirect_dma source(%dma_start3A_619 : memref<62500x128xf32, #tpu.memory_space<hbm>>) target(%arg17 : memref<128x128xf32, #tpu.memory_space<vmem>>) offsets(%dma_start3A_616 : memref<128xi32, #tpu.memory_space<vmem>>) semaphore(%arg23 : memref<!tpu.dma_semaphore, #tpu.memory_space<semaphore_mem>>)
    %dma_wait3A_620 = arith.constant 256 : i32
    %dma_wait3A_621 = tpu.memref_slice %arg14[%dma_wait3A_620] : memref<512xi32, #tpu.memory_space<vmem>> -> memref<128xi32, #tpu.memory_space<vmem>>
    %dma_wait3A_622 = arith.constant 0 : i32
    %dma_wait3A_623 = arith.constant 0 : i32
    %dma_wait3A_624 = tpu.memref_slice %arg6[%dma_wait3A_622, %dma_wait3A_623] : memref<62500x128xf32, #tpu.memory_space<hbm>> -> memref<62500x128xf32, #tpu.memory_space<hbm>>
    tpu.wait_indirect_dma semaphore(%arg22 : memref<!tpu.dma_semaphore, #tpu.memory_space<semaphore_mem>>) src(%dma_wait3A_624 : memref<62500x128xf32, #tpu.memory_space<hbm>>) dst(%arg16 : memref<128x128xf32, #tpu.memory_space<vmem>>)
    %scan3A_625 = arith.constant 0 : i32
    %scan3A_626 = arith.constant 0 : i32
    %scan3A_627 = arith.constant 64 : i32
    %scan3A_628 = arith.addi %scan3A_626, %scan3A_627 : i32
    %scan3A_629 = arith.constant 1 : i32
    scf.for %scan3A_708 = %scan3A_626 to %scan3A_628 step %scan3A_629  : i32 {
      %mul3A_709 = arith.constant 2 : i32
      %mul3A_710 = arith.muli %mul3A_709, %scan3A_708 : i32
      %add3A_711 = arith.constant 256 : i32
      %add3A_712 = arith.addi %add3A_711, %mul3A_710 : i32
      %mul3A_713 = arith.constant 2 : i32
      %mul3A_714 = arith.muli %mul3A_713, %scan3A_708 : i32
      %add3A_715 = vector.broadcast %mul3A_714 : i32 to vector<16xi32>
      %add3A_716 = arith.addi %add3A_715, %shift_right_logical3A_450 : vector<16xi32>
      %add3A_717 = vector.broadcast %add3A_712 : i32 to vector<16xi32>
      %add3A_718 = arith.addi %add3A_717, %shift_right_logical3A_450 : vector<16xi32>
      %gather3A = tpu.vector_load_idx %arg12[%add3A_718] : memref<512xi32, #tpu.memory_space<vmem>>[vector<16xi32>], vector<16xi32>,
      %and3A_719 = arith.constant 15 : i32
      %and3A_720 = vector.broadcast %and3A_719 : i32 to vector<16xi32>
      %and3A_721 = arith.andi %gather3A, %and3A_720 : vector<16xi32>
      %shift_left3A = arith.constant 3 : i32
      %shift_left3A_722 = vector.broadcast %shift_left3A : i32 to vector<16xi32>
      %shift_left3A_723 = arith.shli %and3A_721, %shift_left3A_722 : vector<16xi32>
      %add3A_724 = arith.addi %shift_left3A_723, %and3A_452 : vector<16xi32>
      %gather3A_725 = tpu.vector_load_idx %arg16[%add3A_716, %add3A_724] : memref<128x128xf32, #tpu.memory_space<vmem>>[vector<16xi32>, vector<16xi32>], vector<16xf32>,
      %mul3A_726 = arith.constant 8 : i32
      %mul3A_727 = arith.muli %add3A_712, %mul3A_726 : i32
      %swap3A_728 = arith.index_cast %mul3A_727 : i32 to index
      %swap3A_729 = tpu.vector_load %arg20[%swap3A_728] {strides = array<i32>} : memref<4096xf32, #tpu.memory_space<vmem>>, vector<16xf32>,
      tpu.vector_store %arg20[%swap3A_728], %gather3A_725 {strides = array<i32>} : memref<4096xf32, #tpu.memory_space<vmem>>, vector<16xf32>,
    }
    %scan3A_630 = arith.constant 64 : i32
    %dma_start3A_631 = arith.constant 0 : i32
    %dma_start3A_632 = tpu.memref_slice %arg15[%dma_start3A_631] : memref<512xi32, #tpu.memory_space<vmem>> -> memref<128xi32, #tpu.memory_space<vmem>>
    %dma_start3A_633 = arith.constant 0 : i32
    %dma_start3A_634 = arith.constant 0 : i32
    %dma_start3A_635 = tpu.memref_slice %arg7[%dma_start3A_633, %dma_start3A_634] : memref<62500x128xf32, #tpu.memory_space<hbm>> -> memref<62500x128xf32, #tpu.memory_space<hbm>>
    tpu.enqueue_indirect_dma source(%dma_start3A_635 : memref<62500x128xf32, #tpu.memory_space<hbm>>) target(%arg16 : memref<128x128xf32, #tpu.memory_space<vmem>>) offsets(%dma_start3A_632 : memref<128xi32, #tpu.memory_space<vmem>>) semaphore(%arg22 : memref<!tpu.dma_semaphore, #tpu.memory_space<semaphore_mem>>)
    %dma_wait3A_636 = arith.constant 384 : i32
    %dma_wait3A_637 = tpu.memref_slice %arg14[%dma_wait3A_636] : memref<512xi32, #tpu.memory_space<vmem>> -> memref<128xi32, #tpu.memory_space<vmem>>
    %dma_wait3A_638 = arith.constant 0 : i32
    %dma_wait3A_639 = arith.constant 0 : i32
    %dma_wait3A_640 = tpu.memref_slice %arg6[%dma_wait3A_638, %dma_wait3A_639] : memref<62500x128xf32, #tpu.memory_space<hbm>> -> memref<62500x128xf32, #tpu.memory_space<hbm>>
    tpu.wait_indirect_dma semaphore(%arg23 : memref<!tpu.dma_semaphore, #tpu.memory_space<semaphore_mem>>) src(%dma_wait3A_640 : memref<62500x128xf32, #tpu.memory_space<hbm>>) dst(%arg17 : memref<128x128xf32, #tpu.memory_space<vmem>>)
    %scan3A_641 = arith.constant 0 : i32
    %scan3A_642 = arith.constant 0 : i32
    %scan3A_643 = arith.constant 64 : i32
    %scan3A_644 = arith.addi %scan3A_642, %scan3A_643 : i32
    %scan3A_645 = arith.constant 1 : i32
    scf.for %scan3A_708 = %scan3A_642 to %scan3A_644 step %scan3A_645  : i32 {
      %mul3A_709 = arith.constant 2 : i32
      %mul3A_710 = arith.muli %mul3A_709, %scan3A_708 : i32
      %add3A_711 = arith.constant 384 : i32
      %add3A_712 = arith.addi %add3A_711, %mul3A_710 : i32
      %mul3A_713 = arith.constant 2 : i32
      %mul3A_714 = arith.muli %mul3A_713, %scan3A_708 : i32
      %add3A_715 = vector.broadcast %mul3A_714 : i32 to vector<16xi32>
      %add3A_716 = arith.addi %add3A_715, %shift_right_logical3A_450 : vector<16xi32>
      %add3A_717 = vector.broadcast %add3A_712 : i32 to vector<16xi32>
      %add3A_718 = arith.addi %add3A_717, %shift_right_logical3A_450 : vector<16xi32>
      %gather3A = tpu.vector_load_idx %arg12[%add3A_718] : memref<512xi32, #tpu.memory_space<vmem>>[vector<16xi32>], vector<16xi32>,
      %and3A_719 = arith.constant 15 : i32
      %and3A_720 = vector.broadcast %and3A_719 : i32 to vector<16xi32>
      %and3A_721 = arith.andi %gather3A, %and3A_720 : vector<16xi32>
      %shift_left3A = arith.constant 3 : i32
      %shift_left3A_722 = vector.broadcast %shift_left3A : i32 to vector<16xi32>
      %shift_left3A_723 = arith.shli %and3A_721, %shift_left3A_722 : vector<16xi32>
      %add3A_724 = arith.addi %shift_left3A_723, %and3A_452 : vector<16xi32>
      %gather3A_725 = tpu.vector_load_idx %arg17[%add3A_716, %add3A_724] : memref<128x128xf32, #tpu.memory_space<vmem>>[vector<16xi32>, vector<16xi32>], vector<16xf32>,
      %mul3A_726 = arith.constant 8 : i32
      %mul3A_727 = arith.muli %add3A_712, %mul3A_726 : i32
      %swap3A_728 = arith.index_cast %mul3A_727 : i32 to index
      %swap3A_729 = tpu.vector_load %arg20[%swap3A_728] {strides = array<i32>} : memref<4096xf32, #tpu.memory_space<vmem>>, vector<16xf32>,
      tpu.vector_store %arg20[%swap3A_728], %gather3A_725 {strides = array<i32>} : memref<4096xf32, #tpu.memory_space<vmem>>, vector<16xf32>,
    }
    %scan3A_646 = arith.constant 64 : i32
    %dma_start3A_647 = arith.constant 128 : i32
    %dma_start3A_648 = tpu.memref_slice %arg15[%dma_start3A_647] : memref<512xi32, #tpu.memory_space<vmem>> -> memref<128xi32, #tpu.memory_space<vmem>>
    %dma_start3A_649 = arith.constant 0 : i32
    %dma_start3A_650 = arith.constant 0 : i32
    %dma_start3A_651 = tpu.memref_slice %arg7[%dma_start3A_649, %dma_start3A_650] : memref<62500x128xf32, #tpu.memory_space<hbm>> -> memref<62500x128xf32, #tpu.memory_space<hbm>>
    tpu.enqueue_indirect_dma source(%dma_start3A_651 : memref<62500x128xf32, #tpu.memory_space<hbm>>) target(%arg17 : memref<128x128xf32, #tpu.memory_space<vmem>>) offsets(%dma_start3A_648 : memref<128xi32, #tpu.memory_space<vmem>>) semaphore(%arg23 : memref<!tpu.dma_semaphore, #tpu.memory_space<semaphore_mem>>)
    %dma_wait3A_652 = arith.constant 0 : i32
    %dma_wait3A_653 = tpu.memref_slice %arg15[%dma_wait3A_652] : memref<512xi32, #tpu.memory_space<vmem>> -> memref<128xi32, #tpu.memory_space<vmem>>
    %dma_wait3A_654 = arith.constant 0 : i32
    %dma_wait3A_655 = arith.constant 0 : i32
    %dma_wait3A_656 = tpu.memref_slice %arg7[%dma_wait3A_654, %dma_wait3A_655] : memref<62500x128xf32, #tpu.memory_space<hbm>> -> memref<62500x128xf32, #tpu.memory_space<hbm>>
    tpu.wait_indirect_dma semaphore(%arg22 : memref<!tpu.dma_semaphore, #tpu.memory_space<semaphore_mem>>) src(%dma_wait3A_656 : memref<62500x128xf32, #tpu.memory_space<hbm>>) dst(%arg16 : memref<128x128xf32, #tpu.memory_space<vmem>>)
    %scan3A_657 = arith.constant 0 : i32
    %scan3A_658 = arith.constant 0 : i32
    %scan3A_659 = arith.constant 64 : i32
    %scan3A_660 = arith.addi %scan3A_658, %scan3A_659 : i32
    %scan3A_661 = arith.constant 1 : i32
    scf.for %scan3A_708 = %scan3A_658 to %scan3A_660 step %scan3A_661  : i32 {
      %mul3A_709 = arith.constant 2 : i32
      %mul3A_710 = arith.muli %mul3A_709, %scan3A_708 : i32
      %add3A_711 = arith.constant 0 : i32
      %add3A_712 = arith.addi %add3A_711, %mul3A_710 : i32
      %mul3A_713 = arith.constant 2 : i32
      %mul3A_714 = arith.muli %mul3A_713, %scan3A_708 : i32
      %add3A_715 = vector.broadcast %mul3A_714 : i32 to vector<16xi32>
      %add3A_716 = arith.addi %add3A_715, %shift_right_logical3A_450 : vector<16xi32>
      %add3A_717 = vector.broadcast %add3A_712 : i32 to vector<16xi32>
      %add3A_718 = arith.addi %add3A_717, %shift_right_logical3A_450 : vector<16xi32>
      %gather3A = tpu.vector_load_idx %arg13[%add3A_718] : memref<512xi32, #tpu.memory_space<vmem>>[vector<16xi32>], vector<16xi32>,
      %and3A_719 = arith.constant 15 : i32
      %and3A_720 = vector.broadcast %and3A_719 : i32 to vector<16xi32>
      %and3A_721 = arith.andi %gather3A, %and3A_720 : vector<16xi32>
      %shift_left3A = arith.constant 3 : i32
      %shift_left3A_722 = vector.broadcast %shift_left3A : i32 to vector<16xi32>
      %shift_left3A_723 = arith.shli %and3A_721, %shift_left3A_722 : vector<16xi32>
      %add3A_724 = arith.addi %shift_left3A_723, %and3A_452 : vector<16xi32>
      %gather3A_725 = tpu.vector_load_idx %arg16[%add3A_716, %add3A_724] : memref<128x128xf32, #tpu.memory_space<vmem>>[vector<16xi32>, vector<16xi32>], vector<16xf32>,
      %mul3A_726 = arith.constant 8 : i32
      %mul3A_727 = arith.muli %add3A_712, %mul3A_726 : i32
      %swap3A_728 = arith.index_cast %mul3A_727 : i32 to index
      %swap3A_729 = tpu.vector_load %arg21[%swap3A_728] {strides = array<i32>} : memref<4096xf32, #tpu.memory_space<vmem>>, vector<16xf32>,
      tpu.vector_store %arg21[%swap3A_728], %gather3A_725 {strides = array<i32>} : memref<4096xf32, #tpu.memory_space<vmem>>, vector<16xf32>,
    }
    %scan3A_662 = arith.constant 64 : i32
    %dma_start3A_663 = arith.constant 256 : i32
    %dma_start3A_664 = tpu.memref_slice %arg15[%dma_start3A_663] : memref<512xi32, #tpu.memory_space<vmem>> -> memref<128xi32, #tpu.memory_space<vmem>>
    %dma_start3A_665 = arith.constant 0 : i32
    %dma_start3A_666 = arith.constant 0 : i32
    %dma_start3A_667 = tpu.memref_slice %arg7[%dma_start3A_665, %dma_start3A_666] : memref<62500x128xf32, #tpu.memory_space<hbm>> -> memref<62500x128xf32, #tpu.memory_space<hbm>>
    tpu.enqueue_indirect_dma source(%dma_start3A_667 : memref<62500x128xf32, #tpu.memory_space<hbm>>) target(%arg16 : memref<128x128xf32, #tpu.memory_space<vmem>>) offsets(%dma_start3A_664 : memref<128xi32, #tpu.memory_space<vmem>>) semaphore(%arg22 : memref<!tpu.dma_semaphore, #tpu.memory_space<semaphore_mem>>)
    %dma_wait3A_668 = arith.constant 128 : i32
    %dma_wait3A_669 = tpu.memref_slice %arg15[%dma_wait3A_668] : memref<512xi32, #tpu.memory_space<vmem>> -> memref<128xi32, #tpu.memory_space<vmem>>
    %dma_wait3A_670 = arith.constant 0 : i32
    %dma_wait3A_671 = arith.constant 0 : i32
    %dma_wait3A_672 = tpu.memref_slice %arg7[%dma_wait3A_670, %dma_wait3A_671] : memref<62500x128xf32, #tpu.memory_space<hbm>> -> memref<62500x128xf32, #tpu.memory_space<hbm>>
    tpu.wait_indirect_dma semaphore(%arg23 : memref<!tpu.dma_semaphore, #tpu.memory_space<semaphore_mem>>) src(%dma_wait3A_672 : memref<62500x128xf32, #tpu.memory_space<hbm>>) dst(%arg17 : memref<128x128xf32, #tpu.memory_space<vmem>>)
    %scan3A_673 = arith.constant 0 : i32
    %scan3A_674 = arith.constant 0 : i32
    %scan3A_675 = arith.constant 64 : i32
    %scan3A_676 = arith.addi %scan3A_674, %scan3A_675 : i32
    %scan3A_677 = arith.constant 1 : i32
    scf.for %scan3A_708 = %scan3A_674 to %scan3A_676 step %scan3A_677  : i32 {
      %mul3A_709 = arith.constant 2 : i32
      %mul3A_710 = arith.muli %mul3A_709, %scan3A_708 : i32
      %add3A_711 = arith.constant 128 : i32
      %add3A_712 = arith.addi %add3A_711, %mul3A_710 : i32
      %mul3A_713 = arith.constant 2 : i32
      %mul3A_714 = arith.muli %mul3A_713, %scan3A_708 : i32
      %add3A_715 = vector.broadcast %mul3A_714 : i32 to vector<16xi32>
      %add3A_716 = arith.addi %add3A_715, %shift_right_logical3A_450 : vector<16xi32>
      %add3A_717 = vector.broadcast %add3A_712 : i32 to vector<16xi32>
      %add3A_718 = arith.addi %add3A_717, %shift_right_logical3A_450 : vector<16xi32>
      %gather3A = tpu.vector_load_idx %arg13[%add3A_718] : memref<512xi32, #tpu.memory_space<vmem>>[vector<16xi32>], vector<16xi32>,
      %and3A_719 = arith.constant 15 : i32
      %and3A_720 = vector.broadcast %and3A_719 : i32 to vector<16xi32>
      %and3A_721 = arith.andi %gather3A, %and3A_720 : vector<16xi32>
      %shift_left3A = arith.constant 3 : i32
      %shift_left3A_722 = vector.broadcast %shift_left3A : i32 to vector<16xi32>
      %shift_left3A_723 = arith.shli %and3A_721, %shift_left3A_722 : vector<16xi32>
      %add3A_724 = arith.addi %shift_left3A_723, %and3A_452 : vector<16xi32>
      %gather3A_725 = tpu.vector_load_idx %arg17[%add3A_716, %add3A_724] : memref<128x128xf32, #tpu.memory_space<vmem>>[vector<16xi32>, vector<16xi32>], vector<16xf32>,
      %mul3A_726 = arith.constant 8 : i32
      %mul3A_727 = arith.muli %add3A_712, %mul3A_726 : i32
      %swap3A_728 = arith.index_cast %mul3A_727 : i32 to index
      %swap3A_729 = tpu.vector_load %arg21[%swap3A_728] {strides = array<i32>} : memref<4096xf32, #tpu.memory_space<vmem>>, vector<16xf32>,
      tpu.vector_store %arg21[%swap3A_728], %gather3A_725 {strides = array<i32>} : memref<4096xf32, #tpu.memory_space<vmem>>, vector<16xf32>,
    }
    %scan3A_678 = arith.constant 64 : i32
    %dma_start3A_679 = arith.constant 384 : i32
    %dma_start3A_680 = tpu.memref_slice %arg15[%dma_start3A_679] : memref<512xi32, #tpu.memory_space<vmem>> -> memref<128xi32, #tpu.memory_space<vmem>>
    %dma_start3A_681 = arith.constant 0 : i32
    %dma_start3A_682 = arith.constant 0 : i32
    %dma_start3A_683 = tpu.memref_slice %arg7[%dma_start3A_681, %dma_start3A_682] : memref<62500x128xf32, #tpu.memory_space<hbm>> -> memref<62500x128xf32, #tpu.memory_space<hbm>>
    tpu.enqueue_indirect_dma source(%dma_start3A_683 : memref<62500x128xf32, #tpu.memory_space<hbm>>) target(%arg17 : memref<128x128xf32, #tpu.memory_space<vmem>>) offsets(%dma_start3A_680 : memref<128xi32, #tpu.memory_space<vmem>>) semaphore(%arg23 : memref<!tpu.dma_semaphore, #tpu.memory_space<semaphore_mem>>)
    %dma_wait3A_684 = arith.constant 256 : i32
    %dma_wait3A_685 = tpu.memref_slice %arg15[%dma_wait3A_684] : memref<512xi32, #tpu.memory_space<vmem>> -> memref<128xi32, #tpu.memory_space<vmem>>
    %dma_wait3A_686 = arith.constant 0 : i32
    %dma_wait3A_687 = arith.constant 0 : i32
    %dma_wait3A_688 = tpu.memref_slice %arg7[%dma_wait3A_686, %dma_wait3A_687] : memref<62500x128xf32, #tpu.memory_space<hbm>> -> memref<62500x128xf32, #tpu.memory_space<hbm>>
    tpu.wait_indirect_dma semaphore(%arg22 : memref<!tpu.dma_semaphore, #tpu.memory_space<semaphore_mem>>) src(%dma_wait3A_688 : memref<62500x128xf32, #tpu.memory_space<hbm>>) dst(%arg16 : memref<128x128xf32, #tpu.memory_space<vmem>>)
    %scan3A_689 = arith.constant 0 : i32
    %scan3A_690 = arith.constant 0 : i32
    %scan3A_691 = arith.constant 64 : i32
    %scan3A_692 = arith.addi %scan3A_690, %scan3A_691 : i32
    %scan3A_693 = arith.constant 1 : i32
    scf.for %scan3A_708 = %scan3A_690 to %scan3A_692 step %scan3A_693  : i32 {
      %mul3A_709 = arith.constant 2 : i32
      %mul3A_710 = arith.muli %mul3A_709, %scan3A_708 : i32
      %add3A_711 = arith.constant 256 : i32
      %add3A_712 = arith.addi %add3A_711, %mul3A_710 : i32
      %mul3A_713 = arith.constant 2 : i32
      %mul3A_714 = arith.muli %mul3A_713, %scan3A_708 : i32
      %add3A_715 = vector.broadcast %mul3A_714 : i32 to vector<16xi32>
      %add3A_716 = arith.addi %add3A_715, %shift_right_logical3A_450 : vector<16xi32>
      %add3A_717 = vector.broadcast %add3A_712 : i32 to vector<16xi32>
      %add3A_718 = arith.addi %add3A_717, %shift_right_logical3A_450 : vector<16xi32>
      %gather3A = tpu.vector_load_idx %arg13[%add3A_718] : memref<512xi32, #tpu.memory_space<vmem>>[vector<16xi32>], vector<16xi32>,
      %and3A_719 = arith.constant 15 : i32
      %and3A_720 = vector.broadcast %and3A_719 : i32 to vector<16xi32>
      %and3A_721 = arith.andi %gather3A, %and3A_720 : vector<16xi32>
      %shift_left3A = arith.constant 3 : i32
      %shift_left3A_722 = vector.broadcast %shift_left3A : i32 to vector<16xi32>
      %shift_left3A_723 = arith.shli %and3A_721, %shift_left3A_722 : vector<16xi32>
      %add3A_724 = arith.addi %shift_left3A_723, %and3A_452 : vector<16xi32>
      %gather3A_725 = tpu.vector_load_idx %arg16[%add3A_716, %add3A_724] : memref<128x128xf32, #tpu.memory_space<vmem>>[vector<16xi32>, vector<16xi32>], vector<16xf32>,
      %mul3A_726 = arith.constant 8 : i32
      %mul3A_727 = arith.muli %add3A_712, %mul3A_726 : i32
      %swap3A_728 = arith.index_cast %mul3A_727 : i32 to index
      %swap3A_729 = tpu.vector_load %arg21[%swap3A_728] {strides = array<i32>} : memref<4096xf32, #tpu.memory_space<vmem>>, vector<16xf32>,
      tpu.vector_store %arg21[%swap3A_728], %gather3A_725 {strides = array<i32>} : memref<4096xf32, #tpu.memory_space<vmem>>, vector<16xf32>,
    }
    %scan3A_694 = arith.constant 64 : i32
    %dma_wait3A_695 = arith.constant 384 : i32
    %dma_wait3A_696 = tpu.memref_slice %arg15[%dma_wait3A_695] : memref<512xi32, #tpu.memory_space<vmem>> -> memref<128xi32, #tpu.memory_space<vmem>>
    %dma_wait3A_697 = arith.constant 0 : i32
    %dma_wait3A_698 = arith.constant 0 : i32
    %dma_wait3A_699 = tpu.memref_slice %arg7[%dma_wait3A_697, %dma_wait3A_698] : memref<62500x128xf32, #tpu.memory_space<hbm>> -> memref<62500x128xf32, #tpu.memory_space<hbm>>
    tpu.wait_indirect_dma semaphore(%arg23 : memref<!tpu.dma_semaphore, #tpu.memory_space<semaphore_mem>>) src(%dma_wait3A_699 : memref<62500x128xf32, #tpu.memory_space<hbm>>) dst(%arg17 : memref<128x128xf32, #tpu.memory_space<vmem>>)
    %scan3A_700 = arith.constant 0 : i32
    %scan3A_701 = arith.constant 0 : i32
    %scan3A_702 = arith.constant 64 : i32
    %scan3A_703 = arith.addi %scan3A_701, %scan3A_702 : i32
    %scan3A_704 = arith.constant 1 : i32
    scf.for %scan3A_708 = %scan3A_701 to %scan3A_703 step %scan3A_704  : i32 {
      %mul3A_709 = arith.constant 2 : i32
      %mul3A_710 = arith.muli %mul3A_709, %scan3A_708 : i32
      %add3A_711 = arith.constant 384 : i32
      %add3A_712 = arith.addi %add3A_711, %mul3A_710 : i32
      %mul3A_713 = arith.constant 2 : i32
      %mul3A_714 = arith.muli %mul3A_713, %scan3A_708 : i32
      %add3A_715 = vector.broadcast %mul3A_714 : i32 to vector<16xi32>
      %add3A_716 = arith.addi %add3A_715, %shift_right_logical3A_450 : vector<16xi32>
      %add3A_717 = vector.broadcast %add3A_712 : i32 to vector<16xi32>
      %add3A_718 = arith.addi %add3A_717, %shift_right_logical3A_450 : vector<16xi32>
      %gather3A = tpu.vector_load_idx %arg13[%add3A_718] : memref<512xi32, #tpu.memory_space<vmem>>[vector<16xi32>], vector<16xi32>,
      %and3A_719 = arith.constant 15 : i32
      %and3A_720 = vector.broadcast %and3A_719 : i32 to vector<16xi32>
      %and3A_721 = arith.andi %gather3A, %and3A_720 : vector<16xi32>
      %shift_left3A = arith.constant 3 : i32
      %shift_left3A_722 = vector.broadcast %shift_left3A : i32 to vector<16xi32>
      %shift_left3A_723 = arith.shli %and3A_721, %shift_left3A_722 : vector<16xi32>
      %add3A_724 = arith.addi %shift_left3A_723, %and3A_452 : vector<16xi32>
      %gather3A_725 = tpu.vector_load_idx %arg17[%add3A_716, %add3A_724] : memref<128x128xf32, #tpu.memory_space<vmem>>[vector<16xi32>, vector<16xi32>], vector<16xf32>,
      %mul3A_726 = arith.constant 8 : i32
      %mul3A_727 = arith.muli %add3A_712, %mul3A_726 : i32
      %swap3A_728 = arith.index_cast %mul3A_727 : i32 to index
      %swap3A_729 = tpu.vector_load %arg21[%swap3A_728] {strides = array<i32>} : memref<4096xf32, #tpu.memory_space<vmem>>, vector<16xf32>,
      tpu.vector_store %arg21[%swap3A_728], %gather3A_725 {strides = array<i32>} : memref<4096xf32, #tpu.memory_space<vmem>>, vector<16xf32>,
    }
    %scan3A_705 = arith.constant 64 : i32
    %mul3A_706 = arith.constant 8 : i32
    %mul3A_707 = arith.muli %mul3A_2, %mul3A_706 : i32
    "tpu.region"() ({
      %run_scoped3A = tpu.sem_alloc : memref<!tpu.dma_semaphore, #tpu.memory_space<semaphore_mem>>
      %dma_start3A_708 = tpu.memref_slice %arg8[%mul3A_707] : memref<131072xf32, #tpu.memory_space<hbm>> -> memref<4096xf32, #tpu.memory_space<hbm>>
      %dma_start3A_709 = tpu.memref_slice %arg8[%mul3A_707] : memref<131072xf32, #tpu.memory_space<hbm>> -> memref<4096xf32, #tpu.memory_space<hbm>>
      tpu.enqueue_dma source(%arg18 : memref<4096xf32, #tpu.memory_space<vmem>>) target(%dma_start3A_709 : memref<4096xf32, #tpu.memory_space<hbm>>) target_semaphore(%run_scoped3A : memref<!tpu.dma_semaphore, #tpu.memory_space<semaphore_mem>>)
      %dma_wait3A_710 = tpu.memref_slice %arg8[%mul3A_707] : memref<131072xf32, #tpu.memory_space<hbm>> -> memref<4096xf32, #tpu.memory_space<hbm>>
      %dma_wait3A_711 = tpu.memref_slice %arg8[%mul3A_707] : memref<131072xf32, #tpu.memory_space<hbm>> -> memref<4096xf32, #tpu.memory_space<hbm>>
      tpu.wait_dma2 semaphore(%run_scoped3A : memref<!tpu.dma_semaphore, #tpu.memory_space<semaphore_mem>>) src(%arg18 : memref<4096xf32, #tpu.memory_space<vmem>>) dst(%dma_wait3A_711 : memref<4096xf32, #tpu.memory_space<hbm>>)
      tpu.yield
    }) : () -> ()
    "tpu.region"() ({
      %run_scoped3A = tpu.sem_alloc : memref<!tpu.dma_semaphore, #tpu.memory_space<semaphore_mem>>
      %dma_start3A_708 = tpu.memref_slice %arg9[%mul3A_707] : memref<131072xf32, #tpu.memory_space<hbm>> -> memref<4096xf32, #tpu.memory_space<hbm>>
      %dma_start3A_709 = tpu.memref_slice %arg9[%mul3A_707] : memref<131072xf32, #tpu.memory_space<hbm>> -> memref<4096xf32, #tpu.memory_space<hbm>>
      tpu.enqueue_dma source(%arg19 : memref<4096xf32, #tpu.memory_space<vmem>>) target(%dma_start3A_709 : memref<4096xf32, #tpu.memory_space<hbm>>) target_semaphore(%run_scoped3A : memref<!tpu.dma_semaphore, #tpu.memory_space<semaphore_mem>>)
      %dma_wait3A_710 = tpu.memref_slice %arg9[%mul3A_707] : memref<131072xf32, #tpu.memory_space<hbm>> -> memref<4096xf32, #tpu.memory_space<hbm>>
      %dma_wait3A_711 = tpu.memref_slice %arg9[%mul3A_707] : memref<131072xf32, #tpu.memory_space<hbm>> -> memref<4096xf32, #tpu.memory_space<hbm>>
      tpu.wait_dma2 semaphore(%run_scoped3A : memref<!tpu.dma_semaphore, #tpu.memory_space<semaphore_mem>>) src(%arg19 : memref<4096xf32, #tpu.memory_space<vmem>>) dst(%dma_wait3A_711 : memref<4096xf32, #tpu.memory_space<hbm>>)
      tpu.yield
    }) : () -> ()
    "tpu.region"() ({
      %run_scoped3A = tpu.sem_alloc : memref<!tpu.dma_semaphore, #tpu.memory_space<semaphore_mem>>
      %dma_start3A_708 = tpu.memref_slice %arg10[%mul3A_707] : memref<131072xf32, #tpu.memory_space<hbm>> -> memref<4096xf32, #tpu.memory_space<hbm>>
      %dma_start3A_709 = tpu.memref_slice %arg10[%mul3A_707] : memref<131072xf32, #tpu.memory_space<hbm>> -> memref<4096xf32, #tpu.memory_space<hbm>>
      tpu.enqueue_dma source(%arg20 : memref<4096xf32, #tpu.memory_space<vmem>>) target(%dma_start3A_709 : memref<4096xf32, #tpu.memory_space<hbm>>) target_semaphore(%run_scoped3A : memref<!tpu.dma_semaphore, #tpu.memory_space<semaphore_mem>>)
      %dma_wait3A_710 = tpu.memref_slice %arg10[%mul3A_707] : memref<131072xf32, #tpu.memory_space<hbm>> -> memref<4096xf32, #tpu.memory_space<hbm>>
      %dma_wait3A_711 = tpu.memref_slice %arg10[%mul3A_707] : memref<131072xf32, #tpu.memory_space<hbm>> -> memref<4096xf32, #tpu.memory_space<hbm>>
      tpu.wait_dma2 semaphore(%run_scoped3A : memref<!tpu.dma_semaphore, #tpu.memory_space<semaphore_mem>>) src(%arg20 : memref<4096xf32, #tpu.memory_space<vmem>>) dst(%dma_wait3A_711 : memref<4096xf32, #tpu.memory_space<hbm>>)
      tpu.yield
    }) : () -> ()
    "tpu.region"() ({
      %run_scoped3A = tpu.sem_alloc : memref<!tpu.dma_semaphore, #tpu.memory_space<semaphore_mem>>
      %dma_start3A_708 = tpu.memref_slice %arg11[%mul3A_707] : memref<131072xf32, #tpu.memory_space<hbm>> -> memref<4096xf32, #tpu.memory_space<hbm>>
      %dma_start3A_709 = tpu.memref_slice %arg11[%mul3A_707] : memref<131072xf32, #tpu.memory_space<hbm>> -> memref<4096xf32, #tpu.memory_space<hbm>>
      tpu.enqueue_dma source(%arg21 : memref<4096xf32, #tpu.memory_space<vmem>>) target(%dma_start3A_709 : memref<4096xf32, #tpu.memory_space<hbm>>) target_semaphore(%run_scoped3A : memref<!tpu.dma_semaphore, #tpu.memory_space<semaphore_mem>>)
      %dma_wait3A_710 = tpu.memref_slice %arg11[%mul3A_707] : memref<131072xf32, #tpu.memory_space<hbm>> -> memref<4096xf32, #tpu.memory_space<hbm>>
      %dma_wait3A_711 = tpu.memref_slice %arg11[%mul3A_707] : memref<131072xf32, #tpu.memory_space<hbm>> -> memref<4096xf32, #tpu.memory_space<hbm>>
      tpu.wait_dma2 semaphore(%run_scoped3A : memref<!tpu.dma_semaphore, #tpu.memory_space<semaphore_mem>>) src(%arg21 : memref<4096xf32, #tpu.memory_space<vmem>>) dst(%dma_wait3A_711 : memref<4096xf32, #tpu.memory_space<hbm>>)
      tpu.yield
    }) : () -> ()
    return
  }
}

module attributes {stable_mosaic.version = 14 : i64} {
  func.func @_relayout_body(%arg0: i32, %arg1: memref<8x8192xf32, #tpu.memory_space<vmem>>, %arg2: memref<8x8192xf32, #tpu.memory_space<vmem>>, %arg3: memref<8x8192xf32, #tpu.memory_space<vmem>>, %arg4: memref<8x8192xf32, #tpu.memory_space<vmem>>, %arg5: memref<512x128xf32, #tpu.memory_space<vmem>>, %arg6: memref<512x128xf32, #tpu.memory_space<vmem>>, %arg7: memref<512x128xf32, #tpu.memory_space<vmem>>, %arg8: memref<512x128xf32, #tpu.memory_space<vmem>>) attributes {dimension_semantics = [#tpu.dimension_semantics<arbitrary>], iteration_bounds = array<i64: 123>, scalar_prefetch = 0 : i64, scratch_operands = 0 : i64, tpu.core_type = #tpu.core_type<tc>, window_params = [{transform_indices = @transform_0, window_bounds = array<i64: 8, 8192>}, {transform_indices = @transform_1, window_bounds = array<i64: 8, 8192>}, {transform_indices = @transform_2, window_bounds = array<i64: 8, 8192>}, {transform_indices = @transform_3, window_bounds = array<i64: 8, 8192>}, {transform_indices = @transform_4, window_bounds = array<i64: 512, 128>}, {transform_indices = @transform_5, window_bounds = array<i64: 512, 128>}, {transform_indices = @transform_6, window_bounds = array<i64: 512, 128>}, {transform_indices = @transform_7, window_bounds = array<i64: 512, 128>}]} {
    %iota3A = tpu.iota {dimensions = array<i32: 0>} : vector<8x8xi32>
    %iota3A_0 = tpu.iota {dimensions = array<i32: 1>} : vector<8x8xi32>
    %add3A = arith.constant 0 : i32
    %add3A_1 = vector.broadcast %add3A : i32 to vector<8x8xi32>
    %add3A_2 = arith.addi %iota3A, %add3A_1 : vector<8x8xi32>
    %eq3A = arith.cmpi eq, %add3A_2, %iota3A_0 : vector<8x8xi32>
    %convert_element_type3A = arith.extui %eq3A : vector<8x8xi1> to vector<8x8xi32>
    %convert_element_type3A_3 = arith.sitofp %convert_element_type3A : vector<8x8xi32> to vector<8x8xf32>
    %get3A = arith.constant 0 : index
    %get3A_4 = arith.constant 0 : index
    %get3A_5 = vector.load %arg1[%get3A, %get3A_4] : memref<8x8192xf32, #tpu.memory_space<vmem>>, vector<8x8192xf32>
    %dot_general3A = arith.constant dense<0.000000e+00> : vector<8192x8xf32>
    %dot_general3A_6 = tpu.matmul %get3A_5, %convert_element_type3A_3, %dot_general3A {dimension_numbers = #tpu.dot_dimension_numbers<[0], [0], [1], [1], [0, 1, 1, 1], [], []>, transpose_lhs_hint = false} : vector<8x8192xf32>, vector<8x8xf32>, vector<8192x8xf32> -> vector<8192x8xf32>
    %reshape3A = vector.shape_cast %dot_general3A_6 : vector<8192x8xf32> to vector<512x16x8xf32>
    %slice3A = vector.extract_strided_slice %reshape3A {offsets = [0, 0, 0], sizes = [512, 1, 8], strides = [1, 1, 1]} : vector<512x16x8xf32> to vector<512x1x8xf32>
    %squeeze3A = vector.shape_cast %slice3A : vector<512x1x8xf32> to vector<512x8xf32>
    %slice3A_7 = vector.extract_strided_slice %reshape3A {offsets = [0, 1, 0], sizes = [512, 1, 8], strides = [1, 1, 1]} : vector<512x16x8xf32> to vector<512x1x8xf32>
    %squeeze3A_8 = vector.shape_cast %slice3A_7 : vector<512x1x8xf32> to vector<512x8xf32>
    %slice3A_9 = vector.extract_strided_slice %reshape3A {offsets = [0, 2, 0], sizes = [512, 1, 8], strides = [1, 1, 1]} : vector<512x16x8xf32> to vector<512x1x8xf32>
    %squeeze3A_10 = vector.shape_cast %slice3A_9 : vector<512x1x8xf32> to vector<512x8xf32>
    %slice3A_11 = vector.extract_strided_slice %reshape3A {offsets = [0, 3, 0], sizes = [512, 1, 8], strides = [1, 1, 1]} : vector<512x16x8xf32> to vector<512x1x8xf32>
    %squeeze3A_12 = vector.shape_cast %slice3A_11 : vector<512x1x8xf32> to vector<512x8xf32>
    %slice3A_13 = vector.extract_strided_slice %reshape3A {offsets = [0, 4, 0], sizes = [512, 1, 8], strides = [1, 1, 1]} : vector<512x16x8xf32> to vector<512x1x8xf32>
    %squeeze3A_14 = vector.shape_cast %slice3A_13 : vector<512x1x8xf32> to vector<512x8xf32>
    %slice3A_15 = vector.extract_strided_slice %reshape3A {offsets = [0, 5, 0], sizes = [512, 1, 8], strides = [1, 1, 1]} : vector<512x16x8xf32> to vector<512x1x8xf32>
    %squeeze3A_16 = vector.shape_cast %slice3A_15 : vector<512x1x8xf32> to vector<512x8xf32>
    %slice3A_17 = vector.extract_strided_slice %reshape3A {offsets = [0, 6, 0], sizes = [512, 1, 8], strides = [1, 1, 1]} : vector<512x16x8xf32> to vector<512x1x8xf32>
    %squeeze3A_18 = vector.shape_cast %slice3A_17 : vector<512x1x8xf32> to vector<512x8xf32>
    %slice3A_19 = vector.extract_strided_slice %reshape3A {offsets = [0, 7, 0], sizes = [512, 1, 8], strides = [1, 1, 1]} : vector<512x16x8xf32> to vector<512x1x8xf32>
    %squeeze3A_20 = vector.shape_cast %slice3A_19 : vector<512x1x8xf32> to vector<512x8xf32>
    %slice3A_21 = vector.extract_strided_slice %reshape3A {offsets = [0, 8, 0], sizes = [512, 1, 8], strides = [1, 1, 1]} : vector<512x16x8xf32> to vector<512x1x8xf32>
    %squeeze3A_22 = vector.shape_cast %slice3A_21 : vector<512x1x8xf32> to vector<512x8xf32>
    %slice3A_23 = vector.extract_strided_slice %reshape3A {offsets = [0, 9, 0], sizes = [512, 1, 8], strides = [1, 1, 1]} : vector<512x16x8xf32> to vector<512x1x8xf32>
    %squeeze3A_24 = vector.shape_cast %slice3A_23 : vector<512x1x8xf32> to vector<512x8xf32>
    %slice3A_25 = vector.extract_strided_slice %reshape3A {offsets = [0, 10, 0], sizes = [512, 1, 8], strides = [1, 1, 1]} : vector<512x16x8xf32> to vector<512x1x8xf32>
    %squeeze3A_26 = vector.shape_cast %slice3A_25 : vector<512x1x8xf32> to vector<512x8xf32>
    %slice3A_27 = vector.extract_strided_slice %reshape3A {offsets = [0, 11, 0], sizes = [512, 1, 8], strides = [1, 1, 1]} : vector<512x16x8xf32> to vector<512x1x8xf32>
    %squeeze3A_28 = vector.shape_cast %slice3A_27 : vector<512x1x8xf32> to vector<512x8xf32>
    %slice3A_29 = vector.extract_strided_slice %reshape3A {offsets = [0, 12, 0], sizes = [512, 1, 8], strides = [1, 1, 1]} : vector<512x16x8xf32> to vector<512x1x8xf32>
    %squeeze3A_30 = vector.shape_cast %slice3A_29 : vector<512x1x8xf32> to vector<512x8xf32>
    %slice3A_31 = vector.extract_strided_slice %reshape3A {offsets = [0, 13, 0], sizes = [512, 1, 8], strides = [1, 1, 1]} : vector<512x16x8xf32> to vector<512x1x8xf32>
    %squeeze3A_32 = vector.shape_cast %slice3A_31 : vector<512x1x8xf32> to vector<512x8xf32>
    %slice3A_33 = vector.extract_strided_slice %reshape3A {offsets = [0, 14, 0], sizes = [512, 1, 8], strides = [1, 1, 1]} : vector<512x16x8xf32> to vector<512x1x8xf32>
    %squeeze3A_34 = vector.shape_cast %slice3A_33 : vector<512x1x8xf32> to vector<512x8xf32>
    %slice3A_35 = vector.extract_strided_slice %reshape3A {offsets = [0, 15, 0], sizes = [512, 1, 8], strides = [1, 1, 1]} : vector<512x16x8xf32> to vector<512x1x8xf32>
    %squeeze3A_36 = vector.shape_cast %slice3A_35 : vector<512x1x8xf32> to vector<512x8xf32>
    %concatenate3A = tpu.concatenate %squeeze3A, %squeeze3A_8, %squeeze3A_10, %squeeze3A_12, %squeeze3A_14, %squeeze3A_16, %squeeze3A_18, %squeeze3A_20, %squeeze3A_22, %squeeze3A_24, %squeeze3A_26, %squeeze3A_28, %squeeze3A_30, %squeeze3A_32, %squeeze3A_34, %squeeze3A_36 in 1 : vector<512x8xf32>, vector<512x8xf32>, vector<512x8xf32>, vector<512x8xf32>, vector<512x8xf32>, vector<512x8xf32>, vector<512x8xf32>, vector<512x8xf32>, vector<512x8xf32>, vector<512x8xf32>, vector<512x8xf32>, vector<512x8xf32>, vector<512x8xf32>, vector<512x8xf32>, vector<512x8xf32>, vector<512x8xf32> -> vector<512x128xf32>
    %swap3A = arith.constant 0 : index
    %swap3A_37 = arith.constant 0 : index
    %swap3A_38 = vector.load %arg5[%swap3A, %swap3A_37] : memref<512x128xf32, #tpu.memory_space<vmem>>, vector<512x128xf32>
    tpu.vector_store %arg5[%swap3A, %swap3A_37], %concatenate3A {strides = array<i32>} : memref<512x128xf32, #tpu.memory_space<vmem>>, vector<512x128xf32>,
    %get3A_39 = arith.constant 0 : index
    %get3A_40 = arith.constant 0 : index
    %get3A_41 = vector.load %arg2[%get3A_39, %get3A_40] : memref<8x8192xf32, #tpu.memory_space<vmem>>, vector<8x8192xf32>
    %dot_general3A_42 = arith.constant dense<0.000000e+00> : vector<8192x8xf32>
    %dot_general3A_43 = tpu.matmul %get3A_41, %convert_element_type3A_3, %dot_general3A_42 {dimension_numbers = #tpu.dot_dimension_numbers<[0], [0], [1], [1], [0, 1, 1, 1], [], []>, transpose_lhs_hint = false} : vector<8x8192xf32>, vector<8x8xf32>, vector<8192x8xf32> -> vector<8192x8xf32>
    %reshape3A_44 = vector.shape_cast %dot_general3A_43 : vector<8192x8xf32> to vector<512x16x8xf32>
    %slice3A_45 = vector.extract_strided_slice %reshape3A_44 {offsets = [0, 0, 0], sizes = [512, 1, 8], strides = [1, 1, 1]} : vector<512x16x8xf32> to vector<512x1x8xf32>
    %squeeze3A_46 = vector.shape_cast %slice3A_45 : vector<512x1x8xf32> to vector<512x8xf32>
    %slice3A_47 = vector.extract_strided_slice %reshape3A_44 {offsets = [0, 1, 0], sizes = [512, 1, 8], strides = [1, 1, 1]} : vector<512x16x8xf32> to vector<512x1x8xf32>
    %squeeze3A_48 = vector.shape_cast %slice3A_47 : vector<512x1x8xf32> to vector<512x8xf32>
    %slice3A_49 = vector.extract_strided_slice %reshape3A_44 {offsets = [0, 2, 0], sizes = [512, 1, 8], strides = [1, 1, 1]} : vector<512x16x8xf32> to vector<512x1x8xf32>
    %squeeze3A_50 = vector.shape_cast %slice3A_49 : vector<512x1x8xf32> to vector<512x8xf32>
    %slice3A_51 = vector.extract_strided_slice %reshape3A_44 {offsets = [0, 3, 0], sizes = [512, 1, 8], strides = [1, 1, 1]} : vector<512x16x8xf32> to vector<512x1x8xf32>
    %squeeze3A_52 = vector.shape_cast %slice3A_51 : vector<512x1x8xf32> to vector<512x8xf32>
    %slice3A_53 = vector.extract_strided_slice %reshape3A_44 {offsets = [0, 4, 0], sizes = [512, 1, 8], strides = [1, 1, 1]} : vector<512x16x8xf32> to vector<512x1x8xf32>
    %squeeze3A_54 = vector.shape_cast %slice3A_53 : vector<512x1x8xf32> to vector<512x8xf32>
    %slice3A_55 = vector.extract_strided_slice %reshape3A_44 {offsets = [0, 5, 0], sizes = [512, 1, 8], strides = [1, 1, 1]} : vector<512x16x8xf32> to vector<512x1x8xf32>
    %squeeze3A_56 = vector.shape_cast %slice3A_55 : vector<512x1x8xf32> to vector<512x8xf32>
    %slice3A_57 = vector.extract_strided_slice %reshape3A_44 {offsets = [0, 6, 0], sizes = [512, 1, 8], strides = [1, 1, 1]} : vector<512x16x8xf32> to vector<512x1x8xf32>
    %squeeze3A_58 = vector.shape_cast %slice3A_57 : vector<512x1x8xf32> to vector<512x8xf32>
    %slice3A_59 = vector.extract_strided_slice %reshape3A_44 {offsets = [0, 7, 0], sizes = [512, 1, 8], strides = [1, 1, 1]} : vector<512x16x8xf32> to vector<512x1x8xf32>
    %squeeze3A_60 = vector.shape_cast %slice3A_59 : vector<512x1x8xf32> to vector<512x8xf32>
    %slice3A_61 = vector.extract_strided_slice %reshape3A_44 {offsets = [0, 8, 0], sizes = [512, 1, 8], strides = [1, 1, 1]} : vector<512x16x8xf32> to vector<512x1x8xf32>
    %squeeze3A_62 = vector.shape_cast %slice3A_61 : vector<512x1x8xf32> to vector<512x8xf32>
    %slice3A_63 = vector.extract_strided_slice %reshape3A_44 {offsets = [0, 9, 0], sizes = [512, 1, 8], strides = [1, 1, 1]} : vector<512x16x8xf32> to vector<512x1x8xf32>
    %squeeze3A_64 = vector.shape_cast %slice3A_63 : vector<512x1x8xf32> to vector<512x8xf32>
    %slice3A_65 = vector.extract_strided_slice %reshape3A_44 {offsets = [0, 10, 0], sizes = [512, 1, 8], strides = [1, 1, 1]} : vector<512x16x8xf32> to vector<512x1x8xf32>
    %squeeze3A_66 = vector.shape_cast %slice3A_65 : vector<512x1x8xf32> to vector<512x8xf32>
    %slice3A_67 = vector.extract_strided_slice %reshape3A_44 {offsets = [0, 11, 0], sizes = [512, 1, 8], strides = [1, 1, 1]} : vector<512x16x8xf32> to vector<512x1x8xf32>
    %squeeze3A_68 = vector.shape_cast %slice3A_67 : vector<512x1x8xf32> to vector<512x8xf32>
    %slice3A_69 = vector.extract_strided_slice %reshape3A_44 {offsets = [0, 12, 0], sizes = [512, 1, 8], strides = [1, 1, 1]} : vector<512x16x8xf32> to vector<512x1x8xf32>
    %squeeze3A_70 = vector.shape_cast %slice3A_69 : vector<512x1x8xf32> to vector<512x8xf32>
    %slice3A_71 = vector.extract_strided_slice %reshape3A_44 {offsets = [0, 13, 0], sizes = [512, 1, 8], strides = [1, 1, 1]} : vector<512x16x8xf32> to vector<512x1x8xf32>
    %squeeze3A_72 = vector.shape_cast %slice3A_71 : vector<512x1x8xf32> to vector<512x8xf32>
    %slice3A_73 = vector.extract_strided_slice %reshape3A_44 {offsets = [0, 14, 0], sizes = [512, 1, 8], strides = [1, 1, 1]} : vector<512x16x8xf32> to vector<512x1x8xf32>
    %squeeze3A_74 = vector.shape_cast %slice3A_73 : vector<512x1x8xf32> to vector<512x8xf32>
    %slice3A_75 = vector.extract_strided_slice %reshape3A_44 {offsets = [0, 15, 0], sizes = [512, 1, 8], strides = [1, 1, 1]} : vector<512x16x8xf32> to vector<512x1x8xf32>
    %squeeze3A_76 = vector.shape_cast %slice3A_75 : vector<512x1x8xf32> to vector<512x8xf32>
    %concatenate3A_77 = tpu.concatenate %squeeze3A_46, %squeeze3A_48, %squeeze3A_50, %squeeze3A_52, %squeeze3A_54, %squeeze3A_56, %squeeze3A_58, %squeeze3A_60, %squeeze3A_62, %squeeze3A_64, %squeeze3A_66, %squeeze3A_68, %squeeze3A_70, %squeeze3A_72, %squeeze3A_74, %squeeze3A_76 in 1 : vector<512x8xf32>, vector<512x8xf32>, vector<512x8xf32>, vector<512x8xf32>, vector<512x8xf32>, vector<512x8xf32>, vector<512x8xf32>, vector<512x8xf32>, vector<512x8xf32>, vector<512x8xf32>, vector<512x8xf32>, vector<512x8xf32>, vector<512x8xf32>, vector<512x8xf32>, vector<512x8xf32>, vector<512x8xf32> -> vector<512x128xf32>
    %swap3A_78 = arith.constant 0 : index
    %swap3A_79 = arith.constant 0 : index
    %swap3A_80 = vector.load %arg6[%swap3A_78, %swap3A_79] : memref<512x128xf32, #tpu.memory_space<vmem>>, vector<512x128xf32>
    tpu.vector_store %arg6[%swap3A_78, %swap3A_79], %concatenate3A_77 {strides = array<i32>} : memref<512x128xf32, #tpu.memory_space<vmem>>, vector<512x128xf32>,
    %get3A_81 = arith.constant 0 : index
    %get3A_82 = arith.constant 0 : index
    %get3A_83 = vector.load %arg3[%get3A_81, %get3A_82] : memref<8x8192xf32, #tpu.memory_space<vmem>>, vector<8x8192xf32>
    %dot_general3A_84 = arith.constant dense<0.000000e+00> : vector<8192x8xf32>
    %dot_general3A_85 = tpu.matmul %get3A_83, %convert_element_type3A_3, %dot_general3A_84 {dimension_numbers = #tpu.dot_dimension_numbers<[0], [0], [1], [1], [0, 1, 1, 1], [], []>, transpose_lhs_hint = false} : vector<8x8192xf32>, vector<8x8xf32>, vector<8192x8xf32> -> vector<8192x8xf32>
    %reshape3A_86 = vector.shape_cast %dot_general3A_85 : vector<8192x8xf32> to vector<512x16x8xf32>
    %slice3A_87 = vector.extract_strided_slice %reshape3A_86 {offsets = [0, 0, 0], sizes = [512, 1, 8], strides = [1, 1, 1]} : vector<512x16x8xf32> to vector<512x1x8xf32>
    %squeeze3A_88 = vector.shape_cast %slice3A_87 : vector<512x1x8xf32> to vector<512x8xf32>
    %slice3A_89 = vector.extract_strided_slice %reshape3A_86 {offsets = [0, 1, 0], sizes = [512, 1, 8], strides = [1, 1, 1]} : vector<512x16x8xf32> to vector<512x1x8xf32>
    %squeeze3A_90 = vector.shape_cast %slice3A_89 : vector<512x1x8xf32> to vector<512x8xf32>
    %slice3A_91 = vector.extract_strided_slice %reshape3A_86 {offsets = [0, 2, 0], sizes = [512, 1, 8], strides = [1, 1, 1]} : vector<512x16x8xf32> to vector<512x1x8xf32>
    %squeeze3A_92 = vector.shape_cast %slice3A_91 : vector<512x1x8xf32> to vector<512x8xf32>
    %slice3A_93 = vector.extract_strided_slice %reshape3A_86 {offsets = [0, 3, 0], sizes = [512, 1, 8], strides = [1, 1, 1]} : vector<512x16x8xf32> to vector<512x1x8xf32>
    %squeeze3A_94 = vector.shape_cast %slice3A_93 : vector<512x1x8xf32> to vector<512x8xf32>
    %slice3A_95 = vector.extract_strided_slice %reshape3A_86 {offsets = [0, 4, 0], sizes = [512, 1, 8], strides = [1, 1, 1]} : vector<512x16x8xf32> to vector<512x1x8xf32>
    %squeeze3A_96 = vector.shape_cast %slice3A_95 : vector<512x1x8xf32> to vector<512x8xf32>
    %slice3A_97 = vector.extract_strided_slice %reshape3A_86 {offsets = [0, 5, 0], sizes = [512, 1, 8], strides = [1, 1, 1]} : vector<512x16x8xf32> to vector<512x1x8xf32>
    %squeeze3A_98 = vector.shape_cast %slice3A_97 : vector<512x1x8xf32> to vector<512x8xf32>
    %slice3A_99 = vector.extract_strided_slice %reshape3A_86 {offsets = [0, 6, 0], sizes = [512, 1, 8], strides = [1, 1, 1]} : vector<512x16x8xf32> to vector<512x1x8xf32>
    %squeeze3A_100 = vector.shape_cast %slice3A_99 : vector<512x1x8xf32> to vector<512x8xf32>
    %slice3A_101 = vector.extract_strided_slice %reshape3A_86 {offsets = [0, 7, 0], sizes = [512, 1, 8], strides = [1, 1, 1]} : vector<512x16x8xf32> to vector<512x1x8xf32>
    %squeeze3A_102 = vector.shape_cast %slice3A_101 : vector<512x1x8xf32> to vector<512x8xf32>
    %slice3A_103 = vector.extract_strided_slice %reshape3A_86 {offsets = [0, 8, 0], sizes = [512, 1, 8], strides = [1, 1, 1]} : vector<512x16x8xf32> to vector<512x1x8xf32>
    %squeeze3A_104 = vector.shape_cast %slice3A_103 : vector<512x1x8xf32> to vector<512x8xf32>
    %slice3A_105 = vector.extract_strided_slice %reshape3A_86 {offsets = [0, 9, 0], sizes = [512, 1, 8], strides = [1, 1, 1]} : vector<512x16x8xf32> to vector<512x1x8xf32>
    %squeeze3A_106 = vector.shape_cast %slice3A_105 : vector<512x1x8xf32> to vector<512x8xf32>
    %slice3A_107 = vector.extract_strided_slice %reshape3A_86 {offsets = [0, 10, 0], sizes = [512, 1, 8], strides = [1, 1, 1]} : vector<512x16x8xf32> to vector<512x1x8xf32>
    %squeeze3A_108 = vector.shape_cast %slice3A_107 : vector<512x1x8xf32> to vector<512x8xf32>
    %slice3A_109 = vector.extract_strided_slice %reshape3A_86 {offsets = [0, 11, 0], sizes = [512, 1, 8], strides = [1, 1, 1]} : vector<512x16x8xf32> to vector<512x1x8xf32>
    %squeeze3A_110 = vector.shape_cast %slice3A_109 : vector<512x1x8xf32> to vector<512x8xf32>
    %slice3A_111 = vector.extract_strided_slice %reshape3A_86 {offsets = [0, 12, 0], sizes = [512, 1, 8], strides = [1, 1, 1]} : vector<512x16x8xf32> to vector<512x1x8xf32>
    %squeeze3A_112 = vector.shape_cast %slice3A_111 : vector<512x1x8xf32> to vector<512x8xf32>
    %slice3A_113 = vector.extract_strided_slice %reshape3A_86 {offsets = [0, 13, 0], sizes = [512, 1, 8], strides = [1, 1, 1]} : vector<512x16x8xf32> to vector<512x1x8xf32>
    %squeeze3A_114 = vector.shape_cast %slice3A_113 : vector<512x1x8xf32> to vector<512x8xf32>
    %slice3A_115 = vector.extract_strided_slice %reshape3A_86 {offsets = [0, 14, 0], sizes = [512, 1, 8], strides = [1, 1, 1]} : vector<512x16x8xf32> to vector<512x1x8xf32>
    %squeeze3A_116 = vector.shape_cast %slice3A_115 : vector<512x1x8xf32> to vector<512x8xf32>
    %slice3A_117 = vector.extract_strided_slice %reshape3A_86 {offsets = [0, 15, 0], sizes = [512, 1, 8], strides = [1, 1, 1]} : vector<512x16x8xf32> to vector<512x1x8xf32>
    %squeeze3A_118 = vector.shape_cast %slice3A_117 : vector<512x1x8xf32> to vector<512x8xf32>
    %concatenate3A_119 = tpu.concatenate %squeeze3A_88, %squeeze3A_90, %squeeze3A_92, %squeeze3A_94, %squeeze3A_96, %squeeze3A_98, %squeeze3A_100, %squeeze3A_102, %squeeze3A_104, %squeeze3A_106, %squeeze3A_108, %squeeze3A_110, %squeeze3A_112, %squeeze3A_114, %squeeze3A_116, %squeeze3A_118 in 1 : vector<512x8xf32>, vector<512x8xf32>, vector<512x8xf32>, vector<512x8xf32>, vector<512x8xf32>, vector<512x8xf32>, vector<512x8xf32>, vector<512x8xf32>, vector<512x8xf32>, vector<512x8xf32>, vector<512x8xf32>, vector<512x8xf32>, vector<512x8xf32>, vector<512x8xf32>, vector<512x8xf32>, vector<512x8xf32> -> vector<512x128xf32>
    %swap3A_120 = arith.constant 0 : index
    %swap3A_121 = arith.constant 0 : index
    %swap3A_122 = vector.load %arg7[%swap3A_120, %swap3A_121] : memref<512x128xf32, #tpu.memory_space<vmem>>, vector<512x128xf32>
    tpu.vector_store %arg7[%swap3A_120, %swap3A_121], %concatenate3A_119 {strides = array<i32>} : memref<512x128xf32, #tpu.memory_space<vmem>>, vector<512x128xf32>,
    %get3A_123 = arith.constant 0 : index
    %get3A_124 = arith.constant 0 : index
    %get3A_125 = vector.load %arg4[%get3A_123, %get3A_124] : memref<8x8192xf32, #tpu.memory_space<vmem>>, vector<8x8192xf32>
    %dot_general3A_126 = arith.constant dense<0.000000e+00> : vector<8192x8xf32>
    %dot_general3A_127 = tpu.matmul %get3A_125, %convert_element_type3A_3, %dot_general3A_126 {dimension_numbers = #tpu.dot_dimension_numbers<[0], [0], [1], [1], [0, 1, 1, 1], [], []>, transpose_lhs_hint = false} : vector<8x8192xf32>, vector<8x8xf32>, vector<8192x8xf32> -> vector<8192x8xf32>
    %reshape3A_128 = vector.shape_cast %dot_general3A_127 : vector<8192x8xf32> to vector<512x16x8xf32>
    %slice3A_129 = vector.extract_strided_slice %reshape3A_128 {offsets = [0, 0, 0], sizes = [512, 1, 8], strides = [1, 1, 1]} : vector<512x16x8xf32> to vector<512x1x8xf32>
    %squeeze3A_130 = vector.shape_cast %slice3A_129 : vector<512x1x8xf32> to vector<512x8xf32>
    %slice3A_131 = vector.extract_strided_slice %reshape3A_128 {offsets = [0, 1, 0], sizes = [512, 1, 8], strides = [1, 1, 1]} : vector<512x16x8xf32> to vector<512x1x8xf32>
    %squeeze3A_132 = vector.shape_cast %slice3A_131 : vector<512x1x8xf32> to vector<512x8xf32>
    %slice3A_133 = vector.extract_strided_slice %reshape3A_128 {offsets = [0, 2, 0], sizes = [512, 1, 8], strides = [1, 1, 1]} : vector<512x16x8xf32> to vector<512x1x8xf32>
    %squeeze3A_134 = vector.shape_cast %slice3A_133 : vector<512x1x8xf32> to vector<512x8xf32>
    %slice3A_135 = vector.extract_strided_slice %reshape3A_128 {offsets = [0, 3, 0], sizes = [512, 1, 8], strides = [1, 1, 1]} : vector<512x16x8xf32> to vector<512x1x8xf32>
    %squeeze3A_136 = vector.shape_cast %slice3A_135 : vector<512x1x8xf32> to vector<512x8xf32>
    %slice3A_137 = vector.extract_strided_slice %reshape3A_128 {offsets = [0, 4, 0], sizes = [512, 1, 8], strides = [1, 1, 1]} : vector<512x16x8xf32> to vector<512x1x8xf32>
    %squeeze3A_138 = vector.shape_cast %slice3A_137 : vector<512x1x8xf32> to vector<512x8xf32>
    %slice3A_139 = vector.extract_strided_slice %reshape3A_128 {offsets = [0, 5, 0], sizes = [512, 1, 8], strides = [1, 1, 1]} : vector<512x16x8xf32> to vector<512x1x8xf32>
    %squeeze3A_140 = vector.shape_cast %slice3A_139 : vector<512x1x8xf32> to vector<512x8xf32>
    %slice3A_141 = vector.extract_strided_slice %reshape3A_128 {offsets = [0, 6, 0], sizes = [512, 1, 8], strides = [1, 1, 1]} : vector<512x16x8xf32> to vector<512x1x8xf32>
    %squeeze3A_142 = vector.shape_cast %slice3A_141 : vector<512x1x8xf32> to vector<512x8xf32>
    %slice3A_143 = vector.extract_strided_slice %reshape3A_128 {offsets = [0, 7, 0], sizes = [512, 1, 8], strides = [1, 1, 1]} : vector<512x16x8xf32> to vector<512x1x8xf32>
    %squeeze3A_144 = vector.shape_cast %slice3A_143 : vector<512x1x8xf32> to vector<512x8xf32>
    %slice3A_145 = vector.extract_strided_slice %reshape3A_128 {offsets = [0, 8, 0], sizes = [512, 1, 8], strides = [1, 1, 1]} : vector<512x16x8xf32> to vector<512x1x8xf32>
    %squeeze3A_146 = vector.shape_cast %slice3A_145 : vector<512x1x8xf32> to vector<512x8xf32>
    %slice3A_147 = vector.extract_strided_slice %reshape3A_128 {offsets = [0, 9, 0], sizes = [512, 1, 8], strides = [1, 1, 1]} : vector<512x16x8xf32> to vector<512x1x8xf32>
    %squeeze3A_148 = vector.shape_cast %slice3A_147 : vector<512x1x8xf32> to vector<512x8xf32>
    %slice3A_149 = vector.extract_strided_slice %reshape3A_128 {offsets = [0, 10, 0], sizes = [512, 1, 8], strides = [1, 1, 1]} : vector<512x16x8xf32> to vector<512x1x8xf32>
    %squeeze3A_150 = vector.shape_cast %slice3A_149 : vector<512x1x8xf32> to vector<512x8xf32>
    %slice3A_151 = vector.extract_strided_slice %reshape3A_128 {offsets = [0, 11, 0], sizes = [512, 1, 8], strides = [1, 1, 1]} : vector<512x16x8xf32> to vector<512x1x8xf32>
    %squeeze3A_152 = vector.shape_cast %slice3A_151 : vector<512x1x8xf32> to vector<512x8xf32>
    %slice3A_153 = vector.extract_strided_slice %reshape3A_128 {offsets = [0, 12, 0], sizes = [512, 1, 8], strides = [1, 1, 1]} : vector<512x16x8xf32> to vector<512x1x8xf32>
    %squeeze3A_154 = vector.shape_cast %slice3A_153 : vector<512x1x8xf32> to vector<512x8xf32>
    %slice3A_155 = vector.extract_strided_slice %reshape3A_128 {offsets = [0, 13, 0], sizes = [512, 1, 8], strides = [1, 1, 1]} : vector<512x16x8xf32> to vector<512x1x8xf32>
    %squeeze3A_156 = vector.shape_cast %slice3A_155 : vector<512x1x8xf32> to vector<512x8xf32>
    %slice3A_157 = vector.extract_strided_slice %reshape3A_128 {offsets = [0, 14, 0], sizes = [512, 1, 8], strides = [1, 1, 1]} : vector<512x16x8xf32> to vector<512x1x8xf32>
    %squeeze3A_158 = vector.shape_cast %slice3A_157 : vector<512x1x8xf32> to vector<512x8xf32>
    %slice3A_159 = vector.extract_strided_slice %reshape3A_128 {offsets = [0, 15, 0], sizes = [512, 1, 8], strides = [1, 1, 1]} : vector<512x16x8xf32> to vector<512x1x8xf32>
    %squeeze3A_160 = vector.shape_cast %slice3A_159 : vector<512x1x8xf32> to vector<512x8xf32>
    %concatenate3A_161 = tpu.concatenate %squeeze3A_130, %squeeze3A_132, %squeeze3A_134, %squeeze3A_136, %squeeze3A_138, %squeeze3A_140, %squeeze3A_142, %squeeze3A_144, %squeeze3A_146, %squeeze3A_148, %squeeze3A_150, %squeeze3A_152, %squeeze3A_154, %squeeze3A_156, %squeeze3A_158, %squeeze3A_160 in 1 : vector<512x8xf32>, vector<512x8xf32>, vector<512x8xf32>, vector<512x8xf32>, vector<512x8xf32>, vector<512x8xf32>, vector<512x8xf32>, vector<512x8xf32>, vector<512x8xf32>, vector<512x8xf32>, vector<512x8xf32>, vector<512x8xf32>, vector<512x8xf32>, vector<512x8xf32>, vector<512x8xf32>, vector<512x8xf32> -> vector<512x128xf32>
    %swap3A_162 = arith.constant 0 : index
    %swap3A_163 = arith.constant 0 : index
    %swap3A_164 = vector.load %arg8[%swap3A_162, %swap3A_163] : memref<512x128xf32, #tpu.memory_space<vmem>>, vector<512x128xf32>
    tpu.vector_store %arg8[%swap3A_162, %swap3A_163], %concatenate3A_161 {strides = array<i32>} : memref<512x128xf32, #tpu.memory_space<vmem>>, vector<512x128xf32>,
    return
  }
  func.func @transform_0(%arg0: i32) -> (i32, i32) {
    %c0_i32 = arith.constant 0 : i32
    %c0_i32_0 = arith.constant 0 : i32
    return %c0_i32, %arg0 : i32, i32
  }
  func.func @transform_1(%arg0: i32) -> (i32, i32) {
    %c0_i32 = arith.constant 0 : i32
    %c0_i32_0 = arith.constant 0 : i32
    return %c0_i32, %arg0 : i32, i32
  }
  func.func @transform_2(%arg0: i32) -> (i32, i32) {
    %c0_i32 = arith.constant 0 : i32
    %c0_i32_0 = arith.constant 0 : i32
    return %c0_i32, %arg0 : i32, i32
  }
  func.func @transform_3(%arg0: i32) -> (i32, i32) {
    %c0_i32 = arith.constant 0 : i32
    %c0_i32_0 = arith.constant 0 : i32
    return %c0_i32, %arg0 : i32, i32
  }
  func.func @transform_4(%arg0: i32) -> (i32, i32) {
    %c0_i32 = arith.constant 0 : i32
    %c0_i32_0 = arith.constant 0 : i32
    return %arg0, %c0_i32 : i32, i32
  }
  func.func @transform_5(%arg0: i32) -> (i32, i32) {
    %c0_i32 = arith.constant 0 : i32
    %c0_i32_0 = arith.constant 0 : i32
    return %arg0, %c0_i32 : i32, i32
  }
  func.func @transform_6(%arg0: i32) -> (i32, i32) {
    %c0_i32 = arith.constant 0 : i32
    %c0_i32_0 = arith.constant 0 : i32
    return %arg0, %c0_i32 : i32, i32
  }
  func.func @transform_7(%arg0: i32) -> (i32, i32) {
    %c0_i32 = arith.constant 0 : i32
    %c0_i32_0 = arith.constant 0 : i32
    return %arg0, %c0_i32 : i32, i32
  }
}

module attributes {stable_mosaic.version = 14 : i64} {
  func.func @_mlp_body(%arg0: i32, %arg1: memref<2048x8xf32, #tpu.memory_space<vmem>>, %arg2: memref<2048x8xf32, #tpu.memory_space<vmem>>, %arg3: memref<2048x8xf32, #tpu.memory_space<vmem>>, %arg4: memref<2048x8xf32, #tpu.memory_space<vmem>>, %arg5: memref<16x64xf32, #tpu.memory_space<vmem>>, %arg6: memref<1x64xf32, #tpu.memory_space<vmem>>, %arg7: memref<64x32xf32, #tpu.memory_space<vmem>>, %arg8: memref<1x32xf32, #tpu.memory_space<vmem>>, %arg9: memref<32x16xf32, #tpu.memory_space<vmem>>, %arg10: memref<1x16xf32, #tpu.memory_space<vmem>>, %arg11: memref<16x8xf32, #tpu.memory_space<vmem>>, %arg12: memref<1x8xf32, #tpu.memory_space<vmem>>, %arg13: memref<16x1xf32, #tpu.memory_space<vmem>>, %arg14: memref<1x1xf32, #tpu.memory_space<vmem>>, %arg15: memref<2048x1xf32, #tpu.memory_space<vmem>>) attributes {dimension_semantics = [#tpu.dimension_semantics<arbitrary>], iteration_bounds = array<i64: 8>, scalar_prefetch = 0 : i64, scratch_operands = 0 : i64, tpu.core_type = #tpu.core_type<tc>, window_params = [{transform_indices = @transform_0, window_bounds = array<i64: 2048, 8>}, {transform_indices = @transform_1, window_bounds = array<i64: 2048, 8>}, {transform_indices = @transform_2, window_bounds = array<i64: 2048, 8>}, {transform_indices = @transform_3, window_bounds = array<i64: 2048, 8>}, {pipeline_mode = #tpu.pipeline_mode<synchronous>, transform_indices = @transform_4, window_bounds = array<i64: 16, 64>}, {pipeline_mode = #tpu.pipeline_mode<synchronous>, transform_indices = @transform_5, window_bounds = array<i64: 1, 64>}, {pipeline_mode = #tpu.pipeline_mode<synchronous>, transform_indices = @transform_6, window_bounds = array<i64: 64, 32>}, {pipeline_mode = #tpu.pipeline_mode<synchronous>, transform_indices = @transform_7, window_bounds = array<i64: 1, 32>}, {pipeline_mode = #tpu.pipeline_mode<synchronous>, transform_indices = @transform_8, window_bounds = array<i64: 32, 16>}, {pipeline_mode = #tpu.pipeline_mode<synchronous>, transform_indices = @transform_9, window_bounds = array<i64: 1, 16>}, {pipeline_mode = #tpu.pipeline_mode<synchronous>, transform_indices = @transform_10, window_bounds = array<i64: 16, 8>}, {pipeline_mode = #tpu.pipeline_mode<synchronous>, transform_indices = @transform_11, window_bounds = array<i64: 1, 8>}, {pipeline_mode = #tpu.pipeline_mode<synchronous>, transform_indices = @transform_12, window_bounds = array<i64: 16, 1>}, {pipeline_mode = #tpu.pipeline_mode<synchronous>, transform_indices = @transform_13, window_bounds = array<i64: 1, 1>}, {transform_indices = @transform_14, window_bounds = array<i64: 2048, 1>}]} {
    %get3A = arith.constant 0 : index
    %get3A_0 = arith.constant 0 : index
    %get3A_1 = vector.load %arg1[%get3A, %get3A_0] : memref<2048x8xf32, #tpu.memory_space<vmem>>, vector<2048x8xf32>
    %get3A_2 = arith.constant 0 : index
    %get3A_3 = arith.constant 0 : index
    %get3A_4 = vector.load %arg2[%get3A_2, %get3A_3] : memref<2048x8xf32, #tpu.memory_space<vmem>>, vector<2048x8xf32>
    %concatenate3A = tpu.concatenate %get3A_1, %get3A_4 in 1 : vector<2048x8xf32>, vector<2048x8xf32> -> vector<2048x16xf32>
    %get3A_5 = arith.constant 0 : index
    %get3A_6 = arith.constant 0 : index
    %get3A_7 = vector.load %arg5[%get3A_5, %get3A_6] : memref<16x64xf32, #tpu.memory_space<vmem>>, vector<16x64xf32>
    %dot_general3A = arith.constant dense<0.000000e+00> : vector<2048x64xf32>
    %dot_general3A_8 = tpu.matmul %concatenate3A, %get3A_7, %dot_general3A {dimension_numbers = #tpu.dot_dimension_numbers<[1], [0], [0], [1], [0, 0, 1, 1], [], []>, transpose_lhs_hint = false} : vector<2048x16xf32>, vector<16x64xf32>, vector<2048x64xf32> -> vector<2048x64xf32>
    %get3A_9 = arith.constant 0 : index
    %get3A_10 = arith.constant 0 : index
    %get3A_11 = vector.load %arg6[%get3A_9, %get3A_10] : memref<1x64xf32, #tpu.memory_space<vmem>>, vector<1x64xf32>
    %add3A = vector.broadcast %get3A_11 : vector<1x64xf32> to vector<2048x64xf32>
    %add3A_12 = arith.addf %dot_general3A_8, %add3A : vector<2048x64xf32>
    %max3A = arith.constant 0.000000e+00 : f32
    %max3A_13 = vector.broadcast %max3A : f32 to vector<2048x64xf32>
    %max3A_14 = arith.maximumf %add3A_12, %max3A_13 : vector<2048x64xf32>
    %get3A_15 = arith.constant 0 : index
    %get3A_16 = arith.constant 0 : index
    %get3A_17 = vector.load %arg7[%get3A_15, %get3A_16] : memref<64x32xf32, #tpu.memory_space<vmem>>, vector<64x32xf32>
    %dot_general3A_18 = arith.constant dense<0.000000e+00> : vector<2048x32xf32>
    %dot_general3A_19 = tpu.matmul %max3A_14, %get3A_17, %dot_general3A_18 {dimension_numbers = #tpu.dot_dimension_numbers<[1], [0], [0], [1], [0, 0, 1, 1], [], []>, transpose_lhs_hint = false} : vector<2048x64xf32>, vector<64x32xf32>, vector<2048x32xf32> -> vector<2048x32xf32>
    %get3A_20 = arith.constant 0 : index
    %get3A_21 = arith.constant 0 : index
    %get3A_22 = vector.load %arg8[%get3A_20, %get3A_21] : memref<1x32xf32, #tpu.memory_space<vmem>>, vector<1x32xf32>
    %add3A_23 = vector.broadcast %get3A_22 : vector<1x32xf32> to vector<2048x32xf32>
    %add3A_24 = arith.addf %dot_general3A_19, %add3A_23 : vector<2048x32xf32>
    %max3A_25 = arith.constant 0.000000e+00 : f32
    %max3A_26 = vector.broadcast %max3A_25 : f32 to vector<2048x32xf32>
    %max3A_27 = arith.maximumf %add3A_24, %max3A_26 : vector<2048x32xf32>
    %get3A_28 = arith.constant 0 : index
    %get3A_29 = arith.constant 0 : index
    %get3A_30 = vector.load %arg9[%get3A_28, %get3A_29] : memref<32x16xf32, #tpu.memory_space<vmem>>, vector<32x16xf32>
    %dot_general3A_31 = arith.constant dense<0.000000e+00> : vector<2048x16xf32>
    %dot_general3A_32 = tpu.matmul %max3A_27, %get3A_30, %dot_general3A_31 {dimension_numbers = #tpu.dot_dimension_numbers<[1], [0], [0], [1], [0, 0, 1, 1], [], []>, transpose_lhs_hint = false} : vector<2048x32xf32>, vector<32x16xf32>, vector<2048x16xf32> -> vector<2048x16xf32>
    %get3A_33 = arith.constant 0 : index
    %get3A_34 = arith.constant 0 : index
    %get3A_35 = vector.load %arg10[%get3A_33, %get3A_34] : memref<1x16xf32, #tpu.memory_space<vmem>>, vector<1x16xf32>
    %add3A_36 = vector.broadcast %get3A_35 : vector<1x16xf32> to vector<2048x16xf32>
    %add3A_37 = arith.addf %dot_general3A_32, %add3A_36 : vector<2048x16xf32>
    %max3A_38 = arith.constant 0.000000e+00 : f32
    %max3A_39 = vector.broadcast %max3A_38 : f32 to vector<2048x16xf32>
    %max3A_40 = arith.maximumf %add3A_37, %max3A_39 : vector<2048x16xf32>
    %get3A_41 = arith.constant 0 : index
    %get3A_42 = arith.constant 0 : index
    %get3A_43 = vector.load %arg11[%get3A_41, %get3A_42] : memref<16x8xf32, #tpu.memory_space<vmem>>, vector<16x8xf32>
    %dot_general3A_44 = arith.constant dense<0.000000e+00> : vector<2048x8xf32>
    %dot_general3A_45 = tpu.matmul %max3A_40, %get3A_43, %dot_general3A_44 {dimension_numbers = #tpu.dot_dimension_numbers<[1], [0], [0], [1], [0, 0, 1, 1], [], []>, transpose_lhs_hint = false} : vector<2048x16xf32>, vector<16x8xf32>, vector<2048x8xf32> -> vector<2048x8xf32>
    %get3A_46 = arith.constant 0 : index
    %get3A_47 = arith.constant 0 : index
    %get3A_48 = vector.load %arg12[%get3A_46, %get3A_47] : memref<1x8xf32, #tpu.memory_space<vmem>>, vector<1x8xf32>
    %add3A_49 = vector.broadcast %get3A_48 : vector<1x8xf32> to vector<2048x8xf32>
    %add3A_50 = arith.addf %dot_general3A_45, %add3A_49 : vector<2048x8xf32>
    %get3A_51 = arith.constant 0 : index
    %get3A_52 = arith.constant 0 : index
    %get3A_53 = vector.load %arg3[%get3A_51, %get3A_52] : memref<2048x8xf32, #tpu.memory_space<vmem>>, vector<2048x8xf32>
    %get3A_54 = arith.constant 0 : index
    %get3A_55 = arith.constant 0 : index
    %get3A_56 = vector.load %arg4[%get3A_54, %get3A_55] : memref<2048x8xf32, #tpu.memory_space<vmem>>, vector<2048x8xf32>
    %mul3A = arith.mulf %get3A_53, %get3A_56 : vector<2048x8xf32>
    %concatenate3A_57 = tpu.concatenate %mul3A, %add3A_50 in 1 : vector<2048x8xf32>, vector<2048x8xf32> -> vector<2048x16xf32>
    %get3A_58 = arith.constant 0 : index
    %get3A_59 = arith.constant 0 : index
    %get3A_60 = vector.load %arg13[%get3A_58, %get3A_59] : memref<16x1xf32, #tpu.memory_space<vmem>>, vector<16x1xf32>
    %dot_general3A_61 = arith.constant dense<0.000000e+00> : vector<2048x1xf32>
    %dot_general3A_62 = tpu.matmul %concatenate3A_57, %get3A_60, %dot_general3A_61 {dimension_numbers = #tpu.dot_dimension_numbers<[1], [0], [0], [1], [0, 0, 1, 1], [], []>, transpose_lhs_hint = false} : vector<2048x16xf32>, vector<16x1xf32>, vector<2048x1xf32> -> vector<2048x1xf32>
    %get3A_63 = arith.constant 0 : index
    %get3A_64 = arith.constant 0 : index
    %get3A_65 = vector.load %arg14[%get3A_63, %get3A_64] : memref<1x1xf32, #tpu.memory_space<vmem>>, vector<1x1xf32>
    %add3A_66 = vector.broadcast %get3A_65 : vector<1x1xf32> to vector<2048x1xf32>
    %add3A_67 = arith.addf %dot_general3A_62, %add3A_66 : vector<2048x1xf32>
    %logistic3A = arith.negf %add3A_67 : vector<2048x1xf32>
    %logistic3A_68 = math.exp %logistic3A : vector<2048x1xf32>
    %logistic3A_69 = arith.constant 1.000000e+00 : f32
    %logistic3A_70 = vector.broadcast %logistic3A_69 : f32 to vector<2048x1xf32>
    %logistic3A_71 = arith.addf %logistic3A_70, %logistic3A_68 : vector<2048x1xf32>
    %logistic3A_72 = arith.divf %logistic3A_70, %logistic3A_71 : vector<2048x1xf32>
    %swap3A = arith.constant 0 : index
    %swap3A_73 = arith.constant 0 : index
    %swap3A_74 = vector.load %arg15[%swap3A, %swap3A_73] : memref<2048x1xf32, #tpu.memory_space<vmem>>, vector<2048x1xf32>
    tpu.vector_store %arg15[%swap3A, %swap3A_73], %logistic3A_72 {strides = array<i32>} : memref<2048x1xf32, #tpu.memory_space<vmem>>, vector<2048x1xf32>,
    return
  }
  func.func @transform_0(%arg0: i32) -> (i32, i32) {
    %c0_i32 = arith.constant 0 : i32
    %c0_i32_0 = arith.constant 0 : i32
    return %arg0, %c0_i32 : i32, i32
  }
  func.func @transform_1(%arg0: i32) -> (i32, i32) {
    %c0_i32 = arith.constant 0 : i32
    %c0_i32_0 = arith.constant 0 : i32
    return %arg0, %c0_i32 : i32, i32
  }
  func.func @transform_2(%arg0: i32) -> (i32, i32) {
    %c0_i32 = arith.constant 0 : i32
    %c0_i32_0 = arith.constant 0 : i32
    return %arg0, %c0_i32 : i32, i32
  }
  func.func @transform_3(%arg0: i32) -> (i32, i32) {
    %c0_i32 = arith.constant 0 : i32
    %c0_i32_0 = arith.constant 0 : i32
    return %arg0, %c0_i32 : i32, i32
  }
  func.func @transform_4(%arg0: i32) -> (i32, i32) {
    %c0_i32 = arith.constant 0 : i32
    %c0_i32_0 = arith.constant 0 : i32
    %c0_i32_1 = arith.constant 0 : i32
    return %c0_i32, %c0_i32_0 : i32, i32
  }
  func.func @transform_5(%arg0: i32) -> (i32, i32) {
    %c0_i32 = arith.constant 0 : i32
    %c0_i32_0 = arith.constant 0 : i32
    %c0_i32_1 = arith.constant 0 : i32
    return %c0_i32, %c0_i32_0 : i32, i32
  }
  func.func @transform_6(%arg0: i32) -> (i32, i32) {
    %c0_i32 = arith.constant 0 : i32
    %c0_i32_0 = arith.constant 0 : i32
    %c0_i32_1 = arith.constant 0 : i32
    return %c0_i32, %c0_i32_0 : i32, i32
  }
  func.func @transform_7(%arg0: i32) -> (i32, i32) {
    %c0_i32 = arith.constant 0 : i32
    %c0_i32_0 = arith.constant 0 : i32
    %c0_i32_1 = arith.constant 0 : i32
    return %c0_i32, %c0_i32_0 : i32, i32
  }
  func.func @transform_8(%arg0: i32) -> (i32, i32) {
    %c0_i32 = arith.constant 0 : i32
    %c0_i32_0 = arith.constant 0 : i32
    %c0_i32_1 = arith.constant 0 : i32
    return %c0_i32, %c0_i32_0 : i32, i32
  }
  func.func @transform_9(%arg0: i32) -> (i32, i32) {
    %c0_i32 = arith.constant 0 : i32
    %c0_i32_0 = arith.constant 0 : i32
    %c0_i32_1 = arith.constant 0 : i32
    return %c0_i32, %c0_i32_0 : i32, i32
  }
  func.func @transform_10(%arg0: i32) -> (i32, i32) {
    %c0_i32 = arith.constant 0 : i32
    %c0_i32_0 = arith.constant 0 : i32
    %c0_i32_1 = arith.constant 0 : i32
    return %c0_i32, %c0_i32_0 : i32, i32
  }
  func.func @transform_11(%arg0: i32) -> (i32, i32) {
    %c0_i32 = arith.constant 0 : i32
    %c0_i32_0 = arith.constant 0 : i32
    %c0_i32_1 = arith.constant 0 : i32
    return %c0_i32, %c0_i32_0 : i32, i32
  }
  func.func @transform_12(%arg0: i32) -> (i32, i32) {
    %c0_i32 = arith.constant 0 : i32
    %c0_i32_0 = arith.constant 0 : i32
    %c0_i32_1 = arith.constant 0 : i32
    return %c0_i32, %c0_i32_0 : i32, i32
  }
  func.func @transform_13(%arg0: i32) -> (i32, i32) {
    %c0_i32 = arith.constant 0 : i32
    %c0_i32_0 = arith.constant 0 : i32
    %c0_i32_1 = arith.constant 0 : i32
    return %c0_i32, %c0_i32_0 : i32, i32
  }
  func.func @transform_14(%arg0: i32) -> (i32, i32) {
    %c0_i32 = arith.constant 0 : i32
    %c0_i32_0 = arith.constant 0 : i32
    return %arg0, %c0_i32 : i32, i32
  }
}

</mosaic_0001>

<sc_bundles>
// kernel: kernel.5.cloned.1.call-start
scs
__scs_entry_jumppad:
0x0: {  	(pc) =	sbr.rel $0x88, $3  }
0x1: {  	(tag) =	ssettag $0x0;
	lr =	simm.s32 $0x1  }
0x2: {  	[smem:$0x3F92] =	sst lr;
	_ =	strace $0xD0000000  }
0x3: {  	_ = 	snop  }
0x4: {  	_ = 	snop  }
0x5: {  	_ = 	snop  }
0x6: {  	_ = 	snop  }
0x7: {  	_ = 	snop  }
__scs_overlays_trampoline_lowered:
0x8: {  	[smem:$0x3FA1] =	sst s0  }
0x9: {  	[smem:$0x3FA2] =	sst s1  }
0xa: {  	[smem:$0x3FA3] =	sst s2  }
0xb: {  	[smem:$0x3FA4] =	sst s3  }
0xc: {  	[smem:$0x3FA5] =	sst s4  }
0xd: {  	[smem:$0x3FA6] =	sst s5  }
0xe: {  	[smem:$0x3FA7] =	sst s6  }
0xf: {  	[smem:$0x3FA8] =	sst s7  }
0x10: {  	[smem:$0x3FA9] =	sst s8  }
0x11: {  	[smem:$0x3FAA] =	sst s9;
	s0 =	simm.s32 @!p0 $0x0  }
0x12: {  	s1 =	sld [smem:$0x3F90];
	s0 =	simm.s32 @p0 $0x1  }
0x13: {  	[smem:$0x3FAB] =	sst s0;
	s0 =	simm.s32 @!p1 $0x0  }
0x14: {  	s2 =	sld [smem:$0x3F8F];
	s0 =	simm.s32 @p1 $0x1  }
0x15: {  	[smem:$0x3FAC] =	sst s0;
	s0 =	simm.s32 @!p2 $0x0  }
0x16: {  	s3 =	sld [smem:$0x3FDB];
	s0 =	simm.s32 @p2 $0x1  }
0x17: {  	s4 =	simm.s32 $0x1BF5;
	[smem:$0x3FAE] =	sst s0  }
0x18: {  	s0 =	sld [smem:$0x3F91];
	_ =	swait.ge [sflag:s4], $0x0  }
0x19: {  	s7 =	sld [smem:$0x3F92]  }
0x1a: {  	s8 =	sadd.s32 $0xFFFFE003, lr  }
0x1b: {  	s9 =	sadd.s32 $0xFFFFFEF7, lr;
	s5 =	simm.s32 $0xFFFFFFFF;
	p2 =	slt.u32 s8, $0xFFFFF086  }
0x1c: {  	p1 =	slt.u32 s9, $0xF7A;
	s5 =	simm.s32 @!p2 $0x0  }
0x1d: {  	s5 =	simm.s32 @p1 $0x1;
	p0 =	seq.s32 s7, s2  }
0x1e: {  	s7 =	smul.u32 @!p0 $0xF7A, s2;
	p2 =	seq.s32 @!p0 s5, $0x0  }
0x1f: {  	s9 =	smul.u32 $0xF7A, s1;
	s8 =	simm.s32 @!p0 $0x1BF5;
	p2 =	por !p2, p0  }
0x20: {  	[sflag:s8] =	ssyncset.s32 @!p0 $0xFFFFF086;
	s6 =	sadd.s32 @!p0 s3, s7;
	s7 =	simm.s32 @!p0 $0x108  }
0x21: {  	s3 =	sadd.s32 s3, s9;
	s6 =	sadd.s32 @!p0 $0x88, s6;
	s7 =	simm.s32 @p2 $0x1082  }
0x22: {  	[simem:s7], [sflag:s8] =	dma.local @!p0 [hbm:s6], $0xF7A  }
0x23: {  	s9 =	sor.u32 $0xD0000000, s2;
	s6 =	simm.s32 $0x108;
	_ =	swait.ge @!p0 [sflag:s8], $0x0  }
0x24: {  	s3 =	sadd.s32 $0x88, s3;
	s6 =	simm.s32 @!p1 $0x1082;
	[sflag:s4] =	ssyncset.s32 $0xFFFFF086  }
0x25: {  	[simem:s6], [sflag:s4] =	dma.local [hbm:s3], $0xF7A  }
0x26: {  	[smem:$0x3F92] =	sst s1;
	(tag) =	ssettag s2;
	_ =	strace s9  }
0x27: {  	s1 =	sld [smem:$0x3FA2]  }
0x28: {  	s2 =	sld [smem:$0x3FA3]  }
0x29: {  	s4 =	sld [smem:$0x3FA5]  }
0x2a: {  	p0 =	seq.s32 s5, $0x0;
	s5 =	sld [smem:$0x3FA6]  }
0x2b: {  	s6 =	sld [smem:$0x3FA7]  }
0x2c: {  	s7 =	sld [smem:$0x3FA8]  }
0x2d: {  	s3 =	simm.s32 $0x108;
	s8 =	sld [smem:$0x3FA9]  }
0x2e: {  	s3 =	simm.s32 @!p0 $0x1082;
	s9 =	sld [smem:$0x3FAA]  }
0x2f: {  	lr =	sadd.s32 s0, s3;
	s0 =	sld [smem:$0x3FA1]  }
0x30: {  	s3 =	sld [smem:$0x3FA4]  }
0x31: {  	[smem:$0x3FAD] =	sst s10  }
0x32: {  	s10 =	sld [smem:$0x3FAB];
	_ =	sdelay $0x3  }
0x33: {  	p0 =	seq.s32 s10, $0x1;
	s10 =	sld [smem:$0x3FAD];
	_ =	sdelay $0x3  }
0x34: {  	[smem:$0x3FAD] =	sst s10  }
0x35: {  	s10 =	sld [smem:$0x3FAC];
	_ =	sdelay $0x3  }
0x36: {  	p1 =	seq.s32 s10, $0x1;
	s10 =	sld [smem:$0x3FAD];
	_ =	sdelay $0x3  }
0x37: {  	[smem:$0x3FAD] =	sst s10  }
0x38: {  	s10 =	sld [smem:$0x3FAE]  }
0x39: {  	_ = 	snop;
	(pc) =	sbr.ind lr, $3  }
0x3a: {  	_ = 	snop  }
0x3b: {  	_ = 	snop  }
0x3c: {  	p2 =	seq.s32 s10, $0x1;
	s10 =	sld [smem:$0x3FAD]  }
0x3d: {  	_ =	shalt  }
0x3e: {  	_ =	shalt  }
0x3f: {  	_ =	shalt  }
0x40: {  	_ =	shalt  }
0x41: {  	_ =	shalt  }
0x42: {  	_ =	shalt  }
0x43: {  	_ =	shalt  }
0x44: {  	_ =	shalt  }
0x45: {  	_ =	shalt  }
0x46: {  	_ =	shalt  }
0x47: {  	_ =	shalt  }
0x48: {  	_ =	shalt  }
0x49: {  	_ =	shalt  }
0x4a: {  	_ =	shalt  }
0x4b: {  	_ =	shalt  }
0x4c: {  	_ =	shalt  }
0x4d: {  	_ =	shalt  }
0x4e: {  	_ =	shalt  }
0x4f: {  	_ =	shalt  }
0x50: {  	_ =	shalt  }
0x51: {  	_ =	shalt  }
0x52: {  	_ =	shalt  }
0x53: {  	_ =	shalt  }
0x54: {  	_ =	shalt  }
0x55: {  	_ =	shalt  }
0x56: {  	_ =	shalt  }
0x57: {  	_ =	shalt  }
0x58: {  	_ =	shalt  }
0x59: {  	_ =	shalt  }
0x5a: {  	_ =	shalt  }
0x5b: {  	_ =	shalt  }
0x5c: {  	_ =	shalt  }
0x5d: {  	_ =	shalt  }
0x5e: {  	_ =	shalt  }
0x5f: {  	_ =	shalt  }
0x60: {  	_ =	shalt  }
0x61: {  	_ =	shalt  }
0x62: {  	_ =	shalt  }
0x63: {  	_ =	shalt  }
0x64: {  	_ =	shalt  }
0x65: {  	_ =	shalt  }
0x66: {  	_ =	shalt  }
0x67: {  	_ =	shalt  }
0x68: {  	_ =	shalt  }
0x69: {  	_ =	shalt  }
0x6a: {  	_ =	shalt  }
0x6b: {  	_ =	shalt  }
0x6c: {  	_ =	shalt  }
0x6d: {  	_ =	shalt  }
0x6e: {  	_ =	shalt  }
0x6f: {  	_ =	shalt  }
0x70: {  	_ =	shalt  }
0x71: {  	_ =	shalt  }
0x72: {  	_ =	shalt  }
0x73: {  	_ =	shalt  }
0x74: {  	_ =	shalt  }
0x75: {  	_ =	shalt  }
0x76: {  	_ =	shalt  }
0x77: {  	_ =	shalt  }
0x78: {  	_ =	shalt  }
0x79: {  	_ =	shalt  }
0x7a: {  	_ =	shalt  }
0x7b: {  	_ =	shalt  }
0x7c: {  	_ =	shalt  }
0x7d: {  	_ =	shalt  }
0x7e: {  	_ =	shalt  }
0x7f: {  	_ =	shalt  }
0x80: {  	_ =	shalt  }
0x81: {  	_ =	shalt  }
0x82: {  	_ =	shalt  }
0x83: {  	_ =	shalt  }
0x84: {  	_ =	shalt  }
0x85: {  	_ =	shalt  }
0x86: {  	_ =	shalt  }
0x87: {  	_ =	shalt  }
.Lfunc_end0:
.L_simem_size_0:
called_computation_lowered:
.L_overlay_start_0:
0x88: {  	s2 =	sld [smem:$0x3FD9]  }
0x89: {  	s3 =	sld [smem:$0x3FFE];
	_ =	sdelay $0x1  }
0x8a: {  	s1 =	srdreg.scid  }
0x8b: {  	s0 =	sand.u32 $0x1, s1  }
0x8c: {  	s17 =	sshll.u32 s0, $0xA;
	s2 =	sadd.s32 s3, s2  }
0x8d: {  	s2 =	sadd.s32 s2, s17  }
0x8e: {  	[smem:$0x3FB9] =	sst s2  }
0x8f: {  	_ = 	snop  }
0x90: {  	s2 =	sld [smem:$0x3FD0];
	(tm) =	ssettm $0x1  }
0x91: {  	s18 =	sld [smem:$0x3FFB];
	_ =	sdelay $0x3  }
0x92: {  	_ =	strace s18  }
0x93: {  	s3 =	sld [smem:$0x3FFC];
	_ =	sdelay $0x3  }
0x94: {  	_ =	strace s3  }
0x95: {  	s3 =	sld [smem:$0x3FFD];
	_ =	sdelay $0x3  }
0x96: {  	_ =	strace s3  }
0x97: {  	_ =	strace $0x8FFFFFFF  }
0x98: {  	s19 =	sld [smem:$0x3FDB];
	_ =	sdelay $0x1  }
0x99: {  	s4 =	simm.s32 $_scs_section_size  }
0x9a: {  	s5 =	simm.s32 $_size__tile_overlayer_lowered;
	s6 =	simm.s32 $_tile_overlayer_lowered  }
0x9b: {  	s22 =	simm.s32 $0x1BFF;
	s21 =	sshll.u32 s6, $0x1;
	s3 =	sadd.s32 s4, s19  }
0x9c: {  	s7 =	simm.s32 $0x0;
	s20 =	sshll.u32 s5, $0x1;
	s5 =	sadd.s32 s21, s3  }
0x9d: {  	[timem:s7], [sflag:s22] =	dma.local [hbm:s5], s20  }
0x9e: {  	_ =	swait.ge [sflag:s22], s20  }
0x9f: {  	s4 =	ssub.s32 $0x0, s20;
	[sflag:s22] =	ssyncset.done $0x0  }
0xa0: {  	[sflag:s22] =	ssyncadd.s32 s4;
	_ =	sdelay $0x1  }
0xa1: {  	s23 =	simm.s32 $0x1B8B  }
0xa2: {  	_ =	swait.ge [sflag:s23], $0x1  }
0xa3: {  	[sflag:s23] =	ssyncset.done $0x0  }
0xa4: {  	s25 =	simm.s32 $0x1B8E;
	s24 =	sld [smem:$0x3FFE];
	[sflag:s23] =	ssyncadd.s32 $0xFFFFFFFF  }
0xa5: {  	s26 =	simm.s32 $execute0_lowered;
	[smem:$0x3FD2] =	sst s25  }
0xa6: {  	s5 =	sshll.u32 s26, $0x1;
	_ =	strace $0x80000046;
	[dreg:$0x1] =	wrdreg $0xFFFFFFFF  }
0xa7: {  	s28 =	simm.s32 $_size_execute0_lowered;
	s3 =	sadd.s32 s3, s5;
	[dreg:$0x0] =	wrdreg $0x0  }
0xa8: {  	s5 =	sshll.u32 s28, $0x1;
	[dreg:$0x2] =	wrdreg s3  }
0xa9: {  	[dreg:$0x3] =	wrdreg s5  }
0xaa: {  	[dreg:$0x4] =	wrdreg $0xC0  }
0xab: {  	_ =	task [dreg:s7], $0x5FFFF  }
0xac: {  	[dreg:$0x1] =	wrdreg $0xFFFFFFFF  }
0xad: {  	[dreg:$0x0] =	wrdreg $0x60  }
0xae: {  	[dreg:$0x2] =	wrdreg s24  }
0xaf: {  	[dreg:$0x3] =	wrdreg s2  }
0xb0: {  	[dreg:$0x4] =	wrdreg $0x9  }
0xb1: {  	_ =	task.clear_ibuf [dreg:s7], $0x5FFFF;
	_ =	strace $0x90000046  }
0xb2: {  	s29 =	simm.s32 $0x9;
	_ =	strace $0x80000048  }
0xb3: {  	_ =	swait.ge [sflag:s29], $0x1  }
0xb4: {  	[sflag:s29] =	ssyncadd.s32 $0xFFFFFFFF  }
0xb5: {  	_ =	strace $0x90000048  }
0xb6: {  	_ =	sfence  }
0xb7: {  	s30 =	sld [smem:$0x0];
	_ =	sdelay $0x2  }
0xb8: {  	s31 =	sshll.u32 s1, $0xD;
	s1 =	sshrl.u32 s1, $0x2  }
0xb9: {  	s3 =	sand.u32 $0x4000, s31;
	s1 =	sadd.s32 s1, s30  }
0xba: {  	s0 =	sor.u32 s3, s0;
	s1 =	sshll.u32 s1, $0x11  }
0xbb: {  	s0 =	sor.u32 s1, s0  }
0xbc: {  	s0 =	sadd.s32 $0x8F2B, s0  }
0xbd: {  	[sflag:s0] =	ssyncadd.remote.s32 $0x1  }
0xbe: {  	_ =	sfence.sel $0xFFFF  }
0xbf: {  	[dreg:$0x0] =	wrdreg $0xFFFFFFFF;
	(pc) =	sbr.abs _section_cstart, $3  }
0xc0: {  	[dreg:$0x1] =	wrdreg $0xFFFFFFFF  }
0xc1: {  	_ =	task.clear_ibuf [dreg:s7], $0x2FFFF;
	_ =	strace $0x9FFFFFFF  }
0xc2: {  	(tm) =	ssettm $0x7FFFFFFF  }
0xc3: {  	_ =	shalt  }
tec
execute0_lowered:
.L_overlay_start_1:
0x0: {  	(tag) =	ssettag $0x1  }
0x1: {  	s0 =	rddreg [dreg:$0x0];
	s1 =	srdreg.scid  }
0x2: {  	s2 =	stileid.u32;
	s10 =	rddreg [dreg:$0x1]  }
0x3: {  	s14 =	simm.s32 $0x3;
	s15 =	simm.s32 $0x200;
	s16 =	simm.s32 $0x80  }
0x4: {  	s18 =	simm.s32 $0x800;
	s20 =	simm.s32 $0x4800;
	s21 =	simm.s32 $0x1  }
0x5: {  	s22 =	simm.s32 $0x500;
	s23 =	simm.s32 $0x2;
	s24 =	simm.s32 $0x580  }
0x6: {  	s25 =	simm.s32 $0x600;
	s26 =	simm.s32 $0x680;
	s28 =	simm.s32 $0x700  }
0x7: {  	s29 =	simm.s32 $0x780;
	s30 =	simm.s32 $0x8800;
	s31 =	simm.s32 $0x0  }
0x8: {  	s1 =	sand.u32 $0x1, s1;
	s3 =	sshll.u32 s2, $0x1;
	s4 =	sadd.s32 $0xF6A00, s0  }
0x9: {  	s2 =	simm.s32 $0x0;
	s5 =	sadd.s32 $0x1EAE00, s0;
	s6 =	sadd.s32 $0x2DF200, s0  }
0xa: {  	s7 =	sor.u32 s1, s3;
	[smem:$0x7FF] =	sst s2;
	s3 =	sadd.s32 $0x2600, s0  }
0xb: {  	s1 =	ssub.s32 $0x2, s1;
	s11 =	sshll.u32 s7, $0x6;
	_ =	strace $0x80000047  }
0xc: {  	s7 =	sshll.u32 s7, $0x9;
	s9 =	sshrl.u32 s1, $0x1;
	s8 =	sadd.s32 s11, s0  }
0xd: {  	v1 =	vlaneseq.u32;
	s0 =	sadd.s32 s7, s0;
	s1 =	ssub.s32 s1, s9;
	s7 =	sadd.s32 $0x1E00, s8  }
0xe: {  	v0 =	vshrl.u32 v1, $0x3;
	s10 =	sadd.s32 s10, s11;
	s8 =	sadd.s32 $0x3DF600, s0;
	s9 =	sadd.s32 $0x3D3600, s0  }
0xf: {  	v1 =	vand.u32 $0x7, v1;
	v2 =	vmul.u32 $0x80, v0;
	s11 =	sadd.s32 $0x3D7600, s0;
	s12 =	sadd.s32 $0x3DB600, s0;
	s13 =	smax.u32 s1, $0x1  }
.LBB2_1:
0x10: {  	[tilespmem:s2], [sflag:$0x3] =	stream.linear.gather [hbm4b:s7+s2], $0x200, $0x38;
	[tilespmem:$0xC800] =	vst v63  }
0x11: {  	_ =	swait.ge [sflag:s14], $0x200  }
0x12: {  	[sflag:s14] =	ssyncset.done $0x0  }
0x13: {  	[sflag:s14] =	ssyncadd.s32 $0xFFFFFE00  }
0x14: {  	[tilespmem:s15], [sflag:$0x3] =	stream.linear.gather [hbm4b:s10+s2], $0x200, $0x38;
	[tilespmem:$0xC800] =	vst v63  }
0x15: {  	_ =	swait.ge [sflag:s14], $0x200  }
0x16: {  	[sflag:s14] =	ssyncset.done $0x0  }
0x17: {  	[sflag:s14] =	ssyncadd.s32 $0xFFFFFE00  }
0x18: {  	v3 =	vld [tilespmem:$0x0]  }
0x19: {  	v4 =	vld [tilespmem:$0x200]  }
0x1a: {  	v5 =	vld [tilespmem:$0x10]  }
0x1b: {  	v6 =	vld [tilespmem:$0x210]  }
0x1c: {  	v7 =	vld [tilespmem:$0x20]  }
0x1d: {  	v8 =	vld [tilespmem:$0x220];
	v3 =	vshrl.u32 v3, $0x4  }
0x1e: {  	[tilespmem:$0x400] =	vst v3;
	v3 =	vshrl.u32 v4, $0x4;
	v4 =	vld [tilespmem:$0x30]  }
0x1f: {  	[tilespmem:$0x600] =	vst v3;
	v3 =	vshrl.u32 v5, $0x4;
	v5 =	vld [tilespmem:$0x230]  }
0x20: {  	[tilespmem:$0x410] =	vst v3;
	v3 =	vshrl.u32 v6, $0x4;
	v6 =	vld [tilespmem:$0x40]  }
0x21: {  	[tilespmem:$0x610] =	vst v3;
	v3 =	vshrl.u32 v7, $0x4;
	v7 =	vld [tilespmem:$0x240]  }
0x22: {  	v53 =	vld [tilespmem:$0x50];
	[tilespmem:$0x420] =	vst v3;
	v3 =	vshrl.u32 v8, $0x4  }
0x23: {  	[tilespmem:$0x620] =	vst v3;
	v3 =	vshrl.u32 v4, $0x4;
	v4 =	vld [tilespmem:$0x250]  }
0x24: {  	[tilespmem:$0x430] =	vst v3;
	v3 =	vshrl.u32 v5, $0x4;
	v5 =	vld [tilespmem:$0x60]  }
0x25: {  	[tilespmem:$0x630] =	vst v3;
	v3 =	vshrl.u32 v6, $0x4;
	v6 =	vld [tilespmem:$0x260]  }
0x26: {  	[tilespmem:$0x440] =	vst v3;
	v3 =	vshrl.u32 v7, $0x4;
	v7 =	vld [tilespmem:$0x70]  }
0x27: {  	v54 =	vld [tilespmem:$0x270];
	[tilespmem:$0x640] =	vst v3;
	v3 =	vshrl.u32 v53, $0x4  }
0x28: {  	[tilespmem:$0x450] =	vst v3;
	v3 =	vshrl.u32 v4, $0x4;
	v4 =	vld [tilespmem:$0x80]  }
0x29: {  	[tilespmem:$0x650] =	vst v3;
	v3 =	vshrl.u32 v5, $0x4;
	v5 =	vld [tilespmem:$0x280]  }
0x2a: {  	[tilespmem:$0x460] =	vst v3;
	v3 =	vshrl.u32 v6, $0x4;
	v6 =	vld [tilespmem:$0x90]  }
0x2b: {  	[tilespmem:$0x660] =	vst v3;
	v3 =	vshrl.u32 v7, $0x4;
	v7 =	vld [tilespmem:$0x290]  }
0x2c: {  	v55 =	vld [tilespmem:$0xA0];
	[tilespmem:$0x470] =	vst v3;
	v3 =	vshrl.u32 v54, $0x4  }
0x2d: {  	[tilespmem:$0x670] =	vst v3;
	v3 =	vshrl.u32 v4, $0x4;
	v4 =	vld [tilespmem:$0x2A0]  }
0x2e: {  	[tilespmem:$0x480] =	vst v3;
	v3 =	vshrl.u32 v5, $0x4;
	v5 =	vld [tilespmem:$0xB0]  }
0x2f: {  	[tilespmem:$0x680] =	vst v3;
	v3 =	vshrl.u32 v6, $0x4;
	v6 =	vld [tilespmem:$0x2B0]  }
0x30: {  	[tilespmem:$0x490] =	vst v3;
	v3 =	vshrl.u32 v7, $0x4;
	v7 =	vld [tilespmem:$0xC0]  }
0x31: {  	v56 =	vld [tilespmem:$0x2C0];
	[tilespmem:$0x690] =	vst v3;
	v3 =	vshrl.u32 v55, $0x4  }
0x32: {  	[tilespmem:$0x4A0] =	vst v3;
	v3 =	vshrl.u32 v4, $0x4;
	v4 =	vld [tilespmem:$0xD0]  }
0x33: {  	[tilespmem:$0x6A0] =	vst v3;
	v3 =	vshrl.u32 v5, $0x4;
	v5 =	vld [tilespmem:$0x2D0]  }
0x34: {  	[tilespmem:$0x4B0] =	vst v3;
	v3 =	vshrl.u32 v6, $0x4;
	v6 =	vld [tilespmem:$0xE0]  }
0x35: {  	[tilespmem:$0x6B0] =	vst v3;
	v3 =	vshrl.u32 v7, $0x4;
	v7 =	vld [tilespmem:$0x2E0]  }
0x36: {  	v57 =	vld [tilespmem:$0xF0];
	[tilespmem:$0x4C0] =	vst v3;
	v3 =	vshrl.u32 v56, $0x4  }
0x37: {  	[tilespmem:$0x6C0] =	vst v3;
	v3 =	vshrl.u32 v4, $0x4;
	v4 =	vld [tilespmem:$0x2F0]  }
0x38: {  	[tilespmem:$0x4D0] =	vst v3;
	v3 =	vshrl.u32 v5, $0x4;
	v5 =	vld [tilespmem:$0x100]  }
0x39: {  	[tilespmem:$0x6D0] =	vst v3;
	v3 =	vshrl.u32 v6, $0x4;
	v6 =	vld [tilespmem:$0x300]  }
0x3a: {  	[tilespmem:$0x4E0] =	vst v3;
	v3 =	vshrl.u32 v7, $0x4;
	v7 =	vld [tilespmem:$0x110]  }
0x3b: {  	v58 =	vld [tilespmem:$0x310];
	[tilespmem:$0x6E0] =	vst v3;
	v3 =	vshrl.u32 v57, $0x4  }
0x3c: {  	[tilespmem:$0x4F0] =	vst v3;
	v3 =	vshrl.u32 v4, $0x4;
	v4 =	vld [tilespmem:$0x120]  }
0x3d: {  	[tilespmem:$0x6F0] =	vst v3;
	v3 =	vshrl.u32 v5, $0x4;
	v5 =	vld [tilespmem:$0x320]  }
0x3e: {  	[tilespmem:$0x500] =	vst v3;
	v3 =	vshrl.u32 v6, $0x4;
	v6 =	vld [tilespmem:$0x130]  }
0x3f: {  	[tilespmem:$0x700] =	vst v3;
	v3 =	vshrl.u32 v7, $0x4;
	v7 =	vld [tilespmem:$0x330]  }
0x40: {  	v59 =	vld [tilespmem:$0x140];
	[tilespmem:$0x510] =	vst v3;
	v3 =	vshrl.u32 v58, $0x4  }
0x41: {  	[tilespmem:$0x710] =	vst v3;
	v3 =	vshrl.u32 v4, $0x4;
	v4 =	vld [tilespmem:$0x340]  }
0x42: {  	[tilespmem:$0x520] =	vst v3;
	v3 =	vshrl.u32 v5, $0x4;
	v5 =	vld [tilespmem:$0x150]  }
0x43: {  	[tilespmem:$0x720] =	vst v3;
	v3 =	vshrl.u32 v6, $0x4;
	v6 =	vld [tilespmem:$0x350]  }
0x44: {  	[tilespmem:$0x530] =	vst v3;
	v3 =	vshrl.u32 v7, $0x4;
	v7 =	vld [tilespmem:$0x160]  }
0x45: {  	v60 =	vld [tilespmem:$0x360];
	[tilespmem:$0x730] =	vst v3;
	v3 =	vshrl.u32 v59, $0x4  }
0x46: {  	[tilespmem:$0x540] =	vst v3;
	v3 =	vshrl.u32 v4, $0x4;
	v4 =	vld [tilespmem:$0x170]  }
0x47: {  	[tilespmem:$0x740] =	vst v3;
	v3 =	vshrl.u32 v5, $0x4;
	v5 =	vld [tilespmem:$0x370]  }
0x48: {  	[tilespmem:$0x550] =	vst v3;
	v3 =	vshrl.u32 v6, $0x4;
	v6 =	vld [tilespmem:$0x180]  }
0x49: {  	[tilespmem:$0x750] =	vst v3;
	v3 =	vshrl.u32 v7, $0x4;
	v7 =	vld [tilespmem:$0x380]  }
0x4a: {  	v61 =	vld [tilespmem:$0x190];
	[tilespmem:$0x560] =	vst v3;
	v3 =	vshrl.u32 v60, $0x4  }
0x4b: {  	[tilespmem:$0x760] =	vst v3;
	v3 =	vshrl.u32 v4, $0x4;
	v4 =	vld [tilespmem:$0x390]  }
0x4c: {  	[tilespmem:$0x570] =	vst v3;
	v3 =	vshrl.u32 v5, $0x4;
	v5 =	vld [tilespmem:$0x1A0]  }
0x4d: {  	[tilespmem:$0x770] =	vst v3;
	v3 =	vshrl.u32 v6, $0x4;
	v6 =	vld [tilespmem:$0x3A0]  }
0x4e: {  	[tilespmem:$0x580] =	vst v3;
	v3 =	vshrl.u32 v7, $0x4;
	v7 =	vld [tilespmem:$0x1B0]  }
0x4f: {  	v62 =	vld [tilespmem:$0x3B0];
	[tilespmem:$0x780] =	vst v3;
	v3 =	vshrl.u32 v61, $0x4  }
0x50: {  	[tilespmem:$0x590] =	vst v3;
	v3 =	vshrl.u32 v4, $0x4;
	v4 =	vld [tilespmem:$0x1C0]  }
0x51: {  	[tilespmem:$0x790] =	vst v3;
	v3 =	vshrl.u32 v5, $0x4;
	v5 =	vld [tilespmem:$0x3C0]  }
0x52: {  	[tilespmem:$0x5A0] =	vst v3;
	v3 =	vshrl.u32 v6, $0x4;
	v6 =	vld [tilespmem:$0x1D0]  }
0x53: {  	[tilespmem:$0x7A0] =	vst v3;
	v3 =	vshrl.u32 v7, $0x4;
	v7 =	vld [tilespmem:$0x3D0]  }
0x54: {  	v63 =	vld [tilespmem:$0x1E0];
	[tilespmem:$0x5B0] =	vst v3;
	v3 =	vshrl.u32 v62, $0x4  }
0x55: {  	[tilespmem:$0x7B0] =	vst v3;
	v3 =	vshrl.u32 v4, $0x4;
	v4 =	vld [tilespmem:$0x3E0]  }
0x56: {  	[tilespmem:$0x5C0] =	vst v3;
	v3 =	vshrl.u32 v5, $0x4;
	v5 =	vld [tilespmem:$0x1F0]  }
0x57: {  	[tilespmem:$0x7C0] =	vst v3;
	v3 =	vshrl.u32 v6, $0x4;
	v6 =	vld [tilespmem:$0x3F0]  }
0x58: {  	[tilespmem:$0x5D0] =	vst v3;
	v3 =	vshrl.u32 v7, $0x4  }
0x59: {  	[tilespmem:$0x7D0] =	vst v3;
	v3 =	vshrl.u32 v63, $0x4  }
0x5a: {  	[tilespmem:$0x5E0] =	vst v3;
	v3 =	vshrl.u32 v4, $0x4  }
0x5b: {  	[tilespmem:$0x7E0] =	vst v3;
	v3 =	vshrl.u32 v5, $0x4  }
0x5c: {  	[tilespmem:$0x5F0] =	vst v3;
	v3 =	vshrl.u32 v6, $0x4  }
0x5d: {  	s0 =	simm.s32 $0x400;
	[tilespmem:$0x7F0] =	vst v3  }
0x5e: {  	[tilespmem:s18], [sflag:$0x1] =	stream.indirect.gather [hbm4b:s3+s16], $0x80, s0, s16, $0xb8;
	[tilespmem:$0xC800] =	vst v63  }
0x5f: {  	s1 =	simm.s32 $0x480;
	v3 =	vor.u32 s2, v0  }
0x60: {  	[tilespmem:s20], [sflag:$0x2] =	stream.indirect.gather [hbm4b:s3+s16], $0x80, s1, s16, $0xb8;
	[tilespmem:$0xC800] =	vst v63  }
0x61: {  	_ =	swait.ge [sflag:s21], $0x4000  }
0x62: {  	[sflag:s21] =	ssyncset.done $0x0  }
0x63: {  	[sflag:s21] =	ssyncadd.s32 $0xFFFFC000  }
0x64: {  	v4 =	vld.idx.msk [tilespmem:v3+s2+$0x0], $0xffff;
	_ =	sdelay $0x4  }
0x65: {  	v4 =	vshll.u32 v4, $0x3  }
0x66: {  	v3 =	vshll.u32 v3, $0x7;
	v4 =	vand.u32 $0x78, v4  }
0x67: {  	v3 =	vor.u32 v3, v4  }
0x68: {  	v3 =	vor.u32 v1, v3;
	_ =	sdelay $0x4  }
0x69: {  	s17 =	simm.s32 $0x2;
	v3 =	vld.idx.msk [tilespmem:v3+s18+$0x0], $0xffff  }
0x6a: {  	v4 =	vor.u32 s17, v0;
	_ =	sdelay $0x3  }
0x6b: {  	[tilespmem:s30+$0x0] =	vst v3  }
0x6c: {  	v3 =	vld.idx.msk [tilespmem:v4+s2+$0x0], $0xffff;
	_ =	sdelay $0x4  }
0x6d: {  	v3 =	vshll.u32 v3, $0x3  }
0x6e: {  	v4 =	vshll.u32 v4, $0x7;
	v3 =	vand.u32 $0x78, v3  }
0x6f: {  	v3 =	vor.u32 v4, v3  }
0x70: {  	v3 =	vor.u32 v1, v3;
	_ =	sdelay $0x4  }
0x71: {  	s19 =	simm.s32 $0x4;
	v4 =	vld.idx.msk [tilespmem:v3+s18+$0x0], $0xffff  }
0x72: {  	s0 =	simm.s32 $0x8800;
	s1 =	simm.s32 $0x6;
	v3 =	vor.u32 s19, v0  }
.LBB2_2:
0x73: {  	p0 =	sne.s32 s1, $0x7E;
	_ =	sdelay $0x1  }
0x74: {  	s0 =	sadd.s32 $0x10, s0  }
0x75: {  	[tilespmem:s0+$0x0] =	vst v4  }
0x76: {  	v4 =	vld.idx.msk [tilespmem:v3+s2+$0x0], $0xffff;
	_ =	sdelay $0x5  }
0x77: {  	v4 =	vshll.u32 v4, $0x3  }
0x78: {  	v3 =	vshll.u32 v3, $0x7;
	v4 =	vand.u32 $0x78, v4  }
0x79: {  	v3 =	vor.u32 v3, v4  }
0x7a: {  	v3 =	vor.u32 v1, v3;
	_ =	sdelay $0x2  }
.Ltmp0:
0x7b: {  	(pc) =	sbr.rel @p0 .LBB2_2-.Ltmp0, $3  }
0x7c: {  	_ = 	snop  }
0x7d: {  	v4 =	vld.idx.msk [tilespmem:v3+s18+$0x0], $0xffff;
	_ =	sdelay $0x1  }
0x7e: {  	v3 =	vor.u32 s1, v0;
	s1 =	sadd.s32 $0x2, s1  }
0x7f: {  	_ =	sdelay $0x1  }
0x80: {  	s0 =	sadd.s32 $0x10, s0  }
0x81: {  	[tilespmem:s0+$0x0] =	vst v4  }
0x82: {  	v4 =	vld.idx.msk [tilespmem:v3+s2+$0x0], $0xffff;
	_ =	sdelay $0x4  }
0x83: {  	v4 =	vshll.u32 v4, $0x3  }
0x84: {  	v3 =	vshll.u32 v3, $0x7;
	v4 =	vand.u32 $0x78, v4  }
0x85: {  	v3 =	vor.u32 v3, v4  }
0x86: {  	v3 =	vor.u32 v1, v3;
	_ =	sdelay $0x4  }
0x87: {  	v3 =	vld.idx.msk [tilespmem:v3+s18+$0x0], $0xffff;
	_ =	sdelay $0x3  }
0x88: {  	s1 =	simm.s32 $0x80;
	s0 =	sadd.s32 $0x10, s0  }
0x89: {  	[tilespmem:s0+$0x0] =	vst v3;
	v3 =	vor.u32 s1, v0  }
0x8a: {  	[tilespmem:s18], [sflag:$0x1] =	stream.indirect.gather [hbm4b:s3+s16], $0x80, s22, s16, $0xb8;
	[tilespmem:$0xC800] =	vst v63  }
0x8b: {  	_ =	swait.ge [sflag:s23], $0x4000  }
0x8c: {  	[sflag:s23] =	ssyncset.done $0x0  }
0x8d: {  	[sflag:s23] =	ssyncadd.s32 $0xFFFFC000  }
0x8e: {  	v3 =	vld.idx.msk [tilespmem:v3+s2+$0x0], $0xffff;
	_ =	sdelay $0x2  }
0x8f: {  	s1 =	simm.s32 $0x0  }
0x90: {  	v4 =	vmov s1  }
0x91: {  	v4 =	vshll.u32 v4, $0x7;
	v3 =	vshll.u32 v3, $0x3  }
0x92: {  	v4 =	vor.u32 v2, v4;
	v3 =	vand.u32 $0x78, v3  }
0x93: {  	v3 =	vor.u32 v4, v3  }
0x94: {  	v3 =	vor.u32 v1, v3;
	_ =	sdelay $0x4  }
0x95: {  	s17 =	simm.s32 $0x82;
	v3 =	vld.idx.msk [tilespmem:v3+s20+$0x0], $0xffff  }
0x96: {  	v4 =	vor.u32 s17, v0;
	_ =	sdelay $0x2  }
0x97: {  	s1 =	simm.s32 $0x8C00  }
0x98: {  	[tilespmem:s1+$0x0] =	vst v3  }
0x99: {  	v3 =	vld.idx.msk [tilespmem:v4+s2+$0x0], $0xffff;
	_ =	sdelay $0x2  }
0x9a: {  	s19 =	simm.s32 $0x2  }
0x9b: {  	v4 =	vmov s19  }
0x9c: {  	v4 =	vshll.u32 v4, $0x7;
	v3 =	vshll.u32 v3, $0x3  }
0x9d: {  	v4 =	vor.u32 v2, v4;
	v3 =	vand.u32 $0x78, v3  }
0x9e: {  	v3 =	vor.u32 v4, v3  }
0x9f: {  	v3 =	vor.u32 v1, v3;
	_ =	sdelay $0x4  }
0xa0: {  	s0 =	simm.s32 $0x4;
	s17 =	simm.s32 $0x6;
	s19 =	simm.s32 $0x84;
	v3 =	vld.idx.msk [tilespmem:v3+s20+$0x0], $0xffff  }
.LBB2_4:
0xa1: {  	p0 =	sne.s32 s17, $0x7E;
	v4 =	vor.u32 s19, v0;
	_ =	sdelay $0x2  }
0xa2: {  	s1 =	sadd.s32 $0x10, s1  }
0xa3: {  	[tilespmem:s1+$0x0] =	vst v3  }
0xa4: {  	v3 =	vld.idx.msk [tilespmem:v4+s2+$0x0], $0xffff;
	_ =	sdelay $0x4  }
0xa5: {  	v4 =	vmov s0;
	s0 =	smov.u32 s17  }
0xa6: {  	v4 =	vshll.u32 v4, $0x7;
	v3 =	vshll.u32 v3, $0x3  }
0xa7: {  	v4 =	vor.u32 v2, v4;
	v3 =	vand.u32 $0x78, v3  }
0xa8: {  	v3 =	vor.u32 v4, v3  }
0xa9: {  	v3 =	vor.u32 v1, v3;
	_ =	sdelay $0x1  }
.Ltmp1:
0xaa: {  	(pc) =	sbr.rel @p0 .LBB2_4-.Ltmp1, $3  }
0xab: {  	_ =	sdelay $0x1  }
0xac: {  	v3 =	vld.idx.msk [tilespmem:v3+s20+$0x0], $0xffff  }
0xad: {  	s17 =	sadd.s32 $0x2, s17;
	s19 =	sadd.s32 $0x80, s0  }
0xae: {  	v4 =	vor.u32 s19, v0;
	_ =	sdelay $0x2  }
0xaf: {  	s1 =	sadd.s32 $0x10, s1  }
0xb0: {  	[tilespmem:s1+$0x0] =	vst v3  }
0xb1: {  	v3 =	vld.idx.msk [tilespmem:v4+s2+$0x0], $0xffff;
	_ =	sdelay $0x3  }
0xb2: {  	v4 =	vmov s0  }
0xb3: {  	v4 =	vshll.u32 v4, $0x7;
	v3 =	vshll.u32 v3, $0x3  }
0xb4: {  	v4 =	vor.u32 v2, v4;
	v3 =	vand.u32 $0x78, v3  }
0xb5: {  	v3 =	vor.u32 v4, v3  }
0xb6: {  	v3 =	vor.u32 v1, v3;
	_ =	sdelay $0x4  }
0xb7: {  	v3 =	vld.idx.msk [tilespmem:v3+s20+$0x0], $0xffff;
	_ =	sdelay $0x3  }
0xb8: {  	s19 =	simm.s32 $0x100;
	s17 =	sadd.s32 $0x10, s1  }
0xb9: {  	[tilespmem:s17+$0x0] =	vst v3;
	v3 =	vor.u32 s19, v0  }
0xba: {  	[tilespmem:s20], [sflag:$0x2] =	stream.indirect.gather [hbm4b:s3+s16], $0x80, s24, s16, $0xb8;
	[tilespmem:$0xC800] =	vst v63  }
0xbb: {  	_ =	swait.ge [sflag:s21], $0x4000  }
0xbc: {  	[sflag:s21] =	ssyncset.done $0x0  }
0xbd: {  	[sflag:s21] =	ssyncadd.s32 $0xFFFFC000  }
0xbe: {  	v3 =	vld.idx.msk [tilespmem:v3+s2+$0x0], $0xffff;
	_ =	sdelay $0x2  }
0xbf: {  	s1 =	simm.s32 $0x0  }
0xc0: {  	v4 =	vmov s1  }
0xc1: {  	v4 =	vshll.u32 v4, $0x7;
	v3 =	vshll.u32 v3, $0x3  }
0xc2: {  	v4 =	vor.u32 v2, v4;
	v3 =	vand.u32 $0x78, v3  }
0xc3: {  	v3 =	vor.u32 v4, v3  }
0xc4: {  	v3 =	vor.u32 v1, v3;
	_ =	sdelay $0x4  }
0xc5: {  	s17 =	simm.s32 $0x102;
	v3 =	vld.idx.msk [tilespmem:v3+s18+$0x0], $0xffff  }
0xc6: {  	v4 =	vor.u32 s17, v0;
	_ =	sdelay $0x2  }
0xc7: {  	s1 =	simm.s32 $0x9000  }
0xc8: {  	[tilespmem:s1+$0x0] =	vst v3  }
0xc9: {  	v3 =	vld.idx.msk [tilespmem:v4+s2+$0x0], $0xffff;
	_ =	sdelay $0x2  }
0xca: {  	s19 =	simm.s32 $0x2  }
0xcb: {  	v4 =	vmov s19  }
0xcc: {  	v4 =	vshll.u32 v4, $0x7;
	v3 =	vshll.u32 v3, $0x3  }
0xcd: {  	v4 =	vor.u32 v2, v4;
	v3 =	vand.u32 $0x78, v3  }
0xce: {  	v3 =	vor.u32 v4, v3  }
0xcf: {  	v3 =	vor.u32 v1, v3;
	_ =	sdelay $0x4  }
0xd0: {  	s0 =	simm.s32 $0x4;
	s17 =	simm.s32 $0x6;
	s19 =	simm.s32 $0x104;
	v3 =	vld.idx.msk [tilespmem:v3+s18+$0x0], $0xffff  }
.LBB2_6:
0xd1: {  	p0 =	sne.s32 s17, $0x7E;
	v4 =	vor.u32 s19, v0;
	_ =	sdelay $0x2  }
0xd2: {  	s1 =	sadd.s32 $0x10, s1  }
0xd3: {  	[tilespmem:s1+$0x0] =	vst v3  }
0xd4: {  	v3 =	vld.idx.msk [tilespmem:v4+s2+$0x0], $0xffff;
	_ =	sdelay $0x4  }
0xd5: {  	v4 =	vmov s0;
	s0 =	smov.u32 s17  }
0xd6: {  	v4 =	vshll.u32 v4, $0x7;
	v3 =	vshll.u32 v3, $0x3  }
0xd7: {  	v4 =	vor.u32 v2, v4;
	v3 =	vand.u32 $0x78, v3  }
0xd8: {  	v3 =	vor.u32 v4, v3  }
0xd9: {  	v3 =	vor.u32 v1, v3;
	_ =	sdelay $0x1  }
.Ltmp2:
0xda: {  	(pc) =	sbr.rel @p0 .LBB2_6-.Ltmp2, $3  }
0xdb: {  	_ =	sdelay $0x1  }
0xdc: {  	v3 =	vld.idx.msk [tilespmem:v3+s18+$0x0], $0xffff  }
0xdd: {  	s17 =	sadd.s32 $0x2, s17;
	s19 =	sadd.s32 $0x100, s0  }
0xde: {  	v4 =	vor.u32 s19, v0;
	_ =	sdelay $0x2  }
0xdf: {  	s1 =	sadd.s32 $0x10, s1  }
0xe0: {  	[tilespmem:s1+$0x0] =	vst v3  }
0xe1: {  	v3 =	vld.idx.msk [tilespmem:v4+s2+$0x0], $0xffff;
	_ =	sdelay $0x3  }
0xe2: {  	v4 =	vmov s0  }
0xe3: {  	v4 =	vshll.u32 v4, $0x7;
	v3 =	vshll.u32 v3, $0x3  }
0xe4: {  	v4 =	vor.u32 v2, v4;
	v3 =	vand.u32 $0x78, v3  }
0xe5: {  	v3 =	vor.u32 v4, v3  }
0xe6: {  	v3 =	vor.u32 v1, v3;
	_ =	sdelay $0x4  }
0xe7: {  	v3 =	vld.idx.msk [tilespmem:v3+s18+$0x0], $0xffff;
	_ =	sdelay $0x3  }
0xe8: {  	s19 =	simm.s32 $0x180;
	s17 =	sadd.s32 $0x10, s1  }
0xe9: {  	[tilespmem:s17+$0x0] =	vst v3;
	v3 =	vor.u32 s19, v0  }
0xea: {  	[tilespmem:s18], [sflag:$0x1] =	stream.indirect.gather [hbm4b:s4+s16], $0x80, s25, s16, $0xb8;
	[tilespmem:$0xC800] =	vst v63  }
0xeb: {  	_ =	swait.ge [sflag:s23], $0x4000  }
0xec: {  	[sflag:s23] =	ssyncset.done $0x0  }
0xed: {  	[sflag:s23] =	ssyncadd.s32 $0xFFFFC000  }
0xee: {  	v3 =	vld.idx.msk [tilespmem:v3+s2+$0x0], $0xffff;
	_ =	sdelay $0x2  }
0xef: {  	s1 =	simm.s32 $0x0  }
0xf0: {  	v4 =	vmov s1  }
0xf1: {  	v4 =	vshll.u32 v4, $0x7;
	v3 =	vshll.u32 v3, $0x3  }
0xf2: {  	v4 =	vor.u32 v2, v4;
	v3 =	vand.u32 $0x78, v3  }
0xf3: {  	v3 =	vor.u32 v4, v3  }
0xf4: {  	v3 =	vor.u32 v1, v3;
	_ =	sdelay $0x4  }
0xf5: {  	s17 =	simm.s32 $0x182;
	v3 =	vld.idx.msk [tilespmem:v3+s20+$0x0], $0xffff  }
0xf6: {  	v4 =	vor.u32 s17, v0;
	_ =	sdelay $0x2  }
0xf7: {  	s1 =	simm.s32 $0x9400  }
0xf8: {  	[tilespmem:s1+$0x0] =	vst v3  }
0xf9: {  	v3 =	vld.idx.msk [tilespmem:v4+s2+$0x0], $0xffff;
	_ =	sdelay $0x2  }
0xfa: {  	s19 =	simm.s32 $0x2  }
0xfb: {  	v4 =	vmov s19  }
0xfc: {  	v4 =	vshll.u32 v4, $0x7;
	v3 =	vshll.u32 v3, $0x3  }
0xfd: {  	v4 =	vor.u32 v2, v4;
	v3 =	vand.u32 $0x78, v3  }
0xfe: {  	v3 =	vor.u32 v4, v3  }
0xff: {  	v3 =	vor.u32 v1, v3;
	_ =	sdelay $0x4  }
0x100: {  	s0 =	simm.s32 $0x4;
	s17 =	simm.s32 $0x6;
	s19 =	simm.s32 $0x184;
	v3 =	vld.idx.msk [tilespmem:v3+s20+$0x0], $0xffff  }
.LBB2_8:
0x101: {  	p0 =	sne.s32 s17, $0x7E;
	v4 =	vor.u32 s19, v0;
	_ =	sdelay $0x2  }
0x102: {  	s1 =	sadd.s32 $0x10, s1  }
0x103: {  	[tilespmem:s1+$0x0] =	vst v3  }
0x104: {  	v3 =	vld.idx.msk [tilespmem:v4+s2+$0x0], $0xffff;
	_ =	sdelay $0x4  }
0x105: {  	v4 =	vmov s0;
	s0 =	smov.u32 s17  }
0x106: {  	v4 =	vshll.u32 v4, $0x7;
	v3 =	vshll.u32 v3, $0x3  }
0x107: {  	v4 =	vor.u32 v2, v4;
	v3 =	vand.u32 $0x78, v3  }
0x108: {  	v3 =	vor.u32 v4, v3  }
0x109: {  	v3 =	vor.u32 v1, v3;
	_ =	sdelay $0x1  }
.Ltmp3:
0x10a: {  	(pc) =	sbr.rel @p0 .LBB2_8-.Ltmp3, $3  }
0x10b: {  	_ =	sdelay $0x1  }
0x10c: {  	v3 =	vld.idx.msk [tilespmem:v3+s20+$0x0], $0xffff  }
0x10d: {  	s17 =	sadd.s32 $0x2, s17;
	s19 =	sadd.s32 $0x180, s0  }
0x10e: {  	v4 =	vor.u32 s19, v0;
	_ =	sdelay $0x2  }
0x10f: {  	s1 =	sadd.s32 $0x10, s1  }
0x110: {  	[tilespmem:s1+$0x0] =	vst v3  }
0x111: {  	v3 =	vld.idx.msk [tilespmem:v4+s2+$0x0], $0xffff;
	_ =	sdelay $0x3  }
0x112: {  	v4 =	vmov s0  }
0x113: {  	v4 =	vshll.u32 v4, $0x7;
	v3 =	vshll.u32 v3, $0x3  }
0x114: {  	v4 =	vor.u32 v2, v4;
	v3 =	vand.u32 $0x78, v3  }
0x115: {  	v3 =	vor.u32 v4, v3  }
0x116: {  	v3 =	vor.u32 v1, v3;
	_ =	sdelay $0x4  }
0x117: {  	v3 =	vld.idx.msk [tilespmem:v3+s20+$0x0], $0xffff;
	_ =	sdelay $0x3  }
0x118: {  	s19 =	simm.s32 $0x0;
	s17 =	sadd.s32 $0x10, s1  }
0x119: {  	[tilespmem:s17+$0x0] =	vst v3;
	v3 =	vor.u32 s19, v0  }
0x11a: {  	[tilespmem:s20], [sflag:$0x2] =	stream.indirect.gather [hbm4b:s4+s16], $0x80, s26, s16, $0xb8;
	[tilespmem:$0xC800] =	vst v63  }
0x11b: {  	_ =	swait.ge [sflag:s21], $0x4000  }
0x11c: {  	[sflag:s21] =	ssyncset.done $0x0  }
0x11d: {  	[sflag:s21] =	ssyncadd.s32 $0xFFFFC000  }
0x11e: {  	v4 =	vld.idx.msk [tilespmem:v3+s15+$0x0], $0xffff;
	_ =	sdelay $0x4  }
0x11f: {  	v4 =	vshll.u32 v4, $0x3  }
0x120: {  	v3 =	vshll.u32 v3, $0x7;
	v4 =	vand.u32 $0x78, v4  }
0x121: {  	v3 =	vor.u32 v3, v4  }
0x122: {  	v3 =	vor.u32 v1, v3;
	_ =	sdelay $0x4  }
0x123: {  	s17 =	simm.s32 $0x2;
	v3 =	vld.idx.msk [tilespmem:v3+s18+$0x0], $0xffff  }
0x124: {  	v4 =	vor.u32 s17, v0;
	_ =	sdelay $0x2  }
0x125: {  	s1 =	simm.s32 $0x9800  }
0x126: {  	[tilespmem:s1+$0x0] =	vst v3  }
0x127: {  	v3 =	vld.idx.msk [tilespmem:v4+s15+$0x0], $0xffff;
	_ =	sdelay $0x4  }
0x128: {  	v3 =	vshll.u32 v3, $0x3  }
0x129: {  	v4 =	vshll.u32 v4, $0x7;
	v3 =	vand.u32 $0x78, v3  }
0x12a: {  	v3 =	vor.u32 v4, v3  }
0x12b: {  	v3 =	vor.u32 v1, v3;
	_ =	sdelay $0x4  }
0x12c: {  	s19 =	simm.s32 $0x4;
	v4 =	vld.idx.msk [tilespmem:v3+s18+$0x0], $0xffff  }
0x12d: {  	s0 =	simm.s32 $0x6;
	v3 =	vor.u32 s19, v0  }
.LBB2_10:
0x12e: {  	p0 =	sne.s32 s0, $0x7E;
	_ =	sdelay $0x1  }
0x12f: {  	s1 =	sadd.s32 $0x10, s1  }
0x130: {  	[tilespmem:s1+$0x0] =	vst v4  }
0x131: {  	v4 =	vld.idx.msk [tilespmem:v3+s15+$0x0], $0xffff;
	_ =	sdelay $0x5  }
0x132: {  	v4 =	vshll.u32 v4, $0x3  }
0x133: {  	v3 =	vshll.u32 v3, $0x7;
	v4 =	vand.u32 $0x78, v4  }
0x134: {  	v3 =	vor.u32 v3, v4  }
0x135: {  	v3 =	vor.u32 v1, v3;
	_ =	sdelay $0x2  }
.Ltmp4:
0x136: {  	(pc) =	sbr.rel @p0 .LBB2_10-.Ltmp4, $3  }
0x137: {  	_ = 	snop  }
0x138: {  	v4 =	vld.idx.msk [tilespmem:v3+s18+$0x0], $0xffff;
	_ =	sdelay $0x1  }
0x139: {  	v3 =	vor.u32 s0, v0;
	s0 =	sadd.s32 $0x2, s0  }
0x13a: {  	_ =	sdelay $0x1  }
0x13b: {  	s0 =	sadd.s32 $0x10, s1  }
0x13c: {  	[tilespmem:s0+$0x0] =	vst v4  }
0x13d: {  	v4 =	vld.idx.msk [tilespmem:v3+s15+$0x0], $0xffff;
	_ =	sdelay $0x4  }
0x13e: {  	v4 =	vshll.u32 v4, $0x3  }
0x13f: {  	v3 =	vshll.u32 v3, $0x7;
	v4 =	vand.u32 $0x78, v4  }
0x140: {  	v3 =	vor.u32 v3, v4  }
0x141: {  	v3 =	vor.u32 v1, v3;
	_ =	sdelay $0x4  }
0x142: {  	v3 =	vld.idx.msk [tilespmem:v3+s18+$0x0], $0xffff;
	_ =	sdelay $0x3  }
0x143: {  	s19 =	simm.s32 $0x80;
	s0 =	sadd.s32 $0x10, s0  }
0x144: {  	[tilespmem:s0+$0x0] =	vst v3;
	v3 =	vor.u32 s19, v0  }
0x145: {  	[tilespmem:s18], [sflag:$0x1] =	stream.indirect.gather [hbm4b:s4+s16], $0x80, s28, s16, $0xb8;
	[tilespmem:$0xC800] =	vst v63  }
0x146: {  	_ =	swait.ge [sflag:s23], $0x4000  }
0x147: {  	[sflag:s23] =	ssyncset.done $0x0  }
0x148: {  	[sflag:s23] =	ssyncadd.s32 $0xFFFFC000  }
0x149: {  	v3 =	vld.idx.msk [tilespmem:v3+s15+$0x0], $0xffff;
	_ =	sdelay $0x2  }
0x14a: {  	s1 =	simm.s32 $0x0  }
0x14b: {  	v4 =	vmov s1  }
0x14c: {  	v4 =	vshll.u32 v4, $0x7;
	v3 =	vshll.u32 v3, $0x3  }
0x14d: {  	v4 =	vor.u32 v2, v4;
	v3 =	vand.u32 $0x78, v3  }
0x14e: {  	v3 =	vor.u32 v4, v3  }
0x14f: {  	v3 =	vor.u32 v1, v3;
	_ =	sdelay $0x4  }
0x150: {  	s17 =	simm.s32 $0x82;
	v3 =	vld.idx.msk [tilespmem:v3+s20+$0x0], $0xffff  }
0x151: {  	v4 =	vor.u32 s17, v0;
	_ =	sdelay $0x2  }
0x152: {  	s1 =	simm.s32 $0x9C00  }
0x153: {  	[tilespmem:s1+$0x0] =	vst v3  }
0x154: {  	v3 =	vld.idx.msk [tilespmem:v4+s15+$0x0], $0xffff;
	_ =	sdelay $0x2  }
0x155: {  	s19 =	simm.s32 $0x2  }
0x156: {  	v4 =	vmov s19  }
0x157: {  	v4 =	vshll.u32 v4, $0x7;
	v3 =	vshll.u32 v3, $0x3  }
0x158: {  	v4 =	vor.u32 v2, v4;
	v3 =	vand.u32 $0x78, v3  }
0x159: {  	v3 =	vor.u32 v4, v3  }
0x15a: {  	v3 =	vor.u32 v1, v3;
	_ =	sdelay $0x4  }
0x15b: {  	s0 =	simm.s32 $0x4;
	s17 =	simm.s32 $0x6;
	s19 =	simm.s32 $0x84;
	v3 =	vld.idx.msk [tilespmem:v3+s20+$0x0], $0xffff  }
.LBB2_12:
0x15c: {  	p0 =	sne.s32 s17, $0x7E;
	v4 =	vor.u32 s19, v0;
	_ =	sdelay $0x2  }
0x15d: {  	s1 =	sadd.s32 $0x10, s1  }
0x15e: {  	[tilespmem:s1+$0x0] =	vst v3  }
0x15f: {  	v3 =	vld.idx.msk [tilespmem:v4+s15+$0x0], $0xffff;
	_ =	sdelay $0x4  }
0x160: {  	v4 =	vmov s0;
	s0 =	smov.u32 s17  }
0x161: {  	v4 =	vshll.u32 v4, $0x7;
	v3 =	vshll.u32 v3, $0x3  }
0x162: {  	v4 =	vor.u32 v2, v4;
	v3 =	vand.u32 $0x78, v3  }
0x163: {  	v3 =	vor.u32 v4, v3  }
0x164: {  	v3 =	vor.u32 v1, v3;
	_ =	sdelay $0x1  }
.Ltmp5:
0x165: {  	(pc) =	sbr.rel @p0 .LBB2_12-.Ltmp5, $3  }
0x166: {  	_ =	sdelay $0x1  }
0x167: {  	v3 =	vld.idx.msk [tilespmem:v3+s20+$0x0], $0xffff  }
0x168: {  	s17 =	sadd.s32 $0x2, s17;
	s19 =	sadd.s32 $0x80, s0  }
0x169: {  	v4 =	vor.u32 s19, v0;
	_ =	sdelay $0x2  }
0x16a: {  	s1 =	sadd.s32 $0x10, s1  }
0x16b: {  	[tilespmem:s1+$0x0] =	vst v3  }
0x16c: {  	v3 =	vld.idx.msk [tilespmem:v4+s15+$0x0], $0xffff;
	_ =	sdelay $0x3  }
0x16d: {  	v4 =	vmov s0  }
0x16e: {  	v4 =	vshll.u32 v4, $0x7;
	v3 =	vshll.u32 v3, $0x3  }
0x16f: {  	v4 =	vor.u32 v2, v4;
	v3 =	vand.u32 $0x78, v3  }
0x170: {  	v3 =	vor.u32 v4, v3  }
0x171: {  	v3 =	vor.u32 v1, v3;
	_ =	sdelay $0x4  }
0x172: {  	v3 =	vld.idx.msk [tilespmem:v3+s20+$0x0], $0xffff;
	_ =	sdelay $0x3  }
0x173: {  	s19 =	simm.s32 $0x100;
	s17 =	sadd.s32 $0x10, s1  }
0x174: {  	[tilespmem:s17+$0x0] =	vst v3;
	v3 =	vor.u32 s19, v0  }
0x175: {  	[tilespmem:s20], [sflag:$0x2] =	stream.indirect.gather [hbm4b:s4+s16], $0x80, s29, s16, $0xb8;
	[tilespmem:$0xC800] =	vst v63  }
0x176: {  	_ =	swait.ge [sflag:s21], $0x4000  }
0x177: {  	[sflag:s21] =	ssyncset.done $0x0  }
0x178: {  	[sflag:s21] =	ssyncadd.s32 $0xFFFFC000  }
0x179: {  	v3 =	vld.idx.msk [tilespmem:v3+s15+$0x0], $0xffff;
	_ =	sdelay $0x2  }
0x17a: {  	s1 =	simm.s32 $0x0  }
0x17b: {  	v4 =	vmov s1  }
0x17c: {  	v4 =	vshll.u32 v4, $0x7;
	v3 =	vshll.u32 v3, $0x3  }
0x17d: {  	v4 =	vor.u32 v2, v4;
	v3 =	vand.u32 $0x78, v3  }
0x17e: {  	v3 =	vor.u32 v4, v3  }
0x17f: {  	v3 =	vor.u32 v1, v3;
	_ =	sdelay $0x4  }
0x180: {  	s17 =	simm.s32 $0x102;
	v3 =	vld.idx.msk [tilespmem:v3+s18+$0x0], $0xffff  }
0x181: {  	v4 =	vor.u32 s17, v0;
	_ =	sdelay $0x2  }
0x182: {  	s1 =	simm.s32 $0xA000  }
0x183: {  	[tilespmem:s1+$0x0] =	vst v3  }
0x184: {  	v3 =	vld.idx.msk [tilespmem:v4+s15+$0x0], $0xffff;
	_ =	sdelay $0x2  }
0x185: {  	s19 =	simm.s32 $0x2  }
0x186: {  	v4 =	vmov s19  }
0x187: {  	v4 =	vshll.u32 v4, $0x7;
	v3 =	vshll.u32 v3, $0x3  }
0x188: {  	v4 =	vor.u32 v2, v4;
	v3 =	vand.u32 $0x78, v3  }
0x189: {  	v3 =	vor.u32 v4, v3  }
0x18a: {  	v3 =	vor.u32 v1, v3;
	_ =	sdelay $0x4  }
0x18b: {  	s0 =	simm.s32 $0x4;
	s17 =	simm.s32 $0x6;
	s19 =	simm.s32 $0x104;
	v3 =	vld.idx.msk [tilespmem:v3+s18+$0x0], $0xffff  }
.LBB2_14:
0x18c: {  	p0 =	sne.s32 s17, $0x7E;
	v4 =	vor.u32 s19, v0;
	_ =	sdelay $0x2  }
0x18d: {  	s1 =	sadd.s32 $0x10, s1  }
0x18e: {  	[tilespmem:s1+$0x0] =	vst v3  }
0x18f: {  	v3 =	vld.idx.msk [tilespmem:v4+s15+$0x0], $0xffff;
	_ =	sdelay $0x4  }
0x190: {  	v4 =	vmov s0;
	s0 =	smov.u32 s17  }
0x191: {  	v4 =	vshll.u32 v4, $0x7;
	v3 =	vshll.u32 v3, $0x3  }
0x192: {  	v4 =	vor.u32 v2, v4;
	v3 =	vand.u32 $0x78, v3  }
0x193: {  	v3 =	vor.u32 v4, v3  }
0x194: {  	v3 =	vor.u32 v1, v3;
	_ =	sdelay $0x1  }
.Ltmp6:
0x195: {  	(pc) =	sbr.rel @p0 .LBB2_14-.Ltmp6, $3  }
0x196: {  	_ =	sdelay $0x1  }
0x197: {  	v3 =	vld.idx.msk [tilespmem:v3+s18+$0x0], $0xffff  }
0x198: {  	s17 =	sadd.s32 $0x2, s17;
	s19 =	sadd.s32 $0x100, s0  }
0x199: {  	v4 =	vor.u32 s19, v0;
	_ =	sdelay $0x2  }
0x19a: {  	s1 =	sadd.s32 $0x10, s1  }
0x19b: {  	[tilespmem:s1+$0x0] =	vst v3  }
0x19c: {  	v3 =	vld.idx.msk [tilespmem:v4+s15+$0x0], $0xffff;
	_ =	sdelay $0x3  }
0x19d: {  	v4 =	vmov s0  }
0x19e: {  	v4 =	vshll.u32 v4, $0x7;
	v3 =	vshll.u32 v3, $0x3  }
0x19f: {  	v4 =	vor.u32 v2, v4;
	v3 =	vand.u32 $0x78, v3  }
0x1a0: {  	v3 =	vor.u32 v4, v3  }
0x1a1: {  	v3 =	vor.u32 v1, v3;
	_ =	sdelay $0x4  }
0x1a2: {  	v3 =	vld.idx.msk [tilespmem:v3+s18+$0x0], $0xffff;
	_ =	sdelay $0x3  }
0x1a3: {  	s17 =	simm.s32 $0x180;
	s1 =	sadd.s32 $0x10, s1  }
0x1a4: {  	s19 =	simm.s32 $0x400;
	[tilespmem:s1+$0x0] =	vst v3;
	v3 =	vor.u32 s17, v0  }
0x1a5: {  	[tilespmem:s18], [sflag:$0x1] =	stream.indirect.gather [hbm4b:s5+s16], $0x80, s19, s16, $0xb8;
	[tilespmem:$0xC800] =	vst v63  }
0x1a6: {  	_ =	swait.ge [sflag:s23], $0x4000  }
0x1a7: {  	[sflag:s23] =	ssyncset.done $0x0  }
0x1a8: {  	[sflag:s23] =	ssyncadd.s32 $0xFFFFC000  }
0x1a9: {  	v3 =	vld.idx.msk [tilespmem:v3+s15+$0x0], $0xffff;
	_ =	sdelay $0x2  }
0x1aa: {  	s1 =	simm.s32 $0x0  }
0x1ab: {  	v4 =	vmov s1  }
0x1ac: {  	v4 =	vshll.u32 v4, $0x7;
	v3 =	vshll.u32 v3, $0x3  }
0x1ad: {  	v4 =	vor.u32 v2, v4;
	v3 =	vand.u32 $0x78, v3  }
0x1ae: {  	v3 =	vor.u32 v4, v3  }
0x1af: {  	v3 =	vor.u32 v1, v3;
	_ =	sdelay $0x4  }
0x1b0: {  	s17 =	simm.s32 $0x182;
	v3 =	vld.idx.msk [tilespmem:v3+s20+$0x0], $0xffff  }
0x1b1: {  	v4 =	vor.u32 s17, v0;
	_ =	sdelay $0x2  }
0x1b2: {  	s1 =	simm.s32 $0xA400  }
0x1b3: {  	[tilespmem:s1+$0x0] =	vst v3  }
0x1b4: {  	v3 =	vld.idx.msk [tilespmem:v4+s15+$0x0], $0xffff;
	_ =	sdelay $0x2  }
0x1b5: {  	s19 =	simm.s32 $0x2  }
0x1b6: {  	v4 =	vmov s19  }
0x1b7: {  	v4 =	vshll.u32 v4, $0x7;
	v3 =	vshll.u32 v3, $0x3  }
0x1b8: {  	v4 =	vor.u32 v2, v4;
	v3 =	vand.u32 $0x78, v3  }
0x1b9: {  	v3 =	vor.u32 v4, v3  }
0x1ba: {  	v3 =	vor.u32 v1, v3;
	_ =	sdelay $0x4  }
0x1bb: {  	s0 =	simm.s32 $0x4;
	s17 =	simm.s32 $0x6;
	s19 =	simm.s32 $0x184;
	v3 =	vld.idx.msk [tilespmem:v3+s20+$0x0], $0xffff  }
.LBB2_16:
0x1bc: {  	p0 =	sne.s32 s17, $0x7E;
	v4 =	vor.u32 s19, v0;
	_ =	sdelay $0x2  }
0x1bd: {  	s1 =	sadd.s32 $0x10, s1  }
0x1be: {  	[tilespmem:s1+$0x0] =	vst v3  }
0x1bf: {  	v3 =	vld.idx.msk [tilespmem:v4+s15+$0x0], $0xffff;
	_ =	sdelay $0x4  }
0x1c0: {  	v4 =	vmov s0;
	s0 =	smov.u32 s17  }
0x1c1: {  	v4 =	vshll.u32 v4, $0x7;
	v3 =	vshll.u32 v3, $0x3  }
0x1c2: {  	v4 =	vor.u32 v2, v4;
	v3 =	vand.u32 $0x78, v3  }
0x1c3: {  	v3 =	vor.u32 v4, v3  }
0x1c4: {  	v3 =	vor.u32 v1, v3;
	_ =	sdelay $0x1  }
.Ltmp7:
0x1c5: {  	(pc) =	sbr.rel @p0 .LBB2_16-.Ltmp7, $3  }
0x1c6: {  	_ =	sdelay $0x1  }
0x1c7: {  	v3 =	vld.idx.msk [tilespmem:v3+s20+$0x0], $0xffff  }
0x1c8: {  	s17 =	sadd.s32 $0x2, s17;
	s19 =	sadd.s32 $0x180, s0  }
0x1c9: {  	v4 =	vor.u32 s19, v0;
	_ =	sdelay $0x2  }
0x1ca: {  	s1 =	sadd.s32 $0x10, s1  }
0x1cb: {  	[tilespmem:s1+$0x0] =	vst v3  }
0x1cc: {  	v3 =	vld.idx.msk [tilespmem:v4+s15+$0x0], $0xffff;
	_ =	sdelay $0x3  }
0x1cd: {  	v4 =	vmov s0  }
0x1ce: {  	v4 =	vshll.u32 v4, $0x7;
	v3 =	vshll.u32 v3, $0x3  }
0x1cf: {  	v4 =	vor.u32 v2, v4;
	v3 =	vand.u32 $0x78, v3  }
0x1d0: {  	v3 =	vor.u32 v4, v3  }
0x1d1: {  	v3 =	vor.u32 v1, v3;
	_ =	sdelay $0x4  }
0x1d2: {  	v3 =	vld.idx.msk [tilespmem:v3+s20+$0x0], $0xffff;
	_ =	sdelay $0x3  }
0x1d3: {  	s19 =	simm.s32 $0x0;
	s17 =	sadd.s32 $0x10, s1  }
0x1d4: {  	s1 =	simm.s32 $0x480;
	[tilespmem:s17+$0x0] =	vst v3;
	v3 =	vor.u32 s19, v0  }
0x1d5: {  	[tilespmem:s20], [sflag:$0x2] =	stream.indirect.gather [hbm4b:s5+s16], $0x80, s1, s16, $0xb8;
	[tilespmem:$0xC800] =	vst v63  }
0x1d6: {  	_ =	swait.ge [sflag:s21], $0x4000  }
0x1d7: {  	[sflag:s21] =	ssyncset.done $0x0  }
0x1d8: {  	[sflag:s21] =	ssyncadd.s32 $0xFFFFC000  }
0x1d9: {  	v4 =	vld.idx.msk [tilespmem:v3+s2+$0x0], $0xffff;
	_ =	sdelay $0x4  }
0x1da: {  	v4 =	vshll.u32 v4, $0x3  }
0x1db: {  	v3 =	vshll.u32 v3, $0x7;
	v4 =	vand.u32 $0x78, v4  }
0x1dc: {  	v3 =	vor.u32 v3, v4  }
0x1dd: {  	v3 =	vor.u32 v1, v3;
	_ =	sdelay $0x4  }
0x1de: {  	s17 =	simm.s32 $0x2;
	v3 =	vld.idx.msk [tilespmem:v3+s18+$0x0], $0xffff  }
0x1df: {  	v4 =	vor.u32 s17, v0;
	_ =	sdelay $0x2  }
0x1e0: {  	s1 =	simm.s32 $0xA800  }
0x1e1: {  	[tilespmem:s1+$0x0] =	vst v3  }
0x1e2: {  	v3 =	vld.idx.msk [tilespmem:v4+s2+$0x0], $0xffff;
	_ =	sdelay $0x4  }
0x1e3: {  	v3 =	vshll.u32 v3, $0x3  }
0x1e4: {  	v4 =	vshll.u32 v4, $0x7;
	v3 =	vand.u32 $0x78, v3  }
0x1e5: {  	v3 =	vor.u32 v4, v3  }
0x1e6: {  	v3 =	vor.u32 v1, v3;
	_ =	sdelay $0x4  }
0x1e7: {  	s19 =	simm.s32 $0x4;
	v4 =	vld.idx.msk [tilespmem:v3+s18+$0x0], $0xffff  }
0x1e8: {  	s0 =	simm.s32 $0x6;
	v3 =	vor.u32 s19, v0  }
.LBB2_18:
0x1e9: {  	p0 =	sne.s32 s0, $0x7E;
	_ =	sdelay $0x1  }
0x1ea: {  	s1 =	sadd.s32 $0x10, s1  }
0x1eb: {  	[tilespmem:s1+$0x0] =	vst v4  }
0x1ec: {  	v4 =	vld.idx.msk [tilespmem:v3+s2+$0x0], $0xffff;
	_ =	sdelay $0x5  }
0x1ed: {  	v4 =	vshll.u32 v4, $0x3  }
0x1ee: {  	v3 =	vshll.u32 v3, $0x7;
	v4 =	vand.u32 $0x78, v4  }
0x1ef: {  	v3 =	vor.u32 v3, v4  }
0x1f0: {  	v3 =	vor.u32 v1, v3;
	_ =	sdelay $0x2  }
.Ltmp8:
0x1f1: {  	(pc) =	sbr.rel @p0 .LBB2_18-.Ltmp8, $3  }
0x1f2: {  	_ = 	snop  }
0x1f3: {  	v4 =	vld.idx.msk [tilespmem:v3+s18+$0x0], $0xffff;
	_ =	sdelay $0x1  }
0x1f4: {  	v3 =	vor.u32 s0, v0;
	s0 =	sadd.s32 $0x2, s0  }
0x1f5: {  	_ =	sdelay $0x1  }
0x1f6: {  	s0 =	sadd.s32 $0x10, s1  }
0x1f7: {  	[tilespmem:s0+$0x0] =	vst v4  }
0x1f8: {  	v4 =	vld.idx.msk [tilespmem:v3+s2+$0x0], $0xffff;
	_ =	sdelay $0x4  }
0x1f9: {  	v4 =	vshll.u32 v4, $0x3  }
0x1fa: {  	v3 =	vshll.u32 v3, $0x7;
	v4 =	vand.u32 $0x78, v4  }
0x1fb: {  	v3 =	vor.u32 v3, v4  }
0x1fc: {  	v3 =	vor.u32 v1, v3;
	_ =	sdelay $0x4  }
0x1fd: {  	v3 =	vld.idx.msk [tilespmem:v3+s18+$0x0], $0xffff;
	_ =	sdelay $0x3  }
0x1fe: {  	s19 =	simm.s32 $0x80;
	s0 =	sadd.s32 $0x10, s0  }
0x1ff: {  	[tilespmem:s0+$0x0] =	vst v3;
	v3 =	vor.u32 s19, v0  }
0x200: {  	[tilespmem:s18], [sflag:$0x1] =	stream.indirect.gather [hbm4b:s5+s16], $0x80, s22, s16, $0xb8;
	[tilespmem:$0xC800] =	vst v63  }
0x201: {  	_ =	swait.ge [sflag:s23], $0x4000  }
0x202: {  	[sflag:s23] =	ssyncset.done $0x0  }
0x203: {  	[sflag:s23] =	ssyncadd.s32 $0xFFFFC000  }
0x204: {  	v3 =	vld.idx.msk [tilespmem:v3+s2+$0x0], $0xffff;
	_ =	sdelay $0x2  }
0x205: {  	s1 =	simm.s32 $0x0  }
0x206: {  	v4 =	vmov s1  }
0x207: {  	v4 =	vshll.u32 v4, $0x7;
	v3 =	vshll.u32 v3, $0x3  }
0x208: {  	v4 =	vor.u32 v2, v4;
	v3 =	vand.u32 $0x78, v3  }
0x209: {  	v3 =	vor.u32 v4, v3  }
0x20a: {  	v3 =	vor.u32 v1, v3;
	_ =	sdelay $0x4  }
0x20b: {  	s17 =	simm.s32 $0x82;
	v3 =	vld.idx.msk [tilespmem:v3+s20+$0x0], $0xffff  }
0x20c: {  	v4 =	vor.u32 s17, v0;
	_ =	sdelay $0x2  }
0x20d: {  	s1 =	simm.s32 $0xAC00  }
0x20e: {  	[tilespmem:s1+$0x0] =	vst v3  }
0x20f: {  	v3 =	vld.idx.msk [tilespmem:v4+s2+$0x0], $0xffff;
	_ =	sdelay $0x2  }
0x210: {  	s19 =	simm.s32 $0x2  }
0x211: {  	v4 =	vmov s19  }
0x212: {  	v4 =	vshll.u32 v4, $0x7;
	v3 =	vshll.u32 v3, $0x3  }
0x213: {  	v4 =	vor.u32 v2, v4;
	v3 =	vand.u32 $0x78, v3  }
0x214: {  	v3 =	vor.u32 v4, v3  }
0x215: {  	v3 =	vor.u32 v1, v3;
	_ =	sdelay $0x4  }
0x216: {  	s0 =	simm.s32 $0x4;
	s17 =	simm.s32 $0x6;
	s19 =	simm.s32 $0x84;
	v3 =	vld.idx.msk [tilespmem:v3+s20+$0x0], $0xffff  }
.LBB2_20:
0x217: {  	p0 =	sne.s32 s17, $0x7E;
	v4 =	vor.u32 s19, v0;
	_ =	sdelay $0x2  }
0x218: {  	s1 =	sadd.s32 $0x10, s1  }
0x219: {  	[tilespmem:s1+$0x0] =	vst v3  }
0x21a: {  	v3 =	vld.idx.msk [tilespmem:v4+s2+$0x0], $0xffff;
	_ =	sdelay $0x4  }
0x21b: {  	v4 =	vmov s0;
	s0 =	smov.u32 s17  }
0x21c: {  	v4 =	vshll.u32 v4, $0x7;
	v3 =	vshll.u32 v3, $0x3  }
0x21d: {  	v4 =	vor.u32 v2, v4;
	v3 =	vand.u32 $0x78, v3  }
0x21e: {  	v3 =	vor.u32 v4, v3  }
0x21f: {  	v3 =	vor.u32 v1, v3;
	_ =	sdelay $0x1  }
.Ltmp9:
0x220: {  	(pc) =	sbr.rel @p0 .LBB2_20-.Ltmp9, $3  }
0x221: {  	_ =	sdelay $0x1  }
0x222: {  	v3 =	vld.idx.msk [tilespmem:v3+s20+$0x0], $0xffff  }
0x223: {  	s17 =	sadd.s32 $0x2, s17;
	s19 =	sadd.s32 $0x80, s0  }
0x224: {  	v4 =	vor.u32 s19, v0;
	_ =	sdelay $0x2  }
0x225: {  	s1 =	sadd.s32 $0x10, s1  }
0x226: {  	[tilespmem:s1+$0x0] =	vst v3  }
0x227: {  	v3 =	vld.idx.msk [tilespmem:v4+s2+$0x0], $0xffff;
	_ =	sdelay $0x3  }
0x228: {  	v4 =	vmov s0  }
0x229: {  	v4 =	vshll.u32 v4, $0x7;
	v3 =	vshll.u32 v3, $0x3  }
0x22a: {  	v4 =	vor.u32 v2, v4;
	v3 =	vand.u32 $0x78, v3  }
0x22b: {  	v3 =	vor.u32 v4, v3  }
0x22c: {  	v3 =	vor.u32 v1, v3;
	_ =	sdelay $0x4  }
0x22d: {  	v3 =	vld.idx.msk [tilespmem:v3+s20+$0x0], $0xffff;
	_ =	sdelay $0x3  }
0x22e: {  	s19 =	simm.s32 $0x100;
	s17 =	sadd.s32 $0x10, s1  }
0x22f: {  	[tilespmem:s17+$0x0] =	vst v3;
	v3 =	vor.u32 s19, v0  }
0x230: {  	[tilespmem:s20], [sflag:$0x2] =	stream.indirect.gather [hbm4b:s5+s16], $0x80, s24, s16, $0xb8;
	[tilespmem:$0xC800] =	vst v63  }
0x231: {  	_ =	swait.ge [sflag:s21], $0x4000  }
0x232: {  	[sflag:s21] =	ssyncset.done $0x0  }
0x233: {  	[sflag:s21] =	ssyncadd.s32 $0xFFFFC000  }
0x234: {  	v3 =	vld.idx.msk [tilespmem:v3+s2+$0x0], $0xffff;
	_ =	sdelay $0x2  }
0x235: {  	s1 =	simm.s32 $0x0  }
0x236: {  	v4 =	vmov s1  }
0x237: {  	v4 =	vshll.u32 v4, $0x7;
	v3 =	vshll.u32 v3, $0x3  }
0x238: {  	v4 =	vor.u32 v2, v4;
	v3 =	vand.u32 $0x78, v3  }
0x239: {  	v3 =	vor.u32 v4, v3  }
0x23a: {  	v3 =	vor.u32 v1, v3;
	_ =	sdelay $0x4  }
0x23b: {  	s17 =	simm.s32 $0x102;
	v3 =	vld.idx.msk [tilespmem:v3+s18+$0x0], $0xffff  }
0x23c: {  	v4 =	vor.u32 s17, v0;
	_ =	sdelay $0x2  }
0x23d: {  	s1 =	simm.s32 $0xB000  }
0x23e: {  	[tilespmem:s1+$0x0] =	vst v3  }
0x23f: {  	v3 =	vld.idx.msk [tilespmem:v4+s2+$0x0], $0xffff;
	_ =	sdelay $0x2  }
0x240: {  	s19 =	simm.s32 $0x2  }
0x241: {  	v4 =	vmov s19  }
0x242: {  	v4 =	vshll.u32 v4, $0x7;
	v3 =	vshll.u32 v3, $0x3  }
0x243: {  	v4 =	vor.u32 v2, v4;
	v3 =	vand.u32 $0x78, v3  }
0x244: {  	v3 =	vor.u32 v4, v3  }
0x245: {  	v3 =	vor.u32 v1, v3;
	_ =	sdelay $0x4  }
0x246: {  	s0 =	simm.s32 $0x4;
	s17 =	simm.s32 $0x6;
	s19 =	simm.s32 $0x104;
	v3 =	vld.idx.msk [tilespmem:v3+s18+$0x0], $0xffff  }
.LBB2_22:
0x247: {  	p0 =	sne.s32 s17, $0x7E;
	v4 =	vor.u32 s19, v0;
	_ =	sdelay $0x2  }
0x248: {  	s1 =	sadd.s32 $0x10, s1  }
0x249: {  	[tilespmem:s1+$0x0] =	vst v3  }
0x24a: {  	v3 =	vld.idx.msk [tilespmem:v4+s2+$0x0], $0xffff;
	_ =	sdelay $0x4  }
0x24b: {  	v4 =	vmov s0;
	s0 =	smov.u32 s17  }
0x24c: {  	v4 =	vshll.u32 v4, $0x7;
	v3 =	vshll.u32 v3, $0x3  }
0x24d: {  	v4 =	vor.u32 v2, v4;
	v3 =	vand.u32 $0x78, v3  }
0x24e: {  	v3 =	vor.u32 v4, v3  }
0x24f: {  	v3 =	vor.u32 v1, v3;
	_ =	sdelay $0x1  }
.Ltmp10:
0x250: {  	(pc) =	sbr.rel @p0 .LBB2_22-.Ltmp10, $3  }
0x251: {  	_ =	sdelay $0x1  }
0x252: {  	v3 =	vld.idx.msk [tilespmem:v3+s18+$0x0], $0xffff  }
0x253: {  	s17 =	sadd.s32 $0x2, s17;
	s19 =	sadd.s32 $0x100, s0  }
0x254: {  	v4 =	vor.u32 s19, v0;
	_ =	sdelay $0x2  }
0x255: {  	s1 =	sadd.s32 $0x10, s1  }
0x256: {  	[tilespmem:s1+$0x0] =	vst v3  }
0x257: {  	v3 =	vld.idx.msk [tilespmem:v4+s2+$0x0], $0xffff;
	_ =	sdelay $0x3  }
0x258: {  	v4 =	vmov s0  }
0x259: {  	v4 =	vshll.u32 v4, $0x7;
	v3 =	vshll.u32 v3, $0x3  }
0x25a: {  	v4 =	vor.u32 v2, v4;
	v3 =	vand.u32 $0x78, v3  }
0x25b: {  	v3 =	vor.u32 v4, v3  }
0x25c: {  	v3 =	vor.u32 v1, v3;
	_ =	sdelay $0x4  }
0x25d: {  	v3 =	vld.idx.msk [tilespmem:v3+s18+$0x0], $0xffff;
	_ =	sdelay $0x3  }
0x25e: {  	s19 =	simm.s32 $0x180;
	s17 =	sadd.s32 $0x10, s1  }
0x25f: {  	[tilespmem:s17+$0x0] =	vst v3;
	v3 =	vor.u32 s19, v0  }
0x260: {  	[tilespmem:s18], [sflag:$0x1] =	stream.indirect.gather [hbm4b:s6+s16], $0x80, s25, s16, $0xb8;
	[tilespmem:$0xC800] =	vst v63  }
0x261: {  	_ =	swait.ge [sflag:s23], $0x4000  }
0x262: {  	[sflag:s23] =	ssyncset.done $0x0  }
0x263: {  	[sflag:s23] =	ssyncadd.s32 $0xFFFFC000  }
0x264: {  	v3 =	vld.idx.msk [tilespmem:v3+s2+$0x0], $0xffff;
	_ =	sdelay $0x2  }
0x265: {  	s1 =	simm.s32 $0x0  }
0x266: {  	v4 =	vmov s1  }
0x267: {  	v4 =	vshll.u32 v4, $0x7;
	v3 =	vshll.u32 v3, $0x3  }
0x268: {  	v4 =	vor.u32 v2, v4;
	v3 =	vand.u32 $0x78, v3  }
0x269: {  	v3 =	vor.u32 v4, v3  }
0x26a: {  	v3 =	vor.u32 v1, v3;
	_ =	sdelay $0x4  }
0x26b: {  	s17 =	simm.s32 $0x182;
	v3 =	vld.idx.msk [tilespmem:v3+s20+$0x0], $0xffff  }
0x26c: {  	v4 =	vor.u32 s17, v0;
	_ =	sdelay $0x2  }
0x26d: {  	s1 =	simm.s32 $0xB400  }
0x26e: {  	[tilespmem:s1+$0x0] =	vst v3  }
0x26f: {  	v3 =	vld.idx.msk [tilespmem:v4+s2+$0x0], $0xffff;
	_ =	sdelay $0x2  }
0x270: {  	s19 =	simm.s32 $0x2  }
0x271: {  	v4 =	vmov s19  }
0x272: {  	v4 =	vshll.u32 v4, $0x7;
	v3 =	vshll.u32 v3, $0x3  }
0x273: {  	v4 =	vor.u32 v2, v4;
	v3 =	vand.u32 $0x78, v3  }
0x274: {  	v3 =	vor.u32 v4, v3  }
0x275: {  	v3 =	vor.u32 v1, v3;
	_ =	sdelay $0x4  }
0x276: {  	s0 =	simm.s32 $0x4;
	s17 =	simm.s32 $0x6;
	s19 =	simm.s32 $0x184;
	v3 =	vld.idx.msk [tilespmem:v3+s20+$0x0], $0xffff  }
.LBB2_24:
0x277: {  	p0 =	sne.s32 s17, $0x7E;
	v4 =	vor.u32 s19, v0;
	_ =	sdelay $0x2  }
0x278: {  	s1 =	sadd.s32 $0x10, s1  }
0x279: {  	[tilespmem:s1+$0x0] =	vst v3  }
0x27a: {  	v3 =	vld.idx.msk [tilespmem:v4+s2+$0x0], $0xffff;
	_ =	sdelay $0x4  }
0x27b: {  	v4 =	vmov s0;
	s0 =	smov.u32 s17  }
0x27c: {  	v4 =	vshll.u32 v4, $0x7;
	v3 =	vshll.u32 v3, $0x3  }
0x27d: {  	v4 =	vor.u32 v2, v4;
	v3 =	vand.u32 $0x78, v3  }
0x27e: {  	v3 =	vor.u32 v4, v3  }
0x27f: {  	v3 =	vor.u32 v1, v3;
	_ =	sdelay $0x1  }
.Ltmp11:
0x280: {  	(pc) =	sbr.rel @p0 .LBB2_24-.Ltmp11, $3  }
0x281: {  	_ =	sdelay $0x1  }
0x282: {  	v3 =	vld.idx.msk [tilespmem:v3+s20+$0x0], $0xffff  }
0x283: {  	s17 =	sadd.s32 $0x2, s17;
	s19 =	sadd.s32 $0x180, s0  }
0x284: {  	v4 =	vor.u32 s19, v0;
	_ =	sdelay $0x2  }
0x285: {  	s1 =	sadd.s32 $0x10, s1  }
0x286: {  	[tilespmem:s1+$0x0] =	vst v3  }
0x287: {  	v3 =	vld.idx.msk [tilespmem:v4+s2+$0x0], $0xffff;
	_ =	sdelay $0x3  }
0x288: {  	v4 =	vmov s0  }
0x289: {  	v4 =	vshll.u32 v4, $0x7;
	v3 =	vshll.u32 v3, $0x3  }
0x28a: {  	v4 =	vor.u32 v2, v4;
	v3 =	vand.u32 $0x78, v3  }
0x28b: {  	v3 =	vor.u32 v4, v3  }
0x28c: {  	v3 =	vor.u32 v1, v3;
	_ =	sdelay $0x4  }
0x28d: {  	v3 =	vld.idx.msk [tilespmem:v3+s20+$0x0], $0xffff;
	_ =	sdelay $0x3  }
0x28e: {  	s19 =	simm.s32 $0x0;
	s17 =	sadd.s32 $0x10, s1  }
0x28f: {  	[tilespmem:s17+$0x0] =	vst v3;
	v3 =	vor.u32 s19, v0  }
0x290: {  	[tilespmem:s20], [sflag:$0x2] =	stream.indirect.gather [hbm4b:s6+s16], $0x80, s26, s16, $0xb8;
	[tilespmem:$0xC800] =	vst v63  }
0x291: {  	_ =	swait.ge [sflag:s21], $0x4000  }
0x292: {  	[sflag:s21] =	ssyncset.done $0x0  }
0x293: {  	[sflag:s21] =	ssyncadd.s32 $0xFFFFC000  }
0x294: {  	v4 =	vld.idx.msk [tilespmem:v3+s15+$0x0], $0xffff;
	_ =	sdelay $0x4  }
0x295: {  	v4 =	vshll.u32 v4, $0x3  }
0x296: {  	v3 =	vshll.u32 v3, $0x7;
	v4 =	vand.u32 $0x78, v4  }
0x297: {  	v3 =	vor.u32 v3, v4  }
0x298: {  	v3 =	vor.u32 v1, v3;
	_ =	sdelay $0x4  }
0x299: {  	s17 =	simm.s32 $0x2;
	v3 =	vld.idx.msk [tilespmem:v3+s18+$0x0], $0xffff  }
0x29a: {  	v4 =	vor.u32 s17, v0;
	_ =	sdelay $0x2  }
0x29b: {  	s1 =	simm.s32 $0xB800  }
0x29c: {  	[tilespmem:s1+$0x0] =	vst v3  }
0x29d: {  	v3 =	vld.idx.msk [tilespmem:v4+s15+$0x0], $0xffff;
	_ =	sdelay $0x4  }
0x29e: {  	v3 =	vshll.u32 v3, $0x3  }
0x29f: {  	v4 =	vshll.u32 v4, $0x7;
	v3 =	vand.u32 $0x78, v3  }
0x2a0: {  	v3 =	vor.u32 v4, v3  }
0x2a1: {  	v3 =	vor.u32 v1, v3;
	_ =	sdelay $0x4  }
0x2a2: {  	s19 =	simm.s32 $0x4;
	v4 =	vld.idx.msk [tilespmem:v3+s18+$0x0], $0xffff  }
0x2a3: {  	s0 =	simm.s32 $0x6;
	v3 =	vor.u32 s19, v0  }
.LBB2_26:
0x2a4: {  	p0 =	sne.s32 s0, $0x7E;
	_ =	sdelay $0x1  }
0x2a5: {  	s1 =	sadd.s32 $0x10, s1  }
0x2a6: {  	[tilespmem:s1+$0x0] =	vst v4  }
0x2a7: {  	v4 =	vld.idx.msk [tilespmem:v3+s15+$0x0], $0xffff;
	_ =	sdelay $0x5  }
0x2a8: {  	v4 =	vshll.u32 v4, $0x3  }
0x2a9: {  	v3 =	vshll.u32 v3, $0x7;
	v4 =	vand.u32 $0x78, v4  }
0x2aa: {  	v3 =	vor.u32 v3, v4  }
0x2ab: {  	v3 =	vor.u32 v1, v3;
	_ =	sdelay $0x2  }
.Ltmp12:
0x2ac: {  	(pc) =	sbr.rel @p0 .LBB2_26-.Ltmp12, $3  }
0x2ad: {  	_ = 	snop  }
0x2ae: {  	v4 =	vld.idx.msk [tilespmem:v3+s18+$0x0], $0xffff;
	_ =	sdelay $0x1  }
0x2af: {  	v3 =	vor.u32 s0, v0;
	s0 =	sadd.s32 $0x2, s0  }
0x2b0: {  	_ =	sdelay $0x1  }
0x2b1: {  	s0 =	sadd.s32 $0x10, s1  }
0x2b2: {  	[tilespmem:s0+$0x0] =	vst v4  }
0x2b3: {  	v4 =	vld.idx.msk [tilespmem:v3+s15+$0x0], $0xffff;
	_ =	sdelay $0x4  }
0x2b4: {  	v4 =	vshll.u32 v4, $0x3  }
0x2b5: {  	v3 =	vshll.u32 v3, $0x7;
	v4 =	vand.u32 $0x78, v4  }
0x2b6: {  	v3 =	vor.u32 v3, v4  }
0x2b7: {  	v3 =	vor.u32 v1, v3;
	_ =	sdelay $0x4  }
0x2b8: {  	v3 =	vld.idx.msk [tilespmem:v3+s18+$0x0], $0xffff;
	_ =	sdelay $0x3  }
0x2b9: {  	s19 =	simm.s32 $0x80;
	s0 =	sadd.s32 $0x10, s0  }
0x2ba: {  	[tilespmem:s0+$0x0] =	vst v3;
	v3 =	vor.u32 s19, v0  }
0x2bb: {  	[tilespmem:s18], [sflag:$0x1] =	stream.indirect.gather [hbm4b:s6+s16], $0x80, s28, s16, $0xb8;
	[tilespmem:$0xC800] =	vst v63  }
0x2bc: {  	_ =	swait.ge [sflag:s23], $0x4000  }
0x2bd: {  	[sflag:s23] =	ssyncset.done $0x0  }
0x2be: {  	[sflag:s23] =	ssyncadd.s32 $0xFFFFC000  }
0x2bf: {  	v3 =	vld.idx.msk [tilespmem:v3+s15+$0x0], $0xffff;
	_ =	sdelay $0x2  }
0x2c0: {  	s1 =	simm.s32 $0x0  }
0x2c1: {  	v4 =	vmov s1  }
0x2c2: {  	v4 =	vshll.u32 v4, $0x7;
	v3 =	vshll.u32 v3, $0x3  }
0x2c3: {  	v4 =	vor.u32 v2, v4;
	v3 =	vand.u32 $0x78, v3  }
0x2c4: {  	v3 =	vor.u32 v4, v3  }
0x2c5: {  	v3 =	vor.u32 v1, v3;
	_ =	sdelay $0x4  }
0x2c6: {  	s17 =	simm.s32 $0x82;
	v3 =	vld.idx.msk [tilespmem:v3+s20+$0x0], $0xffff  }
0x2c7: {  	v4 =	vor.u32 s17, v0;
	_ =	sdelay $0x2  }
0x2c8: {  	s1 =	simm.s32 $0xBC00  }
0x2c9: {  	[tilespmem:s1+$0x0] =	vst v3  }
0x2ca: {  	v3 =	vld.idx.msk [tilespmem:v4+s15+$0x0], $0xffff;
	_ =	sdelay $0x2  }
0x2cb: {  	s19 =	simm.s32 $0x2  }
0x2cc: {  	v4 =	vmov s19  }
0x2cd: {  	v4 =	vshll.u32 v4, $0x7;
	v3 =	vshll.u32 v3, $0x3  }
0x2ce: {  	v4 =	vor.u32 v2, v4;
	v3 =	vand.u32 $0x78, v3  }
0x2cf: {  	v3 =	vor.u32 v4, v3  }
0x2d0: {  	v3 =	vor.u32 v1, v3;
	_ =	sdelay $0x4  }
0x2d1: {  	s0 =	simm.s32 $0x4;
	s17 =	simm.s32 $0x6;
	s19 =	simm.s32 $0x84;
	v3 =	vld.idx.msk [tilespmem:v3+s20+$0x0], $0xffff  }
.LBB2_28:
0x2d2: {  	p0 =	sne.s32 s17, $0x7E;
	v4 =	vor.u32 s19, v0;
	_ =	sdelay $0x2  }
0x2d3: {  	s1 =	sadd.s32 $0x10, s1  }
0x2d4: {  	[tilespmem:s1+$0x0] =	vst v3  }
0x2d5: {  	v3 =	vld.idx.msk [tilespmem:v4+s15+$0x0], $0xffff;
	_ =	sdelay $0x4  }
0x2d6: {  	v4 =	vmov s0;
	s0 =	smov.u32 s17  }
0x2d7: {  	v4 =	vshll.u32 v4, $0x7;
	v3 =	vshll.u32 v3, $0x3  }
0x2d8: {  	v4 =	vor.u32 v2, v4;
	v3 =	vand.u32 $0x78, v3  }
0x2d9: {  	v3 =	vor.u32 v4, v3  }
0x2da: {  	v3 =	vor.u32 v1, v3;
	_ =	sdelay $0x1  }
.Ltmp13:
0x2db: {  	(pc) =	sbr.rel @p0 .LBB2_28-.Ltmp13, $3  }
0x2dc: {  	_ =	sdelay $0x1  }
0x2dd: {  	v3 =	vld.idx.msk [tilespmem:v3+s20+$0x0], $0xffff  }
0x2de: {  	s17 =	sadd.s32 $0x2, s17;
	s19 =	sadd.s32 $0x80, s0  }
0x2df: {  	v4 =	vor.u32 s19, v0;
	_ =	sdelay $0x2  }
0x2e0: {  	s1 =	sadd.s32 $0x10, s1  }
0x2e1: {  	[tilespmem:s1+$0x0] =	vst v3  }
0x2e2: {  	v3 =	vld.idx.msk [tilespmem:v4+s15+$0x0], $0xffff;
	_ =	sdelay $0x3  }
0x2e3: {  	v4 =	vmov s0  }
0x2e4: {  	v4 =	vshll.u32 v4, $0x7;
	v3 =	vshll.u32 v3, $0x3  }
0x2e5: {  	v4 =	vor.u32 v2, v4;
	v3 =	vand.u32 $0x78, v3  }
0x2e6: {  	v3 =	vor.u32 v4, v3  }
0x2e7: {  	v3 =	vor.u32 v1, v3;
	_ =	sdelay $0x4  }
0x2e8: {  	v3 =	vld.idx.msk [tilespmem:v3+s20+$0x0], $0xffff;
	_ =	sdelay $0x3  }
0x2e9: {  	s19 =	simm.s32 $0x100;
	s17 =	sadd.s32 $0x10, s1  }
0x2ea: {  	[tilespmem:s17+$0x0] =	vst v3;
	v3 =	vor.u32 s19, v0  }
0x2eb: {  	[tilespmem:s20], [sflag:$0x2] =	stream.indirect.gather [hbm4b:s6+s16], $0x80, s29, s16, $0xb8;
	[tilespmem:$0xC800] =	vst v63  }
0x2ec: {  	_ =	swait.ge [sflag:s21], $0x4000  }
0x2ed: {  	[sflag:s21] =	ssyncset.done $0x0  }
0x2ee: {  	[sflag:s21] =	ssyncadd.s32 $0xFFFFC000  }
0x2ef: {  	v3 =	vld.idx.msk [tilespmem:v3+s15+$0x0], $0xffff;
	_ =	sdelay $0x2  }
0x2f0: {  	s1 =	simm.s32 $0x0  }
0x2f1: {  	v4 =	vmov s1  }
0x2f2: {  	v4 =	vshll.u32 v4, $0x7;
	v3 =	vshll.u32 v3, $0x3  }
0x2f3: {  	v4 =	vor.u32 v2, v4;
	v3 =	vand.u32 $0x78, v3  }
0x2f4: {  	v3 =	vor.u32 v4, v3  }
0x2f5: {  	v3 =	vor.u32 v1, v3;
	_ =	sdelay $0x4  }
0x2f6: {  	s17 =	simm.s32 $0x102;
	v3 =	vld.idx.msk [tilespmem:v3+s18+$0x0], $0xffff  }
0x2f7: {  	v4 =	vor.u32 s17, v0;
	_ =	sdelay $0x2  }
0x2f8: {  	s1 =	simm.s32 $0xC000  }
0x2f9: {  	[tilespmem:s1+$0x0] =	vst v3  }
0x2fa: {  	v3 =	vld.idx.msk [tilespmem:v4+s15+$0x0], $0xffff;
	_ =	sdelay $0x2  }
0x2fb: {  	s19 =	simm.s32 $0x2  }
0x2fc: {  	v4 =	vmov s19  }
0x2fd: {  	v4 =	vshll.u32 v4, $0x7;
	v3 =	vshll.u32 v3, $0x3  }
0x2fe: {  	v4 =	vor.u32 v2, v4;
	v3 =	vand.u32 $0x78, v3  }
0x2ff: {  	v3 =	vor.u32 v4, v3  }
0x300: {  	v3 =	vor.u32 v1, v3;
	_ =	sdelay $0x4  }
0x301: {  	s0 =	simm.s32 $0x4;
	s17 =	simm.s32 $0x6;
	s19 =	simm.s32 $0x104;
	v3 =	vld.idx.msk [tilespmem:v3+s18+$0x0], $0xffff  }
.LBB2_30:
0x302: {  	p0 =	sne.s32 s17, $0x7E;
	v4 =	vor.u32 s19, v0;
	_ =	sdelay $0x2  }
0x303: {  	s1 =	sadd.s32 $0x10, s1  }
0x304: {  	[tilespmem:s1+$0x0] =	vst v3  }
0x305: {  	v3 =	vld.idx.msk [tilespmem:v4+s15+$0x0], $0xffff;
	_ =	sdelay $0x4  }
0x306: {  	v4 =	vmov s0;
	s0 =	smov.u32 s17  }
0x307: {  	v4 =	vshll.u32 v4, $0x7;
	v3 =	vshll.u32 v3, $0x3  }
0x308: {  	v4 =	vor.u32 v2, v4;
	v3 =	vand.u32 $0x78, v3  }
0x309: {  	v3 =	vor.u32 v4, v3  }
0x30a: {  	v3 =	vor.u32 v1, v3;
	_ =	sdelay $0x1  }
.Ltmp14:
0x30b: {  	(pc) =	sbr.rel @p0 .LBB2_30-.Ltmp14, $3  }
0x30c: {  	_ =	sdelay $0x1  }
0x30d: {  	v3 =	vld.idx.msk [tilespmem:v3+s18+$0x0], $0xffff  }
0x30e: {  	s17 =	sadd.s32 $0x2, s17;
	s19 =	sadd.s32 $0x100, s0  }
0x30f: {  	v4 =	vor.u32 s19, v0;
	_ =	sdelay $0x2  }
0x310: {  	s1 =	sadd.s32 $0x10, s1  }
0x311: {  	[tilespmem:s1+$0x0] =	vst v3  }
0x312: {  	v3 =	vld.idx.msk [tilespmem:v4+s15+$0x0], $0xffff;
	_ =	sdelay $0x3  }
0x313: {  	v4 =	vmov s0  }
0x314: {  	v4 =	vshll.u32 v4, $0x7;
	v3 =	vshll.u32 v3, $0x3  }
0x315: {  	v4 =	vor.u32 v2, v4;
	v3 =	vand.u32 $0x78, v3  }
0x316: {  	v3 =	vor.u32 v4, v3  }
0x317: {  	v3 =	vor.u32 v1, v3;
	_ =	sdelay $0x4  }
0x318: {  	v3 =	vld.idx.msk [tilespmem:v3+s18+$0x0], $0xffff;
	_ =	sdelay $0x2  }
0x319: {  	s19 =	simm.s32 $0x180  }
0x31a: {  	s1 =	sadd.s32 $0x10, s1;
	v4 =	vor.u32 s19, v0  }
0x31b: {  	[tilespmem:s1+$0x0] =	vst v3  }
0x31c: {  	_ =	swait.ge [sflag:s23], $0x4000  }
0x31d: {  	[sflag:s23] =	ssyncset.done $0x0  }
0x31e: {  	[sflag:s23] =	ssyncadd.s32 $0xFFFFC000  }
0x31f: {  	v3 =	vld.idx.msk [tilespmem:v4+s15+$0x0], $0xffff;
	_ =	sdelay $0x2  }
0x320: {  	s1 =	simm.s32 $0x0  }
0x321: {  	v4 =	vmov s1  }
0x322: {  	v4 =	vshll.u32 v4, $0x7;
	v3 =	vshll.u32 v3, $0x3  }
0x323: {  	v4 =	vor.u32 v2, v4;
	v3 =	vand.u32 $0x78, v3  }
0x324: {  	v3 =	vor.u32 v4, v3  }
0x325: {  	v3 =	vor.u32 v1, v3;
	_ =	sdelay $0x4  }
0x326: {  	s17 =	simm.s32 $0x182;
	v3 =	vld.idx.msk [tilespmem:v3+s20+$0x0], $0xffff  }
0x327: {  	v4 =	vor.u32 s17, v0;
	_ =	sdelay $0x2  }
0x328: {  	s1 =	simm.s32 $0xC400  }
0x329: {  	[tilespmem:s1+$0x0] =	vst v3  }
0x32a: {  	v3 =	vld.idx.msk [tilespmem:v4+s15+$0x0], $0xffff;
	_ =	sdelay $0x2  }
0x32b: {  	s19 =	simm.s32 $0x2  }
0x32c: {  	v4 =	vmov s19  }
0x32d: {  	v4 =	vshll.u32 v4, $0x7;
	v3 =	vshll.u32 v3, $0x3  }
0x32e: {  	v4 =	vor.u32 v2, v4;
	v3 =	vand.u32 $0x78, v3  }
0x32f: {  	v3 =	vor.u32 v4, v3  }
0x330: {  	v3 =	vor.u32 v1, v3;
	_ =	sdelay $0x4  }
0x331: {  	s0 =	simm.s32 $0x4;
	s17 =	simm.s32 $0x6;
	s19 =	simm.s32 $0x184;
	v3 =	vld.idx.msk [tilespmem:v3+s20+$0x0], $0xffff  }
.LBB2_32:
0x332: {  	p0 =	sne.s32 s17, $0x7E;
	v4 =	vor.u32 s19, v0;
	_ =	sdelay $0x2  }
0x333: {  	s1 =	sadd.s32 $0x10, s1  }
0x334: {  	[tilespmem:s1+$0x0] =	vst v3  }
0x335: {  	v3 =	vld.idx.msk [tilespmem:v4+s15+$0x0], $0xffff;
	_ =	sdelay $0x4  }
0x336: {  	v4 =	vmov s0;
	s0 =	smov.u32 s17  }
0x337: {  	v4 =	vshll.u32 v4, $0x7;
	v3 =	vshll.u32 v3, $0x3  }
0x338: {  	v4 =	vor.u32 v2, v4;
	v3 =	vand.u32 $0x78, v3  }
0x339: {  	v3 =	vor.u32 v4, v3  }
0x33a: {  	v3 =	vor.u32 v1, v3;
	_ =	sdelay $0x1  }
.Ltmp15:
0x33b: {  	(pc) =	sbr.rel @p0 .LBB2_32-.Ltmp15, $3  }
0x33c: {  	_ =	sdelay $0x1  }
0x33d: {  	v3 =	vld.idx.msk [tilespmem:v3+s20+$0x0], $0xffff  }
0x33e: {  	s17 =	sadd.s32 $0x2, s17;
	s19 =	sadd.s32 $0x180, s0  }
0x33f: {  	v4 =	vor.u32 s19, v0;
	_ =	sdelay $0x2  }
0x340: {  	s1 =	sadd.s32 $0x10, s1  }
0x341: {  	[tilespmem:s1+$0x0] =	vst v3  }
0x342: {  	v3 =	vld.idx.msk [tilespmem:v4+s15+$0x0], $0xffff;
	_ =	sdelay $0x3  }
0x343: {  	v63 =	vmov s0  }
0x344: {  	v4 =	vshll.u32 v63, $0x7;
	v3 =	vshll.u32 v3, $0x3  }
0x345: {  	v4 =	vor.u32 v2, v4;
	v3 =	vand.u32 $0x78, v3  }
0x346: {  	v3 =	vor.u32 v4, v3  }
0x347: {  	v3 =	vor.u32 v1, v3;
	_ =	sdelay $0x4  }
0x348: {  	v3 =	vld.idx.msk [tilespmem:v3+s20+$0x0], $0xffff;
	_ =	sdelay $0x3  }
0x349: {  	s19 =	sadd.s32 $0x10, s1  }
0x34a: {  	[tilespmem:s19+$0x0] =	vst v3  }
0x34b: {  	[hbm4b:s8+s2] =	stream.linear.scatter [tilespmem:s30], [sflag:$0x3], $0x1000, $0x38;
	[tilespmem:$0xC800] =	vst v63  }
0x34c: {  	_ =	swait.ge [sflag:s14], $0x1000  }
0x34d: {  	[sflag:s14] =	ssyncset.done $0x0  }
0x34e: {  	s1 =	simm.s32 $0x9800;
	[sflag:s14] =	ssyncadd.s32 $0xFFFFF000  }
0x34f: {  	[hbm4b:s9+s2] =	stream.linear.scatter [tilespmem:s1], [sflag:$0x3], $0x1000, $0x38;
	[tilespmem:$0xC800] =	vst v63  }
0x350: {  	_ =	swait.ge [sflag:s14], $0x1000  }
0x351: {  	[sflag:s14] =	ssyncset.done $0x0  }
0x352: {  	s17 =	simm.s32 $0xA800;
	[sflag:s14] =	ssyncadd.s32 $0xFFFFF000  }
0x353: {  	[hbm4b:s11+s2] =	stream.linear.scatter [tilespmem:s17], [sflag:$0x3], $0x1000, $0x38;
	[tilespmem:$0xC800] =	vst v63  }
0x354: {  	s31 =	sadd.s32 $0x1, s31;
	_ =	swait.ge [sflag:s14], $0x1000  }
0x355: {  	p0 =	sne.s32 s31, s13;
	[sflag:s14] =	ssyncset.done $0x0  }
.Ltmp16:
0x356: {  	s19 =	simm.s32 $0xB800;
	[sflag:s14] =	ssyncadd.s32 $0xFFFFF000;
	(pc) =	sbr.rel @p0 .LBB2_1-.Ltmp16, $4  }
0x357: {  	[hbm4b:s12+s2] =	stream.linear.scatter [tilespmem:s19], [sflag:$0x3], $0x1000, $0x38;
	[tilespmem:$0xC800] =	vst v63  }
0x358: {  	_ =	swait.ge [sflag:s14], $0x1000  }
0x359: {  	[sflag:s14] =	ssyncset.done $0x0  }
0x35a: {  	[sflag:s14] =	ssyncadd.s32 $0xFFFFF000  }
0x35b: {  	_ =	sfence.sel $0x180000  }
0x35c: {  	[bflag:$0x0] =	sbarrier.arrive $0xFFFF  }
0x35d: {  	_ =	strace $0x90000047  }
0x35e: {  	s0 =	stileid.u32;
	[bflag:$0x2] =	sbarrier.arrive $0xFFFF  }
0x35f: {  	p0 =	sne.s32 s0, $0x0;
	s0 =	rddreg [dreg:$0x2]  }
0x360: {  	s0 =	sadd.s32 @!p0 $0x100000, s0  }
0x361: {  	[sflag:s0] =	ssyncadd.tile.s32 @!p0 $0x1;
	_ =	shalt  }
.Lfunc_end2:
_tile_overlayer_lowered:
.L_overlay_start_2:
0x362: {  	(tag) =	ssettag $0x2  }
0x363: {  	s0 =	rddreg [dreg:$0x0];
	s2 =	stileid.u32  }
0x364: {  	s1 =	rddreg [dreg:$0x1];
	p0 =	sne.s32 s2, $0x0  }
0x365: {  	s3 =	rddreg [dreg:$0x2];
	[bflag:$0x3] =	sbarrier.arrive $0xFFFF;
	s2 =	simm.s32 @!p0 $0x1C03  }
0x366: {  	[timem:s3], [sflag:s2] =	dma.local @!p0 [hbm:s0], s1  }
0x367: {  	s0 =	simm.s32 @!p0 $0x3  }
0x368: {  	_ =	swait.ge @!p0 [sflag:s0], s1  }
0x369: {  	s1 =	ssub.s32 @!p0 $0x0, s1;
	[sflag:s0] =	ssyncset.done @!p0 $0x0  }
0x36a: {  	[sflag:s0] =	ssyncadd.s32 @!p0 s1  }
0x36b: {  	[bflag:$0x3] =	sbarrier.arrive $0xFFFF  }
0x36c: {  	_ =	shalt  }

</sc_bundles>
